<compile_context>
chip_gen: v7x
topology: tpu7x:2x2x1
jax: 0.10.2.dev20260603
libtpu: 0.0.44.dev20260713+nightly
codegen_flags: <defaults>
</compile_context>

<pallas_src>
import functools
import math
import random

import numpy as np
import jax
import jax.numpy as jnp
from jax import lax
from jax.experimental import pallas as pl
from jax.experimental.pallas import tpu as pltpu
from jax.experimental.pallas import tpu_sc as plsc

LANES = 16
NBUF = 4
TC_BLOCK = 48


def _distortion_indices(h, w, a_max=3, r_max=0.7):
    random.seed(0)
    cols = h
    rows = w
    center_rows = int(np.round(random.uniform(1, rows - 2)))
    center_cols = int(np.round(random.uniform(1, cols - 2)))
    radius = random.uniform(0.03 * max(rows, cols), r_max * max(rows, cols))
    choice = random.randint(0, 1)
    spect_ratio1 = 1
    spect_ratio2 = 1
    if choice == 1:
        spect_ratio1 = random.uniform(1, a_max)
    else:
        spect_ratio2 = random.uniform(1, a_max)
    cols_np = np.arange(cols)
    rows_np = np.arange(rows)
    cols_np_t = np.tile(cols_np, (rows, 1))
    cols_pow = np.power(cols_np_t - center_cols, 2)
    rows_np_t = np.tile(rows_np, (cols, 1))
    rows_pow = np.power(rows_np_t - center_rows, 2)
    dis = np.sqrt(cols_pow + rows_pow.transpose())
    judge = (spect_ratio1 * np.abs(rows_np_t - center_rows).transpose()
             + spect_ratio2 * np.abs(cols_np_t - center_cols))
    index = np.where(judge <= radius)
    index_rows = np.rint(index[0]).astype(np.int64)
    index_cols = np.rint(index[1]).astype(np.int64)
    dis_val = dis[index]
    old_i = np.floor(dis_val / radius * (index_rows - center_rows) + center_rows)
    old_j = np.floor(dis_val / radius * (index_cols - center_cols) + center_cols)
    return (index_rows, index_cols,
            old_i.astype(np.int64), old_j.astype(np.int64))


def _band_patch_indices(h, w):
    ir, ic, oi, oj = _distortion_indices(h, w)
    oi = np.where(oi < 0, oi + h, oi).clip(0, h - 1)
    oj = np.where(oj < 0, oj + w, oj).clip(0, w - 1)
    r0 = int(min(ir.min(), oi.min())) // 8 * 8
    r1 = -(-(int(max(ir.max(), oi.max())) + 1) // 8) * 8
    nr = r1 - r0
    k = ir.shape[0]
    k_pad = math.ceil(k / LANES) * LANES
    pad = lambda a: np.concatenate(
        [a, np.full(k_pad - k, a[-1])]).astype(np.int32)
    return r0, nr, pad(oi - r0), pad(oj), pad(ir - r0), pad(ic)


@functools.cache
def _build_sc_band_call(n_slices, h, w, r0, nr, k_pad):
    info = plsc.get_sparse_core_info()
    nc, ns = info.num_cores, info.num_subcores
    n_workers = nc * ns
    assert n_slices % n_workers == 0
    per_worker = n_slices // n_workers
    assert per_worker % NBUF == 0
    n_chunks = k_pad // LANES
    mesh = plsc.VectorSubcoreMesh(core_axis_name="c", subcore_axis_name="s")

    @functools.partial(
        pl.kernel,
        mesh=mesh,
        out_type=jax.ShapeDtypeStruct((n_slices, nr, w), jnp.float32),
        compiler_params=pltpu.CompilerParams(needs_layout_passes=False),
        scratch_types=[
            pltpu.VMEM((k_pad,), jnp.int32),
            pltpu.VMEM((k_pad,), jnp.int32),
            pltpu.VMEM((k_pad,), jnp.int32),
            pltpu.VMEM((k_pad,), jnp.int32),
            pltpu.VMEM((k_pad,), jnp.float32),
        ] + [pltpu.VMEM((nr, w), jnp.float32) for _ in range(NBUF)]
          + [pltpu.SemaphoreType.DMA for _ in range(2 * NBUF)],
    )
    def sc_band(feat_hbm, gr_hbm, gc_hbm, dr_hbm, dc_hbm, band_hbm,
                gr_v, gc_v, dr_v, dc_v, vals_v, *bufs_and_sems):
        bufs = bufs_and_sems[:NBUF]
        lsems = bufs_and_sems[NBUF:2 * NBUF]
        ssems = bufs_and_sems[2 * NBUF:]
        wid = lax.axis_index("s") * nc + lax.axis_index("c")
        sl0 = wid * per_worker
        pltpu.sync_copy(gr_hbm, gr_v)
        pltpu.sync_copy(gc_hbm, gc_v)
        pltpu.sync_copy(dr_hbm, dr_v)
        pltpu.sync_copy(dc_hbm, dc_v)

        def start_load(sl, b):
            pltpu.async_copy(feat_hbm.at[sl, pl.ds(r0, nr)], bufs[b],
                             lsems[b])

        def wait_load(b):
            pltpu.make_async_copy(feat_hbm.at[0, pl.ds(r0, nr)], bufs[b],
                                  lsems[b]).wait()

        def start_store(sl, b):
            pltpu.async_copy(bufs[b], band_hbm.at[sl], ssems[b])

        def wait_store(b):
            pltpu.make_async_copy(bufs[b], band_hbm.at[0],
                                  ssems[b]).wait()

        for b in range(NBUF):
            start_load(sl0 + b, b)

        def do_group(g, _):
            for b in range(NBUF):
                i = g * NBUF + b
                buf = bufs[b]
                wait_load(b)

                def gather_chunk(t, _):
                    sel = pl.ds(t * LANES, LANES)
                    vals_v[sel] = plsc.load_gather(
                        buf, [gr_v[sel], gc_v[sel]])
                    return 0

                lax.fori_loop(0, n_chunks, gather_chunk, 0, unroll=8)

                def scatter_chunk(t, _):
                    sel = pl.ds(t * LANES, LANES)
                    plsc.store_scatter(buf, [dr_v[sel], dc_v[sel]],
                                       vals_v[sel])
                    return 0

                lax.fori_loop(0, n_chunks, scatter_chunk, 0, unroll=8)
                start_store(sl0 + i, b)

                @pl.when(i + NBUF < per_worker)
                def _prefetch():
                    wait_store(b)
                    start_load(sl0 + i + NBUF, b)
            return 0

        lax.fori_loop(0, per_worker // NBUF, do_group, 0)
        for b in range(NBUF):
            wait_store(b)

    return sc_band


@functools.cache
def _build_tc_paste_call(n_slices, h, w, r0, nr):
    def tc_body(feat_ref, band_ref, out_ref):
        out_ref[:, :r0, :] = feat_ref[:, :r0, :]
        out_ref[:, r0:r0 + nr, :] = band_ref[...]
        out_ref[:, r0 + nr:, :] = feat_ref[:, r0 + nr:, :]

    grid = (n_slices // TC_BLOCK,)
    return pl.pallas_call(
        tc_body,
        grid=grid,
        in_specs=[
            pl.BlockSpec((TC_BLOCK, h, w), lambda i: (i, 0, 0)),
            pl.BlockSpec((TC_BLOCK, nr, w), lambda i: (i, 0, 0)),
        ],
        out_specs=pl.BlockSpec((TC_BLOCK, h, w), lambda i: (i, 0, 0)),
        out_shape=jax.ShapeDtypeStruct((n_slices, h, w), jnp.float32),
        compiler_params=pltpu.CompilerParams(
            dimension_semantics=("arbitrary",),
            vmem_limit_bytes=100_000_000),
    )


def kernel(feature):
    b, c, h, w = feature.shape
    r0, nr, gr, gc, dr, dc = _band_patch_indices(h, w)
    n_slices = b * c
    feat3 = feature.reshape(n_slices, h, w)
    sc_band = _build_sc_band_call(n_slices, h, w, r0, nr, gr.shape[0])
    band = sc_band(feat3, jnp.asarray(gr), jnp.asarray(gc),
                   jnp.asarray(dr), jnp.asarray(dc))
    tc_paste = _build_tc_paste_call(n_slices, h, w, r0, nr)
    out = tc_paste(feat3, band)
    return out.reshape(b, c, h, w)

# --- scband reference (transcript-rebuilt; emitter-appended) ---
"""Pipeline reference for scband-scale-layer-30717606101197 (READ-ONLY COPY).

The authoritative reference and input builder live on the scoring server;
editing this copy changes nothing except your own understanding.
"""

import jax, jax.numpy as jnp
import numpy as np
import random


def _compute_indices(h, w, a_max=3, r_max=0.7):
    # Deterministic re-implementation of the module's internal RNG draws.
    random.seed(0)
    cols = h
    rows = w
    center_rows = int(np.round(random.uniform(1, rows - 2)))
    center_cols = int(np.round(random.uniform(1, cols - 2)))
    radius = random.uniform(0.03 * max(rows, cols), r_max * max(rows, cols))
    choice = random.randint(0, 1)
    spect_ratio1 = 1
    spect_ratio2 = 1
    if choice == 1:
        spect_ratio1 = random.uniform(1, a_max)
    else:
        spect_ratio2 = random.uniform(1, a_max)
    cols_np = np.arange(cols)
    rows_np = np.arange(rows)
    cols_np_t = np.tile(cols_np, (rows, 1))
    cols_pow = np.power(cols_np_t - center_cols, 2)
    rows_np_t = np.tile(rows_np, (cols, 1))
    rows_pow = np.power(rows_np_t - center_rows, 2)
    dis = np.sqrt(cols_pow + rows_pow.transpose())
    judge = spect_ratio1 * np.abs(rows_np_t - center_rows).transpose() + spect_ratio2 * np.abs(cols_np_t - center_cols)
    index = np.where(judge <= radius)
    index_rows = np.rint(index[0]).astype('int64')
    index_cols = np.rint(index[1]).astype('int64')
    dis_val = dis[index]
    old_i = np.floor(dis_val / radius * (index_rows - center_rows) + center_rows).astype('int64')
    old_j = np.floor(dis_val / radius * (index_cols - center_cols) + center_cols).astype('int64')
    return index_rows, index_cols, old_i, old_j


def setup_inputs(seed: int = 0) -> dict:
    key = jax.random.key(seed)
    feature = jax.random.normal(key, (2, 384, 224, 224), dtype=jnp.float32)
    return {"feature": feature}


def reference(feature):
    b, c, h, w = feature.shape
    index_rows, index_cols, old_i, old_j = _compute_indices(h, w, a_max=3, r_max=0.7)
    ir = jnp.asarray(index_rows)
    ic = jnp.asarray(index_cols)
    oi = jnp.asarray(old_i)
    oj = jnp.asarray(old_j)
    # gather source pixels: shape [b, c, K]
    src = feature[:, :, oi, oj]
    # scatter-overwrite into the distorted positions
    new_img = feature.at[:, :, ir, ic].set(src)
    return new_img

if __name__ == "__main__":
    import jax
    _d = setup_inputs()
    print(jax.jit(kernel)(*tuple(_d.values())))

</pallas_src>

<mosaic_0001>
#map = affine_map<(d0, d1) -> (0, 0, 0)>
#map1 = affine_map<(d0, d1) -> (0)>
module attributes {stable_mosaic.version = 14 : i64} {
  func.func @sc_band(%arg0: i32, %arg1: i32, %arg2: memref<768x224x224xf32, #tpu.memory_space<hbm>>, %arg3: memref<3264xi32, #tpu.memory_space<hbm>>, %arg4: memref<3264xi32, #tpu.memory_space<hbm>>, %arg5: memref<3264xi32, #tpu.memory_space<hbm>>, %arg6: memref<3264xi32, #tpu.memory_space<hbm>>, %arg7: memref<768x56x224xf32, #tpu.memory_space<hbm>>, %arg8: memref<3264xi32, #tpu.memory_space<vmem>>, %arg9: memref<3264xi32, #tpu.memory_space<vmem>>, %arg10: memref<3264xi32, #tpu.memory_space<vmem>>, %arg11: memref<3264xi32, #tpu.memory_space<vmem>>, %arg12: memref<3264xf32, #tpu.memory_space<vmem>>, %arg13: memref<56x224xf32, #tpu.memory_space<vmem>>, %arg14: memref<56x224xf32, #tpu.memory_space<vmem>>, %arg15: memref<56x224xf32, #tpu.memory_space<vmem>>, %arg16: memref<56x224xf32, #tpu.memory_space<vmem>>, %arg17: memref<!tpu.dma_semaphore, #tpu.memory_space<semaphore_mem>>, %arg18: memref<!tpu.dma_semaphore, #tpu.memory_space<semaphore_mem>>, %arg19: memref<!tpu.dma_semaphore, #tpu.memory_space<semaphore_mem>>, %arg20: memref<!tpu.dma_semaphore, #tpu.memory_space<semaphore_mem>>, %arg21: memref<!tpu.dma_semaphore, #tpu.memory_space<semaphore_mem>>, %arg22: memref<!tpu.dma_semaphore, #tpu.memory_space<semaphore_mem>>, %arg23: memref<!tpu.dma_semaphore, #tpu.memory_space<semaphore_mem>>, %arg24: memref<!tpu.dma_semaphore, #tpu.memory_space<semaphore_mem>>) attributes {dimension_semantics = [#tpu.dimension_semantics<core_parallel>, #tpu.dimension_semantics<subcore_parallel>], iteration_bounds = array<i64: 2, 16>, scalar_prefetch = 0 : i64, scratch_operands = 17 : i64, tpu.core_type = #tpu.core_type<sc_vector_subcore>, window_params = [{transform_indices = #map}, {transform_indices = #map1}, {transform_indices = #map1}, {transform_indices = #map1}, {transform_indices = #map1}, {transform_indices = #map}]} {
    %mul3A = arith.constant 2 : i32
    %mul3A_0 = arith.muli %arg1, %mul3A : i32
    %add3A = arith.addi %mul3A_0, %arg0 : i32
    %mul3A_1 = arith.constant 24 : i32
    %mul3A_2 = arith.muli %add3A, %mul3A_1 : i32
    "tpu.region"() ({
      %run_scoped3A = tpu.sem_alloc : memref<!tpu.dma_semaphore, #tpu.memory_space<semaphore_mem>>
      tpu.enqueue_dma source(%arg3 : memref<3264xi32, #tpu.memory_space<hbm>>) target(%arg8 : memref<3264xi32, #tpu.memory_space<vmem>>) target_semaphore(%run_scoped3A : memref<!tpu.dma_semaphore, #tpu.memory_space<semaphore_mem>>)
      tpu.wait_dma2 semaphore(%run_scoped3A : memref<!tpu.dma_semaphore, #tpu.memory_space<semaphore_mem>>) src(%arg3 : memref<3264xi32, #tpu.memory_space<hbm>>) dst(%arg8 : memref<3264xi32, #tpu.memory_space<vmem>>)
      tpu.yield
    }) : () -> ()
    "tpu.region"() ({
      %run_scoped3A = tpu.sem_alloc : memref<!tpu.dma_semaphore, #tpu.memory_space<semaphore_mem>>
      tpu.enqueue_dma source(%arg4 : memref<3264xi32, #tpu.memory_space<hbm>>) target(%arg9 : memref<3264xi32, #tpu.memory_space<vmem>>) target_semaphore(%run_scoped3A : memref<!tpu.dma_semaphore, #tpu.memory_space<semaphore_mem>>)
      tpu.wait_dma2 semaphore(%run_scoped3A : memref<!tpu.dma_semaphore, #tpu.memory_space<semaphore_mem>>) src(%arg4 : memref<3264xi32, #tpu.memory_space<hbm>>) dst(%arg9 : memref<3264xi32, #tpu.memory_space<vmem>>)
      tpu.yield
    }) : () -> ()
    "tpu.region"() ({
      %run_scoped3A = tpu.sem_alloc : memref<!tpu.dma_semaphore, #tpu.memory_space<semaphore_mem>>
      tpu.enqueue_dma source(%arg5 : memref<3264xi32, #tpu.memory_space<hbm>>) target(%arg10 : memref<3264xi32, #tpu.memory_space<vmem>>) target_semaphore(%run_scoped3A : memref<!tpu.dma_semaphore, #tpu.memory_space<semaphore_mem>>)
      tpu.wait_dma2 semaphore(%run_scoped3A : memref<!tpu.dma_semaphore, #tpu.memory_space<semaphore_mem>>) src(%arg5 : memref<3264xi32, #tpu.memory_space<hbm>>) dst(%arg10 : memref<3264xi32, #tpu.memory_space<vmem>>)
      tpu.yield
    }) : () -> ()
    "tpu.region"() ({
      %run_scoped3A = tpu.sem_alloc : memref<!tpu.dma_semaphore, #tpu.memory_space<semaphore_mem>>
      tpu.enqueue_dma source(%arg6 : memref<3264xi32, #tpu.memory_space<hbm>>) target(%arg11 : memref<3264xi32, #tpu.memory_space<vmem>>) target_semaphore(%run_scoped3A : memref<!tpu.dma_semaphore, #tpu.memory_space<semaphore_mem>>)
      tpu.wait_dma2 semaphore(%run_scoped3A : memref<!tpu.dma_semaphore, #tpu.memory_space<semaphore_mem>>) src(%arg6 : memref<3264xi32, #tpu.memory_space<hbm>>) dst(%arg11 : memref<3264xi32, #tpu.memory_space<vmem>>)
      tpu.yield
    }) : () -> ()
    %add3A_3 = arith.constant 0 : i32
    %add3A_4 = arith.addi %mul3A_2, %add3A_3 : i32
    %dma_start3A = arith.constant 160 : i32
    %dma_start3A_5 = arith.constant 0 : i32
    %dma_start3A_6 = tpu.memref_slice %arg2[%add3A_4, %dma_start3A, %dma_start3A_5] : memref<768x224x224xf32, #tpu.memory_space<hbm>> -> memref<1x56x224xf32, #tpu.memory_space<hbm>>
    %dma_start3A_7 = tpu.memref_squeeze %dma_start3A_6 : memref<1x56x224xf32, #tpu.memory_space<hbm>> -> memref<56x224xf32, #tpu.memory_space<hbm>>
    %dma_start3A_8 = arith.constant 160 : i32
    %dma_start3A_9 = arith.constant 0 : i32
    %dma_start3A_10 = tpu.memref_slice %arg2[%add3A_4, %dma_start3A_8, %dma_start3A_9] : memref<768x224x224xf32, #tpu.memory_space<hbm>> -> memref<1x56x224xf32, #tpu.memory_space<hbm>>
    %dma_start3A_11 = tpu.memref_squeeze %dma_start3A_10 : memref<1x56x224xf32, #tpu.memory_space<hbm>> -> memref<56x224xf32, #tpu.memory_space<hbm>>
    tpu.enqueue_dma source(%dma_start3A_11 : memref<56x224xf32, #tpu.memory_space<hbm>>) target(%arg13 : memref<56x224xf32, #tpu.memory_space<vmem>>) target_semaphore(%arg17 : memref<!tpu.dma_semaphore, #tpu.memory_space<semaphore_mem>>)
    %add3A_12 = arith.constant 1 : i32
    %add3A_13 = arith.addi %mul3A_2, %add3A_12 : i32
    %dma_start3A_14 = arith.constant 160 : i32
    %dma_start3A_15 = arith.constant 0 : i32
    %dma_start3A_16 = tpu.memref_slice %arg2[%add3A_13, %dma_start3A_14, %dma_start3A_15] : memref<768x224x224xf32, #tpu.memory_space<hbm>> -> memref<1x56x224xf32, #tpu.memory_space<hbm>>
    %dma_start3A_17 = tpu.memref_squeeze %dma_start3A_16 : memref<1x56x224xf32, #tpu.memory_space<hbm>> -> memref<56x224xf32, #tpu.memory_space<hbm>>
    %dma_start3A_18 = arith.constant 160 : i32
    %dma_start3A_19 = arith.constant 0 : i32
    %dma_start3A_20 = tpu.memref_slice %arg2[%add3A_13, %dma_start3A_18, %dma_start3A_19] : memref<768x224x224xf32, #tpu.memory_space<hbm>> -> memref<1x56x224xf32, #tpu.memory_space<hbm>>
    %dma_start3A_21 = tpu.memref_squeeze %dma_start3A_20 : memref<1x56x224xf32, #tpu.memory_space<hbm>> -> memref<56x224xf32, #tpu.memory_space<hbm>>
    tpu.enqueue_dma source(%dma_start3A_21 : memref<56x224xf32, #tpu.memory_space<hbm>>) target(%arg14 : memref<56x224xf32, #tpu.memory_space<vmem>>) target_semaphore(%arg18 : memref<!tpu.dma_semaphore, #tpu.memory_space<semaphore_mem>>)
    %add3A_22 = arith.constant 2 : i32
    %add3A_23 = arith.addi %mul3A_2, %add3A_22 : i32
    %dma_start3A_24 = arith.constant 160 : i32
    %dma_start3A_25 = arith.constant 0 : i32
    %dma_start3A_26 = tpu.memref_slice %arg2[%add3A_23, %dma_start3A_24, %dma_start3A_25] : memref<768x224x224xf32, #tpu.memory_space<hbm>> -> memref<1x56x224xf32, #tpu.memory_space<hbm>>
    %dma_start3A_27 = tpu.memref_squeeze %dma_start3A_26 : memref<1x56x224xf32, #tpu.memory_space<hbm>> -> memref<56x224xf32, #tpu.memory_space<hbm>>
    %dma_start3A_28 = arith.constant 160 : i32
    %dma_start3A_29 = arith.constant 0 : i32
    %dma_start3A_30 = tpu.memref_slice %arg2[%add3A_23, %dma_start3A_28, %dma_start3A_29] : memref<768x224x224xf32, #tpu.memory_space<hbm>> -> memref<1x56x224xf32, #tpu.memory_space<hbm>>
    %dma_start3A_31 = tpu.memref_squeeze %dma_start3A_30 : memref<1x56x224xf32, #tpu.memory_space<hbm>> -> memref<56x224xf32, #tpu.memory_space<hbm>>
    tpu.enqueue_dma source(%dma_start3A_31 : memref<56x224xf32, #tpu.memory_space<hbm>>) target(%arg15 : memref<56x224xf32, #tpu.memory_space<vmem>>) target_semaphore(%arg19 : memref<!tpu.dma_semaphore, #tpu.memory_space<semaphore_mem>>)
    %add3A_32 = arith.constant 3 : i32
    %add3A_33 = arith.addi %mul3A_2, %add3A_32 : i32
    %dma_start3A_34 = arith.constant 160 : i32
    %dma_start3A_35 = arith.constant 0 : i32
    %dma_start3A_36 = tpu.memref_slice %arg2[%add3A_33, %dma_start3A_34, %dma_start3A_35] : memref<768x224x224xf32, #tpu.memory_space<hbm>> -> memref<1x56x224xf32, #tpu.memory_space<hbm>>
    %dma_start3A_37 = tpu.memref_squeeze %dma_start3A_36 : memref<1x56x224xf32, #tpu.memory_space<hbm>> -> memref<56x224xf32, #tpu.memory_space<hbm>>
    %dma_start3A_38 = arith.constant 160 : i32
    %dma_start3A_39 = arith.constant 0 : i32
    %dma_start3A_40 = tpu.memref_slice %arg2[%add3A_33, %dma_start3A_38, %dma_start3A_39] : memref<768x224x224xf32, #tpu.memory_space<hbm>> -> memref<1x56x224xf32, #tpu.memory_space<hbm>>
    %dma_start3A_41 = tpu.memref_squeeze %dma_start3A_40 : memref<1x56x224xf32, #tpu.memory_space<hbm>> -> memref<56x224xf32, #tpu.memory_space<hbm>>
    tpu.enqueue_dma source(%dma_start3A_41 : memref<56x224xf32, #tpu.memory_space<hbm>>) target(%arg16 : memref<56x224xf32, #tpu.memory_space<vmem>>) target_semaphore(%arg20 : memref<!tpu.dma_semaphore, #tpu.memory_space<semaphore_mem>>)
    %scan3A = arith.constant 0 : i32
    %scan3A_42 = arith.constant 0 : i32
    %scan3A_43 = arith.constant 6 : i32
    %scan3A_44 = arith.addi %scan3A_42, %scan3A_43 : i32
    %scan3A_45 = arith.constant 1 : i32
    %scan3A_46 = scf.for %scan3A_83 = %scan3A_42 to %scan3A_44 step %scan3A_45 iter_args(%scan3A_84 = %scan3A) -> (i32)  : i32 {
      %mul3A_85 = arith.constant 4 : i32
      %mul3A_86 = arith.muli %scan3A_83, %mul3A_85 : i32
      %add3A_87 = arith.constant 0 : i32
      %add3A_88 = arith.addi %mul3A_86, %add3A_87 : i32
      %dma_wait3A_89 = arith.constant 0 : i32
      %dma_wait3A_90 = arith.constant 160 : i32
      %dma_wait3A_91 = arith.constant 0 : i32
      %dma_wait3A_92 = tpu.memref_slice %arg2[%dma_wait3A_89, %dma_wait3A_90, %dma_wait3A_91] : memref<768x224x224xf32, #tpu.memory_space<hbm>> -> memref<1x56x224xf32, #tpu.memory_space<hbm>>
      %dma_wait3A_93 = tpu.memref_squeeze %dma_wait3A_92 : memref<1x56x224xf32, #tpu.memory_space<hbm>> -> memref<56x224xf32, #tpu.memory_space<hbm>>
      %dma_wait3A_94 = arith.constant 160 : i32
      %dma_wait3A_95 = arith.constant 0 : i32
      %dma_wait3A_96 = tpu.memref_slice %arg2[%dma_wait3A_89, %dma_wait3A_94, %dma_wait3A_95] : memref<768x224x224xf32, #tpu.memory_space<hbm>> -> memref<1x56x224xf32, #tpu.memory_space<hbm>>
      %dma_wait3A_97 = tpu.memref_squeeze %dma_wait3A_96 : memref<1x56x224xf32, #tpu.memory_space<hbm>> -> memref<56x224xf32, #tpu.memory_space<hbm>>
      tpu.wait_dma2 semaphore(%arg17 : memref<!tpu.dma_semaphore, #tpu.memory_space<semaphore_mem>>) src(%dma_wait3A_97 : memref<56x224xf32, #tpu.memory_space<hbm>>) dst(%arg13 : memref<56x224xf32, #tpu.memory_space<vmem>>)
      %scan3A_98 = arith.constant 0 : i32
      %scan3A_99 = arith.constant 0 : i32
      %scan3A_100 = arith.constant 200 : i32
      %scan3A_101 = arith.addi %scan3A_99, %scan3A_100 : i32
      %scan3A_102 = arith.constant 8 : i32
      %scan3A_103 = scf.for %scan3A_620 = %scan3A_99 to %scan3A_101 step %scan3A_102 iter_args(%scan3A_621 = %scan3A_98) -> (i32)  : i32 {
        %mul3A_622 = arith.constant 16 : i32
        %mul3A_623 = arith.muli %scan3A_620, %mul3A_622 : i32
        %get3A_624 = arith.index_cast %mul3A_623 : i32 to index
        %get3A_625 = tpu.vector_load %arg8[%get3A_624] {strides = array<i32>} : memref<3264xi32, #tpu.memory_space<vmem>>, vector<16xi32>,
        %get3A_626 = arith.index_cast %mul3A_623 : i32 to index
        %get3A_627 = tpu.vector_load %arg9[%get3A_626] {strides = array<i32>} : memref<3264xi32, #tpu.memory_space<vmem>>, vector<16xi32>,
        %gather3A_628 = tpu.vector_load_idx %arg13[%get3A_625, %get3A_627] : memref<56x224xf32, #tpu.memory_space<vmem>>[vector<16xi32>, vector<16xi32>], vector<16xf32>,
        %swap3A_629 = arith.index_cast %mul3A_623 : i32 to index
        %swap3A_630 = tpu.vector_load %arg12[%swap3A_629] {strides = array<i32>} : memref<3264xf32, #tpu.memory_space<vmem>>, vector<16xf32>,
        tpu.vector_store %arg12[%swap3A_629], %gather3A_628 {strides = array<i32>} : memref<3264xf32, #tpu.memory_space<vmem>>, vector<16xf32>,
        %scan3A_631 = arith.constant 0 : i32
        %scan3A_632 = arith.constant 1 : i32
        %scan3A_633 = arith.addi %scan3A_620, %scan3A_632 : i32
        %mul3A_634 = arith.constant 16 : i32
        %mul3A_635 = arith.muli %scan3A_633, %mul3A_634 : i32
        %get3A_636 = arith.index_cast %mul3A_635 : i32 to index
        %get3A_637 = tpu.vector_load %arg8[%get3A_636] {strides = array<i32>} : memref<3264xi32, #tpu.memory_space<vmem>>, vector<16xi32>,
        %get3A_638 = arith.index_cast %mul3A_635 : i32 to index
        %get3A_639 = tpu.vector_load %arg9[%get3A_638] {strides = array<i32>} : memref<3264xi32, #tpu.memory_space<vmem>>, vector<16xi32>,
        %gather3A_640 = tpu.vector_load_idx %arg13[%get3A_637, %get3A_639] : memref<56x224xf32, #tpu.memory_space<vmem>>[vector<16xi32>, vector<16xi32>], vector<16xf32>,
        %swap3A_641 = arith.index_cast %mul3A_635 : i32 to index
        %swap3A_642 = tpu.vector_load %arg12[%swap3A_641] {strides = array<i32>} : memref<3264xf32, #tpu.memory_space<vmem>>, vector<16xf32>,
        tpu.vector_store %arg12[%swap3A_641], %gather3A_640 {strides = array<i32>} : memref<3264xf32, #tpu.memory_space<vmem>>, vector<16xf32>,
        %scan3A_643 = arith.constant 0 : i32
        %scan3A_644 = arith.constant 2 : i32
        %scan3A_645 = arith.addi %scan3A_620, %scan3A_644 : i32
        %mul3A_646 = arith.constant 16 : i32
        %mul3A_647 = arith.muli %scan3A_645, %mul3A_646 : i32
        %get3A_648 = arith.index_cast %mul3A_647 : i32 to index
        %get3A_649 = tpu.vector_load %arg8[%get3A_648] {strides = array<i32>} : memref<3264xi32, #tpu.memory_space<vmem>>, vector<16xi32>,
        %get3A_650 = arith.index_cast %mul3A_647 : i32 to index
        %get3A_651 = tpu.vector_load %arg9[%get3A_650] {strides = array<i32>} : memref<3264xi32, #tpu.memory_space<vmem>>, vector<16xi32>,
        %gather3A_652 = tpu.vector_load_idx %arg13[%get3A_649, %get3A_651] : memref<56x224xf32, #tpu.memory_space<vmem>>[vector<16xi32>, vector<16xi32>], vector<16xf32>,
        %swap3A_653 = arith.index_cast %mul3A_647 : i32 to index
        %swap3A_654 = tpu.vector_load %arg12[%swap3A_653] {strides = array<i32>} : memref<3264xf32, #tpu.memory_space<vmem>>, vector<16xf32>,
        tpu.vector_store %arg12[%swap3A_653], %gather3A_652 {strides = array<i32>} : memref<3264xf32, #tpu.memory_space<vmem>>, vector<16xf32>,
        %scan3A_655 = arith.constant 0 : i32
        %scan3A_656 = arith.constant 3 : i32
        %scan3A_657 = arith.addi %scan3A_620, %scan3A_656 : i32
        %mul3A_658 = arith.constant 16 : i32
        %mul3A_659 = arith.muli %scan3A_657, %mul3A_658 : i32
        %get3A_660 = arith.index_cast %mul3A_659 : i32 to index
        %get3A_661 = tpu.vector_load %arg8[%get3A_660] {strides = array<i32>} : memref<3264xi32, #tpu.memory_space<vmem>>, vector<16xi32>,
        %get3A_662 = arith.index_cast %mul3A_659 : i32 to index
        %get3A_663 = tpu.vector_load %arg9[%get3A_662] {strides = array<i32>} : memref<3264xi32, #tpu.memory_space<vmem>>, vector<16xi32>,
        %gather3A_664 = tpu.vector_load_idx %arg13[%get3A_661, %get3A_663] : memref<56x224xf32, #tpu.memory_space<vmem>>[vector<16xi32>, vector<16xi32>], vector<16xf32>,
        %swap3A_665 = arith.index_cast %mul3A_659 : i32 to index
        %swap3A_666 = tpu.vector_load %arg12[%swap3A_665] {strides = array<i32>} : memref<3264xf32, #tpu.memory_space<vmem>>, vector<16xf32>,
        tpu.vector_store %arg12[%swap3A_665], %gather3A_664 {strides = array<i32>} : memref<3264xf32, #tpu.memory_space<vmem>>, vector<16xf32>,
        %scan3A_667 = arith.constant 0 : i32
        %scan3A_668 = arith.constant 4 : i32
        %scan3A_669 = arith.addi %scan3A_620, %scan3A_668 : i32
        %mul3A_670 = arith.constant 16 : i32
        %mul3A_671 = arith.muli %scan3A_669, %mul3A_670 : i32
        %get3A_672 = arith.index_cast %mul3A_671 : i32 to index
        %get3A_673 = tpu.vector_load %arg8[%get3A_672] {strides = array<i32>} : memref<3264xi32, #tpu.memory_space<vmem>>, vector<16xi32>,
        %get3A_674 = arith.index_cast %mul3A_671 : i32 to index
        %get3A_675 = tpu.vector_load %arg9[%get3A_674] {strides = array<i32>} : memref<3264xi32, #tpu.memory_space<vmem>>, vector<16xi32>,
        %gather3A_676 = tpu.vector_load_idx %arg13[%get3A_673, %get3A_675] : memref<56x224xf32, #tpu.memory_space<vmem>>[vector<16xi32>, vector<16xi32>], vector<16xf32>,
        %swap3A_677 = arith.index_cast %mul3A_671 : i32 to index
        %swap3A_678 = tpu.vector_load %arg12[%swap3A_677] {strides = array<i32>} : memref<3264xf32, #tpu.memory_space<vmem>>, vector<16xf32>,
        tpu.vector_store %arg12[%swap3A_677], %gather3A_676 {strides = array<i32>} : memref<3264xf32, #tpu.memory_space<vmem>>, vector<16xf32>,
        %scan3A_679 = arith.constant 0 : i32
        %scan3A_680 = arith.constant 5 : i32
        %scan3A_681 = arith.addi %scan3A_620, %scan3A_680 : i32
        %mul3A_682 = arith.constant 16 : i32
        %mul3A_683 = arith.muli %scan3A_681, %mul3A_682 : i32
        %get3A_684 = arith.index_cast %mul3A_683 : i32 to index
        %get3A_685 = tpu.vector_load %arg8[%get3A_684] {strides = array<i32>} : memref<3264xi32, #tpu.memory_space<vmem>>, vector<16xi32>,
        %get3A_686 = arith.index_cast %mul3A_683 : i32 to index
        %get3A_687 = tpu.vector_load %arg9[%get3A_686] {strides = array<i32>} : memref<3264xi32, #tpu.memory_space<vmem>>, vector<16xi32>,
        %gather3A_688 = tpu.vector_load_idx %arg13[%get3A_685, %get3A_687] : memref<56x224xf32, #tpu.memory_space<vmem>>[vector<16xi32>, vector<16xi32>], vector<16xf32>,
        %swap3A_689 = arith.index_cast %mul3A_683 : i32 to index
        %swap3A_690 = tpu.vector_load %arg12[%swap3A_689] {strides = array<i32>} : memref<3264xf32, #tpu.memory_space<vmem>>, vector<16xf32>,
        tpu.vector_store %arg12[%swap3A_689], %gather3A_688 {strides = array<i32>} : memref<3264xf32, #tpu.memory_space<vmem>>, vector<16xf32>,
        %scan3A_691 = arith.constant 0 : i32
        %scan3A_692 = arith.constant 6 : i32
        %scan3A_693 = arith.addi %scan3A_620, %scan3A_692 : i32
        %mul3A_694 = arith.constant 16 : i32
        %mul3A_695 = arith.muli %scan3A_693, %mul3A_694 : i32
        %get3A_696 = arith.index_cast %mul3A_695 : i32 to index
        %get3A_697 = tpu.vector_load %arg8[%get3A_696] {strides = array<i32>} : memref<3264xi32, #tpu.memory_space<vmem>>, vector<16xi32>,
        %get3A_698 = arith.index_cast %mul3A_695 : i32 to index
        %get3A_699 = tpu.vector_load %arg9[%get3A_698] {strides = array<i32>} : memref<3264xi32, #tpu.memory_space<vmem>>, vector<16xi32>,
        %gather3A_700 = tpu.vector_load_idx %arg13[%get3A_697, %get3A_699] : memref<56x224xf32, #tpu.memory_space<vmem>>[vector<16xi32>, vector<16xi32>], vector<16xf32>,
        %swap3A_701 = arith.index_cast %mul3A_695 : i32 to index
        %swap3A_702 = tpu.vector_load %arg12[%swap3A_701] {strides = array<i32>} : memref<3264xf32, #tpu.memory_space<vmem>>, vector<16xf32>,
        tpu.vector_store %arg12[%swap3A_701], %gather3A_700 {strides = array<i32>} : memref<3264xf32, #tpu.memory_space<vmem>>, vector<16xf32>,
        %scan3A_703 = arith.constant 0 : i32
        %scan3A_704 = arith.constant 7 : i32
        %scan3A_705 = arith.addi %scan3A_620, %scan3A_704 : i32
        %mul3A_706 = arith.constant 16 : i32
        %mul3A_707 = arith.muli %scan3A_705, %mul3A_706 : i32
        %get3A_708 = arith.index_cast %mul3A_707 : i32 to index
        %get3A_709 = tpu.vector_load %arg8[%get3A_708] {strides = array<i32>} : memref<3264xi32, #tpu.memory_space<vmem>>, vector<16xi32>,
        %get3A_710 = arith.index_cast %mul3A_707 : i32 to index
        %get3A_711 = tpu.vector_load %arg9[%get3A_710] {strides = array<i32>} : memref<3264xi32, #tpu.memory_space<vmem>>, vector<16xi32>,
        %gather3A_712 = tpu.vector_load_idx %arg13[%get3A_709, %get3A_711] : memref<56x224xf32, #tpu.memory_space<vmem>>[vector<16xi32>, vector<16xi32>], vector<16xf32>,
        %swap3A_713 = arith.index_cast %mul3A_707 : i32 to index
        %swap3A_714 = tpu.vector_load %arg12[%swap3A_713] {strides = array<i32>} : memref<3264xf32, #tpu.memory_space<vmem>>, vector<16xf32>,
        tpu.vector_store %arg12[%swap3A_713], %gather3A_712 {strides = array<i32>} : memref<3264xf32, #tpu.memory_space<vmem>>, vector<16xf32>,
        %scan3A_715 = arith.constant 0 : i32
        scf.yield %scan3A_715 : i32
      }
      %scan3A_104 = arith.constant 200 : i32
      %scan3A_105 = arith.addi %scan3A_99, %scan3A_104 : i32
      %mul3A_106 = arith.constant 16 : i32
      %mul3A_107 = arith.muli %scan3A_105, %mul3A_106 : i32
      %get3A = arith.index_cast %mul3A_107 : i32 to index
      %get3A_108 = tpu.vector_load %arg8[%get3A] {strides = array<i32>} : memref<3264xi32, #tpu.memory_space<vmem>>, vector<16xi32>,
      %get3A_109 = arith.index_cast %mul3A_107 : i32 to index
      %get3A_110 = tpu.vector_load %arg9[%get3A_109] {strides = array<i32>} : memref<3264xi32, #tpu.memory_space<vmem>>, vector<16xi32>,
      %gather3A = tpu.vector_load_idx %arg13[%get3A_108, %get3A_110] : memref<56x224xf32, #tpu.memory_space<vmem>>[vector<16xi32>, vector<16xi32>], vector<16xf32>,
      %swap3A = arith.index_cast %mul3A_107 : i32 to index
      %swap3A_111 = tpu.vector_load %arg12[%swap3A] {strides = array<i32>} : memref<3264xf32, #tpu.memory_space<vmem>>, vector<16xf32>,
      tpu.vector_store %arg12[%swap3A], %gather3A {strides = array<i32>} : memref<3264xf32, #tpu.memory_space<vmem>>, vector<16xf32>,
      %scan3A_112 = arith.constant 0 : i32
      %scan3A_113 = arith.constant 201 : i32
      %scan3A_114 = arith.addi %scan3A_99, %scan3A_113 : i32
      %mul3A_115 = arith.constant 16 : i32
      %mul3A_116 = arith.muli %scan3A_114, %mul3A_115 : i32
      %get3A_117 = arith.index_cast %mul3A_116 : i32 to index
      %get3A_118 = tpu.vector_load %arg8[%get3A_117] {strides = array<i32>} : memref<3264xi32, #tpu.memory_space<vmem>>, vector<16xi32>,
      %get3A_119 = arith.index_cast %mul3A_116 : i32 to index
      %get3A_120 = tpu.vector_load %arg9[%get3A_119] {strides = array<i32>} : memref<3264xi32, #tpu.memory_space<vmem>>, vector<16xi32>,
      %gather3A_121 = tpu.vector_load_idx %arg13[%get3A_118, %get3A_120] : memref<56x224xf32, #tpu.memory_space<vmem>>[vector<16xi32>, vector<16xi32>], vector<16xf32>,
      %swap3A_122 = arith.index_cast %mul3A_116 : i32 to index
      %swap3A_123 = tpu.vector_load %arg12[%swap3A_122] {strides = array<i32>} : memref<3264xf32, #tpu.memory_space<vmem>>, vector<16xf32>,
      tpu.vector_store %arg12[%swap3A_122], %gather3A_121 {strides = array<i32>} : memref<3264xf32, #tpu.memory_space<vmem>>, vector<16xf32>,
      %scan3A_124 = arith.constant 0 : i32
      %scan3A_125 = arith.constant 202 : i32
      %scan3A_126 = arith.addi %scan3A_99, %scan3A_125 : i32
      %mul3A_127 = arith.constant 16 : i32
      %mul3A_128 = arith.muli %scan3A_126, %mul3A_127 : i32
      %get3A_129 = arith.index_cast %mul3A_128 : i32 to index
      %get3A_130 = tpu.vector_load %arg8[%get3A_129] {strides = array<i32>} : memref<3264xi32, #tpu.memory_space<vmem>>, vector<16xi32>,
      %get3A_131 = arith.index_cast %mul3A_128 : i32 to index
      %get3A_132 = tpu.vector_load %arg9[%get3A_131] {strides = array<i32>} : memref<3264xi32, #tpu.memory_space<vmem>>, vector<16xi32>,
      %gather3A_133 = tpu.vector_load_idx %arg13[%get3A_130, %get3A_132] : memref<56x224xf32, #tpu.memory_space<vmem>>[vector<16xi32>, vector<16xi32>], vector<16xf32>,
      %swap3A_134 = arith.index_cast %mul3A_128 : i32 to index
      %swap3A_135 = tpu.vector_load %arg12[%swap3A_134] {strides = array<i32>} : memref<3264xf32, #tpu.memory_space<vmem>>, vector<16xf32>,
      tpu.vector_store %arg12[%swap3A_134], %gather3A_133 {strides = array<i32>} : memref<3264xf32, #tpu.memory_space<vmem>>, vector<16xf32>,
      %scan3A_136 = arith.constant 0 : i32
      %scan3A_137 = arith.constant 203 : i32
      %scan3A_138 = arith.addi %scan3A_99, %scan3A_137 : i32
      %mul3A_139 = arith.constant 16 : i32
      %mul3A_140 = arith.muli %scan3A_138, %mul3A_139 : i32
      %get3A_141 = arith.index_cast %mul3A_140 : i32 to index
      %get3A_142 = tpu.vector_load %arg8[%get3A_141] {strides = array<i32>} : memref<3264xi32, #tpu.memory_space<vmem>>, vector<16xi32>,
      %get3A_143 = arith.index_cast %mul3A_140 : i32 to index
      %get3A_144 = tpu.vector_load %arg9[%get3A_143] {strides = array<i32>} : memref<3264xi32, #tpu.memory_space<vmem>>, vector<16xi32>,
      %gather3A_145 = tpu.vector_load_idx %arg13[%get3A_142, %get3A_144] : memref<56x224xf32, #tpu.memory_space<vmem>>[vector<16xi32>, vector<16xi32>], vector<16xf32>,
      %swap3A_146 = arith.index_cast %mul3A_140 : i32 to index
      %swap3A_147 = tpu.vector_load %arg12[%swap3A_146] {strides = array<i32>} : memref<3264xf32, #tpu.memory_space<vmem>>, vector<16xf32>,
      tpu.vector_store %arg12[%swap3A_146], %gather3A_145 {strides = array<i32>} : memref<3264xf32, #tpu.memory_space<vmem>>, vector<16xf32>,
      %scan3A_148 = arith.constant 0 : i32
      %scan3A_149 = arith.constant 204 : i32
      %scan3A_150 = arith.constant 0 : i32
      %scan3A_151 = arith.constant 0 : i32
      %scan3A_152 = arith.constant 200 : i32
      %scan3A_153 = arith.addi %scan3A_151, %scan3A_152 : i32
      %scan3A_154 = arith.constant 8 : i32
      %scan3A_155 = scf.for %scan3A_620 = %scan3A_151 to %scan3A_153 step %scan3A_154 iter_args(%scan3A_621 = %scan3A_150) -> (i32)  : i32 {
        %mul3A_622 = arith.constant 16 : i32
        %mul3A_623 = arith.muli %scan3A_620, %mul3A_622 : i32
        %get3A_624 = arith.index_cast %mul3A_623 : i32 to index
        %get3A_625 = tpu.vector_load %arg10[%get3A_624] {strides = array<i32>} : memref<3264xi32, #tpu.memory_space<vmem>>, vector<16xi32>,
        %get3A_626 = arith.index_cast %mul3A_623 : i32 to index
        %get3A_627 = tpu.vector_load %arg11[%get3A_626] {strides = array<i32>} : memref<3264xi32, #tpu.memory_space<vmem>>, vector<16xi32>,
        %get3A_628 = arith.index_cast %mul3A_623 : i32 to index
        %get3A_629 = tpu.vector_load %arg12[%get3A_628] {strides = array<i32>} : memref<3264xf32, #tpu.memory_space<vmem>>, vector<16xf32>,
        tpu.vector_store_idx %arg13[%get3A_625, %get3A_627], %get3A_629 : memref<56x224xf32, #tpu.memory_space<vmem>>[vector<16xi32>, vector<16xi32>], vector<16xf32>,
        %scan3A_630 = arith.constant 0 : i32
        %scan3A_631 = arith.constant 1 : i32
        %scan3A_632 = arith.addi %scan3A_620, %scan3A_631 : i32
        %mul3A_633 = arith.constant 16 : i32
        %mul3A_634 = arith.muli %scan3A_632, %mul3A_633 : i32
        %get3A_635 = arith.index_cast %mul3A_634 : i32 to index
        %get3A_636 = tpu.vector_load %arg10[%get3A_635] {strides = array<i32>} : memref<3264xi32, #tpu.memory_space<vmem>>, vector<16xi32>,
        %get3A_637 = arith.index_cast %mul3A_634 : i32 to index
        %get3A_638 = tpu.vector_load %arg11[%get3A_637] {strides = array<i32>} : memref<3264xi32, #tpu.memory_space<vmem>>, vector<16xi32>,
        %get3A_639 = arith.index_cast %mul3A_634 : i32 to index
        %get3A_640 = tpu.vector_load %arg12[%get3A_639] {strides = array<i32>} : memref<3264xf32, #tpu.memory_space<vmem>>, vector<16xf32>,
        tpu.vector_store_idx %arg13[%get3A_636, %get3A_638], %get3A_640 : memref<56x224xf32, #tpu.memory_space<vmem>>[vector<16xi32>, vector<16xi32>], vector<16xf32>,
        %scan3A_641 = arith.constant 0 : i32
        %scan3A_642 = arith.constant 2 : i32
        %scan3A_643 = arith.addi %scan3A_620, %scan3A_642 : i32
        %mul3A_644 = arith.constant 16 : i32
        %mul3A_645 = arith.muli %scan3A_643, %mul3A_644 : i32
        %get3A_646 = arith.index_cast %mul3A_645 : i32 to index
        %get3A_647 = tpu.vector_load %arg10[%get3A_646] {strides = array<i32>} : memref<3264xi32, #tpu.memory_space<vmem>>, vector<16xi32>,
        %get3A_648 = arith.index_cast %mul3A_645 : i32 to index
        %get3A_649 = tpu.vector_load %arg11[%get3A_648] {strides = array<i32>} : memref<3264xi32, #tpu.memory_space<vmem>>, vector<16xi32>,
        %get3A_650 = arith.index_cast %mul3A_645 : i32 to index
        %get3A_651 = tpu.vector_load %arg12[%get3A_650] {strides = array<i32>} : memref<3264xf32, #tpu.memory_space<vmem>>, vector<16xf32>,
        tpu.vector_store_idx %arg13[%get3A_647, %get3A_649], %get3A_651 : memref<56x224xf32, #tpu.memory_space<vmem>>[vector<16xi32>, vector<16xi32>], vector<16xf32>,
        %scan3A_652 = arith.constant 0 : i32
        %scan3A_653 = arith.constant 3 : i32
        %scan3A_654 = arith.addi %scan3A_620, %scan3A_653 : i32
        %mul3A_655 = arith.constant 16 : i32
        %mul3A_656 = arith.muli %scan3A_654, %mul3A_655 : i32
        %get3A_657 = arith.index_cast %mul3A_656 : i32 to index
        %get3A_658 = tpu.vector_load %arg10[%get3A_657] {strides = array<i32>} : memref<3264xi32, #tpu.memory_space<vmem>>, vector<16xi32>,
        %get3A_659 = arith.index_cast %mul3A_656 : i32 to index
        %get3A_660 = tpu.vector_load %arg11[%get3A_659] {strides = array<i32>} : memref<3264xi32, #tpu.memory_space<vmem>>, vector<16xi32>,
        %get3A_661 = arith.index_cast %mul3A_656 : i32 to index
        %get3A_662 = tpu.vector_load %arg12[%get3A_661] {strides = array<i32>} : memref<3264xf32, #tpu.memory_space<vmem>>, vector<16xf32>,
        tpu.vector_store_idx %arg13[%get3A_658, %get3A_660], %get3A_662 : memref<56x224xf32, #tpu.memory_space<vmem>>[vector<16xi32>, vector<16xi32>], vector<16xf32>,
        %scan3A_663 = arith.constant 0 : i32
        %scan3A_664 = arith.constant 4 : i32
        %scan3A_665 = arith.addi %scan3A_620, %scan3A_664 : i32
        %mul3A_666 = arith.constant 16 : i32
        %mul3A_667 = arith.muli %scan3A_665, %mul3A_666 : i32
        %get3A_668 = arith.index_cast %mul3A_667 : i32 to index
        %get3A_669 = tpu.vector_load %arg10[%get3A_668] {strides = array<i32>} : memref<3264xi32, #tpu.memory_space<vmem>>, vector<16xi32>,
        %get3A_670 = arith.index_cast %mul3A_667 : i32 to index
        %get3A_671 = tpu.vector_load %arg11[%get3A_670] {strides = array<i32>} : memref<3264xi32, #tpu.memory_space<vmem>>, vector<16xi32>,
        %get3A_672 = arith.index_cast %mul3A_667 : i32 to index
        %get3A_673 = tpu.vector_load %arg12[%get3A_672] {strides = array<i32>} : memref<3264xf32, #tpu.memory_space<vmem>>, vector<16xf32>,
        tpu.vector_store_idx %arg13[%get3A_669, %get3A_671], %get3A_673 : memref<56x224xf32, #tpu.memory_space<vmem>>[vector<16xi32>, vector<16xi32>], vector<16xf32>,
        %scan3A_674 = arith.constant 0 : i32
        %scan3A_675 = arith.constant 5 : i32
        %scan3A_676 = arith.addi %scan3A_620, %scan3A_675 : i32
        %mul3A_677 = arith.constant 16 : i32
        %mul3A_678 = arith.muli %scan3A_676, %mul3A_677 : i32
        %get3A_679 = arith.index_cast %mul3A_678 : i32 to index
        %get3A_680 = tpu.vector_load %arg10[%get3A_679] {strides = array<i32>} : memref<3264xi32, #tpu.memory_space<vmem>>, vector<16xi32>,
        %get3A_681 = arith.index_cast %mul3A_678 : i32 to index
        %get3A_682 = tpu.vector_load %arg11[%get3A_681] {strides = array<i32>} : memref<3264xi32, #tpu.memory_space<vmem>>, vector<16xi32>,
        %get3A_683 = arith.index_cast %mul3A_678 : i32 to index
        %get3A_684 = tpu.vector_load %arg12[%get3A_683] {strides = array<i32>} : memref<3264xf32, #tpu.memory_space<vmem>>, vector<16xf32>,
        tpu.vector_store_idx %arg13[%get3A_680, %get3A_682], %get3A_684 : memref<56x224xf32, #tpu.memory_space<vmem>>[vector<16xi32>, vector<16xi32>], vector<16xf32>,
        %scan3A_685 = arith.constant 0 : i32
        %scan3A_686 = arith.constant 6 : i32
        %scan3A_687 = arith.addi %scan3A_620, %scan3A_686 : i32
        %mul3A_688 = arith.constant 16 : i32
        %mul3A_689 = arith.muli %scan3A_687, %mul3A_688 : i32
        %get3A_690 = arith.index_cast %mul3A_689 : i32 to index
        %get3A_691 = tpu.vector_load %arg10[%get3A_690] {strides = array<i32>} : memref<3264xi32, #tpu.memory_space<vmem>>, vector<16xi32>,
        %get3A_692 = arith.index_cast %mul3A_689 : i32 to index
        %get3A_693 = tpu.vector_load %arg11[%get3A_692] {strides = array<i32>} : memref<3264xi32, #tpu.memory_space<vmem>>, vector<16xi32>,
        %get3A_694 = arith.index_cast %mul3A_689 : i32 to index
        %get3A_695 = tpu.vector_load %arg12[%get3A_694] {strides = array<i32>} : memref<3264xf32, #tpu.memory_space<vmem>>, vector<16xf32>,
        tpu.vector_store_idx %arg13[%get3A_691, %get3A_693], %get3A_695 : memref<56x224xf32, #tpu.memory_space<vmem>>[vector<16xi32>, vector<16xi32>], vector<16xf32>,
        %scan3A_696 = arith.constant 0 : i32
        %scan3A_697 = arith.constant 7 : i32
        %scan3A_698 = arith.addi %scan3A_620, %scan3A_697 : i32
        %mul3A_699 = arith.constant 16 : i32
        %mul3A_700 = arith.muli %scan3A_698, %mul3A_699 : i32
        %get3A_701 = arith.index_cast %mul3A_700 : i32 to index
        %get3A_702 = tpu.vector_load %arg10[%get3A_701] {strides = array<i32>} : memref<3264xi32, #tpu.memory_space<vmem>>, vector<16xi32>,
        %get3A_703 = arith.index_cast %mul3A_700 : i32 to index
        %get3A_704 = tpu.vector_load %arg11[%get3A_703] {strides = array<i32>} : memref<3264xi32, #tpu.memory_space<vmem>>, vector<16xi32>,
        %get3A_705 = arith.index_cast %mul3A_700 : i32 to index
        %get3A_706 = tpu.vector_load %arg12[%get3A_705] {strides = array<i32>} : memref<3264xf32, #tpu.memory_space<vmem>>, vector<16xf32>,
        tpu.vector_store_idx %arg13[%get3A_702, %get3A_704], %get3A_706 : memref<56x224xf32, #tpu.memory_space<vmem>>[vector<16xi32>, vector<16xi32>], vector<16xf32>,
        %scan3A_707 = arith.constant 0 : i32
        scf.yield %scan3A_707 : i32
      }
      %scan3A_156 = arith.constant 200 : i32
      %scan3A_157 = arith.addi %scan3A_151, %scan3A_156 : i32
      %mul3A_158 = arith.constant 16 : i32
      %mul3A_159 = arith.muli %scan3A_157, %mul3A_158 : i32
      %get3A_160 = arith.index_cast %mul3A_159 : i32 to index
      %get3A_161 = tpu.vector_load %arg10[%get3A_160] {strides = array<i32>} : memref<3264xi32, #tpu.memory_space<vmem>>, vector<16xi32>,
      %get3A_162 = arith.index_cast %mul3A_159 : i32 to index
      %get3A_163 = tpu.vector_load %arg11[%get3A_162] {strides = array<i32>} : memref<3264xi32, #tpu.memory_space<vmem>>, vector<16xi32>,
      %get3A_164 = arith.index_cast %mul3A_159 : i32 to index
      %get3A_165 = tpu.vector_load %arg12[%get3A_164] {strides = array<i32>} : memref<3264xf32, #tpu.memory_space<vmem>>, vector<16xf32>,
      tpu.vector_store_idx %arg13[%get3A_161, %get3A_163], %get3A_165 : memref<56x224xf32, #tpu.memory_space<vmem>>[vector<16xi32>, vector<16xi32>], vector<16xf32>,
      %scan3A_166 = arith.constant 0 : i32
      %scan3A_167 = arith.constant 201 : i32
      %scan3A_168 = arith.addi %scan3A_151, %scan3A_167 : i32
      %mul3A_169 = arith.constant 16 : i32
      %mul3A_170 = arith.muli %scan3A_168, %mul3A_169 : i32
      %get3A_171 = arith.index_cast %mul3A_170 : i32 to index
      %get3A_172 = tpu.vector_load %arg10[%get3A_171] {strides = array<i32>} : memref<3264xi32, #tpu.memory_space<vmem>>, vector<16xi32>,
      %get3A_173 = arith.index_cast %mul3A_170 : i32 to index
      %get3A_174 = tpu.vector_load %arg11[%get3A_173] {strides = array<i32>} : memref<3264xi32, #tpu.memory_space<vmem>>, vector<16xi32>,
      %get3A_175 = arith.index_cast %mul3A_170 : i32 to index
      %get3A_176 = tpu.vector_load %arg12[%get3A_175] {strides = array<i32>} : memref<3264xf32, #tpu.memory_space<vmem>>, vector<16xf32>,
      tpu.vector_store_idx %arg13[%get3A_172, %get3A_174], %get3A_176 : memref<56x224xf32, #tpu.memory_space<vmem>>[vector<16xi32>, vector<16xi32>], vector<16xf32>,
      %scan3A_177 = arith.constant 0 : i32
      %scan3A_178 = arith.constant 202 : i32
      %scan3A_179 = arith.addi %scan3A_151, %scan3A_178 : i32
      %mul3A_180 = arith.constant 16 : i32
      %mul3A_181 = arith.muli %scan3A_179, %mul3A_180 : i32
      %get3A_182 = arith.index_cast %mul3A_181 : i32 to index
      %get3A_183 = tpu.vector_load %arg10[%get3A_182] {strides = array<i32>} : memref<3264xi32, #tpu.memory_space<vmem>>, vector<16xi32>,
      %get3A_184 = arith.index_cast %mul3A_181 : i32 to index
      %get3A_185 = tpu.vector_load %arg11[%get3A_184] {strides = array<i32>} : memref<3264xi32, #tpu.memory_space<vmem>>, vector<16xi32>,
      %get3A_186 = arith.index_cast %mul3A_181 : i32 to index
      %get3A_187 = tpu.vector_load %arg12[%get3A_186] {strides = array<i32>} : memref<3264xf32, #tpu.memory_space<vmem>>, vector<16xf32>,
      tpu.vector_store_idx %arg13[%get3A_183, %get3A_185], %get3A_187 : memref<56x224xf32, #tpu.memory_space<vmem>>[vector<16xi32>, vector<16xi32>], vector<16xf32>,
      %scan3A_188 = arith.constant 0 : i32
      %scan3A_189 = arith.constant 203 : i32
      %scan3A_190 = arith.addi %scan3A_151, %scan3A_189 : i32
      %mul3A_191 = arith.constant 16 : i32
      %mul3A_192 = arith.muli %scan3A_190, %mul3A_191 : i32
      %get3A_193 = arith.index_cast %mul3A_192 : i32 to index
      %get3A_194 = tpu.vector_load %arg10[%get3A_193] {strides = array<i32>} : memref<3264xi32, #tpu.memory_space<vmem>>, vector<16xi32>,
      %get3A_195 = arith.index_cast %mul3A_192 : i32 to index
      %get3A_196 = tpu.vector_load %arg11[%get3A_195] {strides = array<i32>} : memref<3264xi32, #tpu.memory_space<vmem>>, vector<16xi32>,
      %get3A_197 = arith.index_cast %mul3A_192 : i32 to index
      %get3A_198 = tpu.vector_load %arg12[%get3A_197] {strides = array<i32>} : memref<3264xf32, #tpu.memory_space<vmem>>, vector<16xf32>,
      tpu.vector_store_idx %arg13[%get3A_194, %get3A_196], %get3A_198 : memref<56x224xf32, #tpu.memory_space<vmem>>[vector<16xi32>, vector<16xi32>], vector<16xf32>,
      %scan3A_199 = arith.constant 0 : i32
      %scan3A_200 = arith.constant 204 : i32
      %add3A_201 = arith.addi %mul3A_2, %add3A_88 : i32
      %dma_start3A_202 = arith.constant 0 : i32
      %dma_start3A_203 = arith.constant 0 : i32
      %dma_start3A_204 = tpu.memref_slice %arg7[%add3A_201, %dma_start3A_202, %dma_start3A_203] : memref<768x56x224xf32, #tpu.memory_space<hbm>> -> memref<1x56x224xf32, #tpu.memory_space<hbm>>
      %dma_start3A_205 = tpu.memref_squeeze %dma_start3A_204 : memref<1x56x224xf32, #tpu.memory_space<hbm>> -> memref<56x224xf32, #tpu.memory_space<hbm>>
      %dma_start3A_206 = arith.constant 0 : i32
      %dma_start3A_207 = arith.constant 0 : i32
      %dma_start3A_208 = tpu.memref_slice %arg7[%add3A_201, %dma_start3A_206, %dma_start3A_207] : memref<768x56x224xf32, #tpu.memory_space<hbm>> -> memref<1x56x224xf32, #tpu.memory_space<hbm>>
      %dma_start3A_209 = tpu.memref_squeeze %dma_start3A_208 : memref<1x56x224xf32, #tpu.memory_space<hbm>> -> memref<56x224xf32, #tpu.memory_space<hbm>>
      tpu.enqueue_dma source(%arg13 : memref<56x224xf32, #tpu.memory_space<vmem>>) target(%dma_start3A_209 : memref<56x224xf32, #tpu.memory_space<hbm>>) target_semaphore(%arg21 : memref<!tpu.dma_semaphore, #tpu.memory_space<semaphore_mem>>)
      %add3A_210 = arith.constant 4 : i32
      %add3A_211 = arith.addi %add3A_88, %add3A_210 : i32
      %lt3A = arith.constant 24 : i32
      %lt3A_212 = arith.cmpi slt, %add3A_211, %lt3A : i32
      %convert_element_type3A = arith.extui %lt3A_212 : i1 to i32
      %cond3A = arith.constant 0 : i32
      %cond3A_213 = arith.cmpi ne, %convert_element_type3A, %cond3A : i32
      scf.if %cond3A_213 {
        %dma_wait3A_620 = arith.constant 0 : i32
        %dma_wait3A_621 = arith.constant 0 : i32
        %dma_wait3A_622 = arith.constant 0 : i32
        %dma_wait3A_623 = tpu.memref_slice %arg7[%dma_wait3A_620, %dma_wait3A_621, %dma_wait3A_622] : memref<768x56x224xf32, #tpu.memory_space<hbm>> -> memref<1x56x224xf32, #tpu.memory_space<hbm>>
        %dma_wait3A_624 = tpu.memref_squeeze %dma_wait3A_623 : memref<1x56x224xf32, #tpu.memory_space<hbm>> -> memref<56x224xf32, #tpu.memory_space<hbm>>
        %dma_wait3A_625 = arith.constant 0 : i32
        %dma_wait3A_626 = arith.constant 0 : i32
        %dma_wait3A_627 = tpu.memref_slice %arg7[%dma_wait3A_620, %dma_wait3A_625, %dma_wait3A_626] : memref<768x56x224xf32, #tpu.memory_space<hbm>> -> memref<1x56x224xf32, #tpu.memory_space<hbm>>
        %dma_wait3A_628 = tpu.memref_squeeze %dma_wait3A_627 : memref<1x56x224xf32, #tpu.memory_space<hbm>> -> memref<56x224xf32, #tpu.memory_space<hbm>>
        tpu.wait_dma2 semaphore(%arg21 : memref<!tpu.dma_semaphore, #tpu.memory_space<semaphore_mem>>) src(%arg13 : memref<56x224xf32, #tpu.memory_space<vmem>>) dst(%dma_wait3A_628 : memref<56x224xf32, #tpu.memory_space<hbm>>)
        %add3A_629 = arith.addi %mul3A_2, %add3A_88 : i32
        %add3A_630 = arith.constant 4 : i32
        %add3A_631 = arith.addi %add3A_629, %add3A_630 : i32
        %dma_start3A_632 = arith.constant 160 : i32
        %dma_start3A_633 = arith.constant 0 : i32
        %dma_start3A_634 = tpu.memref_slice %arg2[%add3A_631, %dma_start3A_632, %dma_start3A_633] : memref<768x224x224xf32, #tpu.memory_space<hbm>> -> memref<1x56x224xf32, #tpu.memory_space<hbm>>
        %dma_start3A_635 = tpu.memref_squeeze %dma_start3A_634 : memref<1x56x224xf32, #tpu.memory_space<hbm>> -> memref<56x224xf32, #tpu.memory_space<hbm>>
        %dma_start3A_636 = arith.constant 160 : i32
        %dma_start3A_637 = arith.constant 0 : i32
        %dma_start3A_638 = tpu.memref_slice %arg2[%add3A_631, %dma_start3A_636, %dma_start3A_637] : memref<768x224x224xf32, #tpu.memory_space<hbm>> -> memref<1x56x224xf32, #tpu.memory_space<hbm>>
        %dma_start3A_639 = tpu.memref_squeeze %dma_start3A_638 : memref<1x56x224xf32, #tpu.memory_space<hbm>> -> memref<56x224xf32, #tpu.memory_space<hbm>>
        tpu.enqueue_dma source(%dma_start3A_639 : memref<56x224xf32, #tpu.memory_space<hbm>>) target(%arg13 : memref<56x224xf32, #tpu.memory_space<vmem>>) target_semaphore(%arg17 : memref<!tpu.dma_semaphore, #tpu.memory_space<semaphore_mem>>)
      } else {
      }
      %mul3A_214 = arith.constant 4 : i32
      %mul3A_215 = arith.muli %scan3A_83, %mul3A_214 : i32
      %add3A_216 = arith.constant 1 : i32
      %add3A_217 = arith.addi %mul3A_215, %add3A_216 : i32
      %dma_wait3A_218 = arith.constant 0 : i32
      %dma_wait3A_219 = arith.constant 160 : i32
      %dma_wait3A_220 = arith.constant 0 : i32
      %dma_wait3A_221 = tpu.memref_slice %arg2[%dma_wait3A_218, %dma_wait3A_219, %dma_wait3A_220] : memref<768x224x224xf32, #tpu.memory_space<hbm>> -> memref<1x56x224xf32, #tpu.memory_space<hbm>>
      %dma_wait3A_222 = tpu.memref_squeeze %dma_wait3A_221 : memref<1x56x224xf32, #tpu.memory_space<hbm>> -> memref<56x224xf32, #tpu.memory_space<hbm>>
      %dma_wait3A_223 = arith.constant 160 : i32
      %dma_wait3A_224 = arith.constant 0 : i32
      %dma_wait3A_225 = tpu.memref_slice %arg2[%dma_wait3A_218, %dma_wait3A_223, %dma_wait3A_224] : memref<768x224x224xf32, #tpu.memory_space<hbm>> -> memref<1x56x224xf32, #tpu.memory_space<hbm>>
      %dma_wait3A_226 = tpu.memref_squeeze %dma_wait3A_225 : memref<1x56x224xf32, #tpu.memory_space<hbm>> -> memref<56x224xf32, #tpu.memory_space<hbm>>
      tpu.wait_dma2 semaphore(%arg18 : memref<!tpu.dma_semaphore, #tpu.memory_space<semaphore_mem>>) src(%dma_wait3A_226 : memref<56x224xf32, #tpu.memory_space<hbm>>) dst(%arg14 : memref<56x224xf32, #tpu.memory_space<vmem>>)
      %scan3A_227 = arith.constant 0 : i32
      %scan3A_228 = arith.constant 0 : i32
      %scan3A_229 = arith.constant 200 : i32
      %scan3A_230 = arith.addi %scan3A_228, %scan3A_229 : i32
      %scan3A_231 = arith.constant 8 : i32
      %scan3A_232 = scf.for %scan3A_620 = %scan3A_228 to %scan3A_230 step %scan3A_231 iter_args(%scan3A_621 = %scan3A_227) -> (i32)  : i32 {
        %mul3A_622 = arith.constant 16 : i32
        %mul3A_623 = arith.muli %scan3A_620, %mul3A_622 : i32
        %get3A_624 = arith.index_cast %mul3A_623 : i32 to index
        %get3A_625 = tpu.vector_load %arg8[%get3A_624] {strides = array<i32>} : memref<3264xi32, #tpu.memory_space<vmem>>, vector<16xi32>,
        %get3A_626 = arith.index_cast %mul3A_623 : i32 to index
        %get3A_627 = tpu.vector_load %arg9[%get3A_626] {strides = array<i32>} : memref<3264xi32, #tpu.memory_space<vmem>>, vector<16xi32>,
        %gather3A_628 = tpu.vector_load_idx %arg14[%get3A_625, %get3A_627] : memref<56x224xf32, #tpu.memory_space<vmem>>[vector<16xi32>, vector<16xi32>], vector<16xf32>,
        %swap3A_629 = arith.index_cast %mul3A_623 : i32 to index
        %swap3A_630 = tpu.vector_load %arg12[%swap3A_629] {strides = array<i32>} : memref<3264xf32, #tpu.memory_space<vmem>>, vector<16xf32>,
        tpu.vector_store %arg12[%swap3A_629], %gather3A_628 {strides = array<i32>} : memref<3264xf32, #tpu.memory_space<vmem>>, vector<16xf32>,
        %scan3A_631 = arith.constant 0 : i32
        %scan3A_632 = arith.constant 1 : i32
        %scan3A_633 = arith.addi %scan3A_620, %scan3A_632 : i32
        %mul3A_634 = arith.constant 16 : i32
        %mul3A_635 = arith.muli %scan3A_633, %mul3A_634 : i32
        %get3A_636 = arith.index_cast %mul3A_635 : i32 to index
        %get3A_637 = tpu.vector_load %arg8[%get3A_636] {strides = array<i32>} : memref<3264xi32, #tpu.memory_space<vmem>>, vector<16xi32>,
        %get3A_638 = arith.index_cast %mul3A_635 : i32 to index
        %get3A_639 = tpu.vector_load %arg9[%get3A_638] {strides = array<i32>} : memref<3264xi32, #tpu.memory_space<vmem>>, vector<16xi32>,
        %gather3A_640 = tpu.vector_load_idx %arg14[%get3A_637, %get3A_639] : memref<56x224xf32, #tpu.memory_space<vmem>>[vector<16xi32>, vector<16xi32>], vector<16xf32>,
        %swap3A_641 = arith.index_cast %mul3A_635 : i32 to index
        %swap3A_642 = tpu.vector_load %arg12[%swap3A_641] {strides = array<i32>} : memref<3264xf32, #tpu.memory_space<vmem>>, vector<16xf32>,
        tpu.vector_store %arg12[%swap3A_641], %gather3A_640 {strides = array<i32>} : memref<3264xf32, #tpu.memory_space<vmem>>, vector<16xf32>,
        %scan3A_643 = arith.constant 0 : i32
        %scan3A_644 = arith.constant 2 : i32
        %scan3A_645 = arith.addi %scan3A_620, %scan3A_644 : i32
        %mul3A_646 = arith.constant 16 : i32
        %mul3A_647 = arith.muli %scan3A_645, %mul3A_646 : i32
        %get3A_648 = arith.index_cast %mul3A_647 : i32 to index
        %get3A_649 = tpu.vector_load %arg8[%get3A_648] {strides = array<i32>} : memref<3264xi32, #tpu.memory_space<vmem>>, vector<16xi32>,
        %get3A_650 = arith.index_cast %mul3A_647 : i32 to index
        %get3A_651 = tpu.vector_load %arg9[%get3A_650] {strides = array<i32>} : memref<3264xi32, #tpu.memory_space<vmem>>, vector<16xi32>,
        %gather3A_652 = tpu.vector_load_idx %arg14[%get3A_649, %get3A_651] : memref<56x224xf32, #tpu.memory_space<vmem>>[vector<16xi32>, vector<16xi32>], vector<16xf32>,
        %swap3A_653 = arith.index_cast %mul3A_647 : i32 to index
        %swap3A_654 = tpu.vector_load %arg12[%swap3A_653] {strides = array<i32>} : memref<3264xf32, #tpu.memory_space<vmem>>, vector<16xf32>,
        tpu.vector_store %arg12[%swap3A_653], %gather3A_652 {strides = array<i32>} : memref<3264xf32, #tpu.memory_space<vmem>>, vector<16xf32>,
        %scan3A_655 = arith.constant 0 : i32
        %scan3A_656 = arith.constant 3 : i32
        %scan3A_657 = arith.addi %scan3A_620, %scan3A_656 : i32
        %mul3A_658 = arith.constant 16 : i32
        %mul3A_659 = arith.muli %scan3A_657, %mul3A_658 : i32
        %get3A_660 = arith.index_cast %mul3A_659 : i32 to index
        %get3A_661 = tpu.vector_load %arg8[%get3A_660] {strides = array<i32>} : memref<3264xi32, #tpu.memory_space<vmem>>, vector<16xi32>,
        %get3A_662 = arith.index_cast %mul3A_659 : i32 to index
        %get3A_663 = tpu.vector_load %arg9[%get3A_662] {strides = array<i32>} : memref<3264xi32, #tpu.memory_space<vmem>>, vector<16xi32>,
        %gather3A_664 = tpu.vector_load_idx %arg14[%get3A_661, %get3A_663] : memref<56x224xf32, #tpu.memory_space<vmem>>[vector<16xi32>, vector<16xi32>], vector<16xf32>,
        %swap3A_665 = arith.index_cast %mul3A_659 : i32 to index
        %swap3A_666 = tpu.vector_load %arg12[%swap3A_665] {strides = array<i32>} : memref<3264xf32, #tpu.memory_space<vmem>>, vector<16xf32>,
        tpu.vector_store %arg12[%swap3A_665], %gather3A_664 {strides = array<i32>} : memref<3264xf32, #tpu.memory_space<vmem>>, vector<16xf32>,
        %scan3A_667 = arith.constant 0 : i32
        %scan3A_668 = arith.constant 4 : i32
        %scan3A_669 = arith.addi %scan3A_620, %scan3A_668 : i32
        %mul3A_670 = arith.constant 16 : i32
        %mul3A_671 = arith.muli %scan3A_669, %mul3A_670 : i32
        %get3A_672 = arith.index_cast %mul3A_671 : i32 to index
        %get3A_673 = tpu.vector_load %arg8[%get3A_672] {strides = array<i32>} : memref<3264xi32, #tpu.memory_space<vmem>>, vector<16xi32>,
        %get3A_674 = arith.index_cast %mul3A_671 : i32 to index
        %get3A_675 = tpu.vector_load %arg9[%get3A_674] {strides = array<i32>} : memref<3264xi32, #tpu.memory_space<vmem>>, vector<16xi32>,
        %gather3A_676 = tpu.vector_load_idx %arg14[%get3A_673, %get3A_675] : memref<56x224xf32, #tpu.memory_space<vmem>>[vector<16xi32>, vector<16xi32>], vector<16xf32>,
        %swap3A_677 = arith.index_cast %mul3A_671 : i32 to index
        %swap3A_678 = tpu.vector_load %arg12[%swap3A_677] {strides = array<i32>} : memref<3264xf32, #tpu.memory_space<vmem>>, vector<16xf32>,
        tpu.vector_store %arg12[%swap3A_677], %gather3A_676 {strides = array<i32>} : memref<3264xf32, #tpu.memory_space<vmem>>, vector<16xf32>,
        %scan3A_679 = arith.constant 0 : i32
        %scan3A_680 = arith.constant 5 : i32
        %scan3A_681 = arith.addi %scan3A_620, %scan3A_680 : i32
        %mul3A_682 = arith.constant 16 : i32
        %mul3A_683 = arith.muli %scan3A_681, %mul3A_682 : i32
        %get3A_684 = arith.index_cast %mul3A_683 : i32 to index
        %get3A_685 = tpu.vector_load %arg8[%get3A_684] {strides = array<i32>} : memref<3264xi32, #tpu.memory_space<vmem>>, vector<16xi32>,
        %get3A_686 = arith.index_cast %mul3A_683 : i32 to index
        %get3A_687 = tpu.vector_load %arg9[%get3A_686] {strides = array<i32>} : memref<3264xi32, #tpu.memory_space<vmem>>, vector<16xi32>,
        %gather3A_688 = tpu.vector_load_idx %arg14[%get3A_685, %get3A_687] : memref<56x224xf32, #tpu.memory_space<vmem>>[vector<16xi32>, vector<16xi32>], vector<16xf32>,
        %swap3A_689 = arith.index_cast %mul3A_683 : i32 to index
        %swap3A_690 = tpu.vector_load %arg12[%swap3A_689] {strides = array<i32>} : memref<3264xf32, #tpu.memory_space<vmem>>, vector<16xf32>,
        tpu.vector_store %arg12[%swap3A_689], %gather3A_688 {strides = array<i32>} : memref<3264xf32, #tpu.memory_space<vmem>>, vector<16xf32>,
        %scan3A_691 = arith.constant 0 : i32
        %scan3A_692 = arith.constant 6 : i32
        %scan3A_693 = arith.addi %scan3A_620, %scan3A_692 : i32
        %mul3A_694 = arith.constant 16 : i32
        %mul3A_695 = arith.muli %scan3A_693, %mul3A_694 : i32
        %get3A_696 = arith.index_cast %mul3A_695 : i32 to index
        %get3A_697 = tpu.vector_load %arg8[%get3A_696] {strides = array<i32>} : memref<3264xi32, #tpu.memory_space<vmem>>, vector<16xi32>,
        %get3A_698 = arith.index_cast %mul3A_695 : i32 to index
        %get3A_699 = tpu.vector_load %arg9[%get3A_698] {strides = array<i32>} : memref<3264xi32, #tpu.memory_space<vmem>>, vector<16xi32>,
        %gather3A_700 = tpu.vector_load_idx %arg14[%get3A_697, %get3A_699] : memref<56x224xf32, #tpu.memory_space<vmem>>[vector<16xi32>, vector<16xi32>], vector<16xf32>,
        %swap3A_701 = arith.index_cast %mul3A_695 : i32 to index
        %swap3A_702 = tpu.vector_load %arg12[%swap3A_701] {strides = array<i32>} : memref<3264xf32, #tpu.memory_space<vmem>>, vector<16xf32>,
        tpu.vector_store %arg12[%swap3A_701], %gather3A_700 {strides = array<i32>} : memref<3264xf32, #tpu.memory_space<vmem>>, vector<16xf32>,
        %scan3A_703 = arith.constant 0 : i32
        %scan3A_704 = arith.constant 7 : i32
        %scan3A_705 = arith.addi %scan3A_620, %scan3A_704 : i32
        %mul3A_706 = arith.constant 16 : i32
        %mul3A_707 = arith.muli %scan3A_705, %mul3A_706 : i32
        %get3A_708 = arith.index_cast %mul3A_707 : i32 to index
        %get3A_709 = tpu.vector_load %arg8[%get3A_708] {strides = array<i32>} : memref<3264xi32, #tpu.memory_space<vmem>>, vector<16xi32>,
        %get3A_710 = arith.index_cast %mul3A_707 : i32 to index
        %get3A_711 = tpu.vector_load %arg9[%get3A_710] {strides = array<i32>} : memref<3264xi32, #tpu.memory_space<vmem>>, vector<16xi32>,
        %gather3A_712 = tpu.vector_load_idx %arg14[%get3A_709, %get3A_711] : memref<56x224xf32, #tpu.memory_space<vmem>>[vector<16xi32>, vector<16xi32>], vector<16xf32>,
        %swap3A_713 = arith.index_cast %mul3A_707 : i32 to index
        %swap3A_714 = tpu.vector_load %arg12[%swap3A_713] {strides = array<i32>} : memref<3264xf32, #tpu.memory_space<vmem>>, vector<16xf32>,
        tpu.vector_store %arg12[%swap3A_713], %gather3A_712 {strides = array<i32>} : memref<3264xf32, #tpu.memory_space<vmem>>, vector<16xf32>,
        %scan3A_715 = arith.constant 0 : i32
        scf.yield %scan3A_715 : i32
      }
      %scan3A_233 = arith.constant 200 : i32
      %scan3A_234 = arith.addi %scan3A_228, %scan3A_233 : i32
      %mul3A_235 = arith.constant 16 : i32
      %mul3A_236 = arith.muli %scan3A_234, %mul3A_235 : i32
      %get3A_237 = arith.index_cast %mul3A_236 : i32 to index
      %get3A_238 = tpu.vector_load %arg8[%get3A_237] {strides = array<i32>} : memref<3264xi32, #tpu.memory_space<vmem>>, vector<16xi32>,
      %get3A_239 = arith.index_cast %mul3A_236 : i32 to index
      %get3A_240 = tpu.vector_load %arg9[%get3A_239] {strides = array<i32>} : memref<3264xi32, #tpu.memory_space<vmem>>, vector<16xi32>,
      %gather3A_241 = tpu.vector_load_idx %arg14[%get3A_238, %get3A_240] : memref<56x224xf32, #tpu.memory_space<vmem>>[vector<16xi32>, vector<16xi32>], vector<16xf32>,
      %swap3A_242 = arith.index_cast %mul3A_236 : i32 to index
      %swap3A_243 = tpu.vector_load %arg12[%swap3A_242] {strides = array<i32>} : memref<3264xf32, #tpu.memory_space<vmem>>, vector<16xf32>,
      tpu.vector_store %arg12[%swap3A_242], %gather3A_241 {strides = array<i32>} : memref<3264xf32, #tpu.memory_space<vmem>>, vector<16xf32>,
      %scan3A_244 = arith.constant 0 : i32
      %scan3A_245 = arith.constant 201 : i32
      %scan3A_246 = arith.addi %scan3A_228, %scan3A_245 : i32
      %mul3A_247 = arith.constant 16 : i32
      %mul3A_248 = arith.muli %scan3A_246, %mul3A_247 : i32
      %get3A_249 = arith.index_cast %mul3A_248 : i32 to index
      %get3A_250 = tpu.vector_load %arg8[%get3A_249] {strides = array<i32>} : memref<3264xi32, #tpu.memory_space<vmem>>, vector<16xi32>,
      %get3A_251 = arith.index_cast %mul3A_248 : i32 to index
      %get3A_252 = tpu.vector_load %arg9[%get3A_251] {strides = array<i32>} : memref<3264xi32, #tpu.memory_space<vmem>>, vector<16xi32>,
      %gather3A_253 = tpu.vector_load_idx %arg14[%get3A_250, %get3A_252] : memref<56x224xf32, #tpu.memory_space<vmem>>[vector<16xi32>, vector<16xi32>], vector<16xf32>,
      %swap3A_254 = arith.index_cast %mul3A_248 : i32 to index
      %swap3A_255 = tpu.vector_load %arg12[%swap3A_254] {strides = array<i32>} : memref<3264xf32, #tpu.memory_space<vmem>>, vector<16xf32>,
      tpu.vector_store %arg12[%swap3A_254], %gather3A_253 {strides = array<i32>} : memref<3264xf32, #tpu.memory_space<vmem>>, vector<16xf32>,
      %scan3A_256 = arith.constant 0 : i32
      %scan3A_257 = arith.constant 202 : i32
      %scan3A_258 = arith.addi %scan3A_228, %scan3A_257 : i32
      %mul3A_259 = arith.constant 16 : i32
      %mul3A_260 = arith.muli %scan3A_258, %mul3A_259 : i32
      %get3A_261 = arith.index_cast %mul3A_260 : i32 to index
      %get3A_262 = tpu.vector_load %arg8[%get3A_261] {strides = array<i32>} : memref<3264xi32, #tpu.memory_space<vmem>>, vector<16xi32>,
      %get3A_263 = arith.index_cast %mul3A_260 : i32 to index
      %get3A_264 = tpu.vector_load %arg9[%get3A_263] {strides = array<i32>} : memref<3264xi32, #tpu.memory_space<vmem>>, vector<16xi32>,
      %gather3A_265 = tpu.vector_load_idx %arg14[%get3A_262, %get3A_264] : memref<56x224xf32, #tpu.memory_space<vmem>>[vector<16xi32>, vector<16xi32>], vector<16xf32>,
      %swap3A_266 = arith.index_cast %mul3A_260 : i32 to index
      %swap3A_267 = tpu.vector_load %arg12[%swap3A_266] {strides = array<i32>} : memref<3264xf32, #tpu.memory_space<vmem>>, vector<16xf32>,
      tpu.vector_store %arg12[%swap3A_266], %gather3A_265 {strides = array<i32>} : memref<3264xf32, #tpu.memory_space<vmem>>, vector<16xf32>,
      %scan3A_268 = arith.constant 0 : i32
      %scan3A_269 = arith.constant 203 : i32
      %scan3A_270 = arith.addi %scan3A_228, %scan3A_269 : i32
      %mul3A_271 = arith.constant 16 : i32
      %mul3A_272 = arith.muli %scan3A_270, %mul3A_271 : i32
      %get3A_273 = arith.index_cast %mul3A_272 : i32 to index
      %get3A_274 = tpu.vector_load %arg8[%get3A_273] {strides = array<i32>} : memref<3264xi32, #tpu.memory_space<vmem>>, vector<16xi32>,
      %get3A_275 = arith.index_cast %mul3A_272 : i32 to index
      %get3A_276 = tpu.vector_load %arg9[%get3A_275] {strides = array<i32>} : memref<3264xi32, #tpu.memory_space<vmem>>, vector<16xi32>,
      %gather3A_277 = tpu.vector_load_idx %arg14[%get3A_274, %get3A_276] : memref<56x224xf32, #tpu.memory_space<vmem>>[vector<16xi32>, vector<16xi32>], vector<16xf32>,
      %swap3A_278 = arith.index_cast %mul3A_272 : i32 to index
      %swap3A_279 = tpu.vector_load %arg12[%swap3A_278] {strides = array<i32>} : memref<3264xf32, #tpu.memory_space<vmem>>, vector<16xf32>,
      tpu.vector_store %arg12[%swap3A_278], %gather3A_277 {strides = array<i32>} : memref<3264xf32, #tpu.memory_space<vmem>>, vector<16xf32>,
      %scan3A_280 = arith.constant 0 : i32
      %scan3A_281 = arith.constant 204 : i32
      %scan3A_282 = arith.constant 0 : i32
      %scan3A_283 = arith.constant 0 : i32
      %scan3A_284 = arith.constant 200 : i32
      %scan3A_285 = arith.addi %scan3A_283, %scan3A_284 : i32
      %scan3A_286 = arith.constant 8 : i32
      %scan3A_287 = scf.for %scan3A_620 = %scan3A_283 to %scan3A_285 step %scan3A_286 iter_args(%scan3A_621 = %scan3A_282) -> (i32)  : i32 {
        %mul3A_622 = arith.constant 16 : i32
        %mul3A_623 = arith.muli %scan3A_620, %mul3A_622 : i32
        %get3A_624 = arith.index_cast %mul3A_623 : i32 to index
        %get3A_625 = tpu.vector_load %arg10[%get3A_624] {strides = array<i32>} : memref<3264xi32, #tpu.memory_space<vmem>>, vector<16xi32>,
        %get3A_626 = arith.index_cast %mul3A_623 : i32 to index
        %get3A_627 = tpu.vector_load %arg11[%get3A_626] {strides = array<i32>} : memref<3264xi32, #tpu.memory_space<vmem>>, vector<16xi32>,
        %get3A_628 = arith.index_cast %mul3A_623 : i32 to index
        %get3A_629 = tpu.vector_load %arg12[%get3A_628] {strides = array<i32>} : memref<3264xf32, #tpu.memory_space<vmem>>, vector<16xf32>,
        tpu.vector_store_idx %arg14[%get3A_625, %get3A_627], %get3A_629 : memref<56x224xf32, #tpu.memory_space<vmem>>[vector<16xi32>, vector<16xi32>], vector<16xf32>,
        %scan3A_630 = arith.constant 0 : i32
        %scan3A_631 = arith.constant 1 : i32
        %scan3A_632 = arith.addi %scan3A_620, %scan3A_631 : i32
        %mul3A_633 = arith.constant 16 : i32
        %mul3A_634 = arith.muli %scan3A_632, %mul3A_633 : i32
        %get3A_635 = arith.index_cast %mul3A_634 : i32 to index
        %get3A_636 = tpu.vector_load %arg10[%get3A_635] {strides = array<i32>} : memref<3264xi32, #tpu.memory_space<vmem>>, vector<16xi32>,
        %get3A_637 = arith.index_cast %mul3A_634 : i32 to index
        %get3A_638 = tpu.vector_load %arg11[%get3A_637] {strides = array<i32>} : memref<3264xi32, #tpu.memory_space<vmem>>, vector<16xi32>,
        %get3A_639 = arith.index_cast %mul3A_634 : i32 to index
        %get3A_640 = tpu.vector_load %arg12[%get3A_639] {strides = array<i32>} : memref<3264xf32, #tpu.memory_space<vmem>>, vector<16xf32>,
        tpu.vector_store_idx %arg14[%get3A_636, %get3A_638], %get3A_640 : memref<56x224xf32, #tpu.memory_space<vmem>>[vector<16xi32>, vector<16xi32>], vector<16xf32>,
        %scan3A_641 = arith.constant 0 : i32
        %scan3A_642 = arith.constant 2 : i32
        %scan3A_643 = arith.addi %scan3A_620, %scan3A_642 : i32
        %mul3A_644 = arith.constant 16 : i32
        %mul3A_645 = arith.muli %scan3A_643, %mul3A_644 : i32
        %get3A_646 = arith.index_cast %mul3A_645 : i32 to index
        %get3A_647 = tpu.vector_load %arg10[%get3A_646] {strides = array<i32>} : memref<3264xi32, #tpu.memory_space<vmem>>, vector<16xi32>,
        %get3A_648 = arith.index_cast %mul3A_645 : i32 to index
        %get3A_649 = tpu.vector_load %arg11[%get3A_648] {strides = array<i32>} : memref<3264xi32, #tpu.memory_space<vmem>>, vector<16xi32>,
        %get3A_650 = arith.index_cast %mul3A_645 : i32 to index
        %get3A_651 = tpu.vector_load %arg12[%get3A_650] {strides = array<i32>} : memref<3264xf32, #tpu.memory_space<vmem>>, vector<16xf32>,
        tpu.vector_store_idx %arg14[%get3A_647, %get3A_649], %get3A_651 : memref<56x224xf32, #tpu.memory_space<vmem>>[vector<16xi32>, vector<16xi32>], vector<16xf32>,
        %scan3A_652 = arith.constant 0 : i32
        %scan3A_653 = arith.constant 3 : i32
        %scan3A_654 = arith.addi %scan3A_620, %scan3A_653 : i32
        %mul3A_655 = arith.constant 16 : i32
        %mul3A_656 = arith.muli %scan3A_654, %mul3A_655 : i32
        %get3A_657 = arith.index_cast %mul3A_656 : i32 to index
        %get3A_658 = tpu.vector_load %arg10[%get3A_657] {strides = array<i32>} : memref<3264xi32, #tpu.memory_space<vmem>>, vector<16xi32>,
        %get3A_659 = arith.index_cast %mul3A_656 : i32 to index
        %get3A_660 = tpu.vector_load %arg11[%get3A_659] {strides = array<i32>} : memref<3264xi32, #tpu.memory_space<vmem>>, vector<16xi32>,
        %get3A_661 = arith.index_cast %mul3A_656 : i32 to index
        %get3A_662 = tpu.vector_load %arg12[%get3A_661] {strides = array<i32>} : memref<3264xf32, #tpu.memory_space<vmem>>, vector<16xf32>,
        tpu.vector_store_idx %arg14[%get3A_658, %get3A_660], %get3A_662 : memref<56x224xf32, #tpu.memory_space<vmem>>[vector<16xi32>, vector<16xi32>], vector<16xf32>,
        %scan3A_663 = arith.constant 0 : i32
        %scan3A_664 = arith.constant 4 : i32
        %scan3A_665 = arith.addi %scan3A_620, %scan3A_664 : i32
        %mul3A_666 = arith.constant 16 : i32
        %mul3A_667 = arith.muli %scan3A_665, %mul3A_666 : i32
        %get3A_668 = arith.index_cast %mul3A_667 : i32 to index
        %get3A_669 = tpu.vector_load %arg10[%get3A_668] {strides = array<i32>} : memref<3264xi32, #tpu.memory_space<vmem>>, vector<16xi32>,
        %get3A_670 = arith.index_cast %mul3A_667 : i32 to index
        %get3A_671 = tpu.vector_load %arg11[%get3A_670] {strides = array<i32>} : memref<3264xi32, #tpu.memory_space<vmem>>, vector<16xi32>,
        %get3A_672 = arith.index_cast %mul3A_667 : i32 to index
        %get3A_673 = tpu.vector_load %arg12[%get3A_672] {strides = array<i32>} : memref<3264xf32, #tpu.memory_space<vmem>>, vector<16xf32>,
        tpu.vector_store_idx %arg14[%get3A_669, %get3A_671], %get3A_673 : memref<56x224xf32, #tpu.memory_space<vmem>>[vector<16xi32>, vector<16xi32>], vector<16xf32>,
        %scan3A_674 = arith.constant 0 : i32
        %scan3A_675 = arith.constant 5 : i32
        %scan3A_676 = arith.addi %scan3A_620, %scan3A_675 : i32
        %mul3A_677 = arith.constant 16 : i32
        %mul3A_678 = arith.muli %scan3A_676, %mul3A_677 : i32
        %get3A_679 = arith.index_cast %mul3A_678 : i32 to index
        %get3A_680 = tpu.vector_load %arg10[%get3A_679] {strides = array<i32>} : memref<3264xi32, #tpu.memory_space<vmem>>, vector<16xi32>,
        %get3A_681 = arith.index_cast %mul3A_678 : i32 to index
        %get3A_682 = tpu.vector_load %arg11[%get3A_681] {strides = array<i32>} : memref<3264xi32, #tpu.memory_space<vmem>>, vector<16xi32>,
        %get3A_683 = arith.index_cast %mul3A_678 : i32 to index
        %get3A_684 = tpu.vector_load %arg12[%get3A_683] {strides = array<i32>} : memref<3264xf32, #tpu.memory_space<vmem>>, vector<16xf32>,
        tpu.vector_store_idx %arg14[%get3A_680, %get3A_682], %get3A_684 : memref<56x224xf32, #tpu.memory_space<vmem>>[vector<16xi32>, vector<16xi32>], vector<16xf32>,
        %scan3A_685 = arith.constant 0 : i32
        %scan3A_686 = arith.constant 6 : i32
        %scan3A_687 = arith.addi %scan3A_620, %scan3A_686 : i32
        %mul3A_688 = arith.constant 16 : i32
        %mul3A_689 = arith.muli %scan3A_687, %mul3A_688 : i32
        %get3A_690 = arith.index_cast %mul3A_689 : i32 to index
        %get3A_691 = tpu.vector_load %arg10[%get3A_690] {strides = array<i32>} : memref<3264xi32, #tpu.memory_space<vmem>>, vector<16xi32>,
        %get3A_692 = arith.index_cast %mul3A_689 : i32 to index
        %get3A_693 = tpu.vector_load %arg11[%get3A_692] {strides = array<i32>} : memref<3264xi32, #tpu.memory_space<vmem>>, vector<16xi32>,
        %get3A_694 = arith.index_cast %mul3A_689 : i32 to index
        %get3A_695 = tpu.vector_load %arg12[%get3A_694] {strides = array<i32>} : memref<3264xf32, #tpu.memory_space<vmem>>, vector<16xf32>,
        tpu.vector_store_idx %arg14[%get3A_691, %get3A_693], %get3A_695 : memref<56x224xf32, #tpu.memory_space<vmem>>[vector<16xi32>, vector<16xi32>], vector<16xf32>,
        %scan3A_696 = arith.constant 0 : i32
        %scan3A_697 = arith.constant 7 : i32
        %scan3A_698 = arith.addi %scan3A_620, %scan3A_697 : i32
        %mul3A_699 = arith.constant 16 : i32
        %mul3A_700 = arith.muli %scan3A_698, %mul3A_699 : i32
        %get3A_701 = arith.index_cast %mul3A_700 : i32 to index
        %get3A_702 = tpu.vector_load %arg10[%get3A_701] {strides = array<i32>} : memref<3264xi32, #tpu.memory_space<vmem>>, vector<16xi32>,
        %get3A_703 = arith.index_cast %mul3A_700 : i32 to index
        %get3A_704 = tpu.vector_load %arg11[%get3A_703] {strides = array<i32>} : memref<3264xi32, #tpu.memory_space<vmem>>, vector<16xi32>,
        %get3A_705 = arith.index_cast %mul3A_700 : i32 to index
        %get3A_706 = tpu.vector_load %arg12[%get3A_705] {strides = array<i32>} : memref<3264xf32, #tpu.memory_space<vmem>>, vector<16xf32>,
        tpu.vector_store_idx %arg14[%get3A_702, %get3A_704], %get3A_706 : memref<56x224xf32, #tpu.memory_space<vmem>>[vector<16xi32>, vector<16xi32>], vector<16xf32>,
        %scan3A_707 = arith.constant 0 : i32
        scf.yield %scan3A_707 : i32
      }
      %scan3A_288 = arith.constant 200 : i32
      %scan3A_289 = arith.addi %scan3A_283, %scan3A_288 : i32
      %mul3A_290 = arith.constant 16 : i32
      %mul3A_291 = arith.muli %scan3A_289, %mul3A_290 : i32
      %get3A_292 = arith.index_cast %mul3A_291 : i32 to index
      %get3A_293 = tpu.vector_load %arg10[%get3A_292] {strides = array<i32>} : memref<3264xi32, #tpu.memory_space<vmem>>, vector<16xi32>,
      %get3A_294 = arith.index_cast %mul3A_291 : i32 to index
      %get3A_295 = tpu.vector_load %arg11[%get3A_294] {strides = array<i32>} : memref<3264xi32, #tpu.memory_space<vmem>>, vector<16xi32>,
      %get3A_296 = arith.index_cast %mul3A_291 : i32 to index
      %get3A_297 = tpu.vector_load %arg12[%get3A_296] {strides = array<i32>} : memref<3264xf32, #tpu.memory_space<vmem>>, vector<16xf32>,
      tpu.vector_store_idx %arg14[%get3A_293, %get3A_295], %get3A_297 : memref<56x224xf32, #tpu.memory_space<vmem>>[vector<16xi32>, vector<16xi32>], vector<16xf32>,
      %scan3A_298 = arith.constant 0 : i32
      %scan3A_299 = arith.constant 201 : i32
      %scan3A_300 = arith.addi %scan3A_283, %scan3A_299 : i32
      %mul3A_301 = arith.constant 16 : i32
      %mul3A_302 = arith.muli %scan3A_300, %mul3A_301 : i32
      %get3A_303 = arith.index_cast %mul3A_302 : i32 to index
      %get3A_304 = tpu.vector_load %arg10[%get3A_303] {strides = array<i32>} : memref<3264xi32, #tpu.memory_space<vmem>>, vector<16xi32>,
      %get3A_305 = arith.index_cast %mul3A_302 : i32 to index
      %get3A_306 = tpu.vector_load %arg11[%get3A_305] {strides = array<i32>} : memref<3264xi32, #tpu.memory_space<vmem>>, vector<16xi32>,
      %get3A_307 = arith.index_cast %mul3A_302 : i32 to index
      %get3A_308 = tpu.vector_load %arg12[%get3A_307] {strides = array<i32>} : memref<3264xf32, #tpu.memory_space<vmem>>, vector<16xf32>,
      tpu.vector_store_idx %arg14[%get3A_304, %get3A_306], %get3A_308 : memref<56x224xf32, #tpu.memory_space<vmem>>[vector<16xi32>, vector<16xi32>], vector<16xf32>,
      %scan3A_309 = arith.constant 0 : i32
      %scan3A_310 = arith.constant 202 : i32
      %scan3A_311 = arith.addi %scan3A_283, %scan3A_310 : i32
      %mul3A_312 = arith.constant 16 : i32
      %mul3A_313 = arith.muli %scan3A_311, %mul3A_312 : i32
      %get3A_314 = arith.index_cast %mul3A_313 : i32 to index
      %get3A_315 = tpu.vector_load %arg10[%get3A_314] {strides = array<i32>} : memref<3264xi32, #tpu.memory_space<vmem>>, vector<16xi32>,
      %get3A_316 = arith.index_cast %mul3A_313 : i32 to index
      %get3A_317 = tpu.vector_load %arg11[%get3A_316] {strides = array<i32>} : memref<3264xi32, #tpu.memory_space<vmem>>, vector<16xi32>,
      %get3A_318 = arith.index_cast %mul3A_313 : i32 to index
      %get3A_319 = tpu.vector_load %arg12[%get3A_318] {strides = array<i32>} : memref<3264xf32, #tpu.memory_space<vmem>>, vector<16xf32>,
      tpu.vector_store_idx %arg14[%get3A_315, %get3A_317], %get3A_319 : memref<56x224xf32, #tpu.memory_space<vmem>>[vector<16xi32>, vector<16xi32>], vector<16xf32>,
      %scan3A_320 = arith.constant 0 : i32
      %scan3A_321 = arith.constant 203 : i32
      %scan3A_322 = arith.addi %scan3A_283, %scan3A_321 : i32
      %mul3A_323 = arith.constant 16 : i32
      %mul3A_324 = arith.muli %scan3A_322, %mul3A_323 : i32
      %get3A_325 = arith.index_cast %mul3A_324 : i32 to index
      %get3A_326 = tpu.vector_load %arg10[%get3A_325] {strides = array<i32>} : memref<3264xi32, #tpu.memory_space<vmem>>, vector<16xi32>,
      %get3A_327 = arith.index_cast %mul3A_324 : i32 to index
      %get3A_328 = tpu.vector_load %arg11[%get3A_327] {strides = array<i32>} : memref<3264xi32, #tpu.memory_space<vmem>>, vector<16xi32>,
      %get3A_329 = arith.index_cast %mul3A_324 : i32 to index
      %get3A_330 = tpu.vector_load %arg12[%get3A_329] {strides = array<i32>} : memref<3264xf32, #tpu.memory_space<vmem>>, vector<16xf32>,
      tpu.vector_store_idx %arg14[%get3A_326, %get3A_328], %get3A_330 : memref<56x224xf32, #tpu.memory_space<vmem>>[vector<16xi32>, vector<16xi32>], vector<16xf32>,
      %scan3A_331 = arith.constant 0 : i32
      %scan3A_332 = arith.constant 204 : i32
      %add3A_333 = arith.addi %mul3A_2, %add3A_217 : i32
      %dma_start3A_334 = arith.constant 0 : i32
      %dma_start3A_335 = arith.constant 0 : i32
      %dma_start3A_336 = tpu.memref_slice %arg7[%add3A_333, %dma_start3A_334, %dma_start3A_335] : memref<768x56x224xf32, #tpu.memory_space<hbm>> -> memref<1x56x224xf32, #tpu.memory_space<hbm>>
      %dma_start3A_337 = tpu.memref_squeeze %dma_start3A_336 : memref<1x56x224xf32, #tpu.memory_space<hbm>> -> memref<56x224xf32, #tpu.memory_space<hbm>>
      %dma_start3A_338 = arith.constant 0 : i32
      %dma_start3A_339 = arith.constant 0 : i32
      %dma_start3A_340 = tpu.memref_slice %arg7[%add3A_333, %dma_start3A_338, %dma_start3A_339] : memref<768x56x224xf32, #tpu.memory_space<hbm>> -> memref<1x56x224xf32, #tpu.memory_space<hbm>>
      %dma_start3A_341 = tpu.memref_squeeze %dma_start3A_340 : memref<1x56x224xf32, #tpu.memory_space<hbm>> -> memref<56x224xf32, #tpu.memory_space<hbm>>
      tpu.enqueue_dma source(%arg14 : memref<56x224xf32, #tpu.memory_space<vmem>>) target(%dma_start3A_341 : memref<56x224xf32, #tpu.memory_space<hbm>>) target_semaphore(%arg22 : memref<!tpu.dma_semaphore, #tpu.memory_space<semaphore_mem>>)
      %add3A_342 = arith.constant 4 : i32
      %add3A_343 = arith.addi %add3A_217, %add3A_342 : i32
      %lt3A_344 = arith.constant 24 : i32
      %lt3A_345 = arith.cmpi slt, %add3A_343, %lt3A_344 : i32
      %convert_element_type3A_346 = arith.extui %lt3A_345 : i1 to i32
      %cond3A_347 = arith.constant 0 : i32
      %cond3A_348 = arith.cmpi ne, %convert_element_type3A_346, %cond3A_347 : i32
      scf.if %cond3A_348 {
        %dma_wait3A_620 = arith.constant 0 : i32
        %dma_wait3A_621 = arith.constant 0 : i32
        %dma_wait3A_622 = arith.constant 0 : i32
        %dma_wait3A_623 = tpu.memref_slice %arg7[%dma_wait3A_620, %dma_wait3A_621, %dma_wait3A_622] : memref<768x56x224xf32, #tpu.memory_space<hbm>> -> memref<1x56x224xf32, #tpu.memory_space<hbm>>
        %dma_wait3A_624 = tpu.memref_squeeze %dma_wait3A_623 : memref<1x56x224xf32, #tpu.memory_space<hbm>> -> memref<56x224xf32, #tpu.memory_space<hbm>>
        %dma_wait3A_625 = arith.constant 0 : i32
        %dma_wait3A_626 = arith.constant 0 : i32
        %dma_wait3A_627 = tpu.memref_slice %arg7[%dma_wait3A_620, %dma_wait3A_625, %dma_wait3A_626] : memref<768x56x224xf32, #tpu.memory_space<hbm>> -> memref<1x56x224xf32, #tpu.memory_space<hbm>>
        %dma_wait3A_628 = tpu.memref_squeeze %dma_wait3A_627 : memref<1x56x224xf32, #tpu.memory_space<hbm>> -> memref<56x224xf32, #tpu.memory_space<hbm>>
        tpu.wait_dma2 semaphore(%arg22 : memref<!tpu.dma_semaphore, #tpu.memory_space<semaphore_mem>>) src(%arg14 : memref<56x224xf32, #tpu.memory_space<vmem>>) dst(%dma_wait3A_628 : memref<56x224xf32, #tpu.memory_space<hbm>>)
        %add3A_629 = arith.addi %mul3A_2, %add3A_217 : i32
        %add3A_630 = arith.constant 4 : i32
        %add3A_631 = arith.addi %add3A_629, %add3A_630 : i32
        %dma_start3A_632 = arith.constant 160 : i32
        %dma_start3A_633 = arith.constant 0 : i32
        %dma_start3A_634 = tpu.memref_slice %arg2[%add3A_631, %dma_start3A_632, %dma_start3A_633] : memref<768x224x224xf32, #tpu.memory_space<hbm>> -> memref<1x56x224xf32, #tpu.memory_space<hbm>>
        %dma_start3A_635 = tpu.memref_squeeze %dma_start3A_634 : memref<1x56x224xf32, #tpu.memory_space<hbm>> -> memref<56x224xf32, #tpu.memory_space<hbm>>
        %dma_start3A_636 = arith.constant 160 : i32
        %dma_start3A_637 = arith.constant 0 : i32
        %dma_start3A_638 = tpu.memref_slice %arg2[%add3A_631, %dma_start3A_636, %dma_start3A_637] : memref<768x224x224xf32, #tpu.memory_space<hbm>> -> memref<1x56x224xf32, #tpu.memory_space<hbm>>
        %dma_start3A_639 = tpu.memref_squeeze %dma_start3A_638 : memref<1x56x224xf32, #tpu.memory_space<hbm>> -> memref<56x224xf32, #tpu.memory_space<hbm>>
        tpu.enqueue_dma source(%dma_start3A_639 : memref<56x224xf32, #tpu.memory_space<hbm>>) target(%arg14 : memref<56x224xf32, #tpu.memory_space<vmem>>) target_semaphore(%arg18 : memref<!tpu.dma_semaphore, #tpu.memory_space<semaphore_mem>>)
      } else {
      }
      %mul3A_349 = arith.constant 4 : i32
      %mul3A_350 = arith.muli %scan3A_83, %mul3A_349 : i32
      %add3A_351 = arith.constant 2 : i32
      %add3A_352 = arith.addi %mul3A_350, %add3A_351 : i32
      %dma_wait3A_353 = arith.constant 0 : i32
      %dma_wait3A_354 = arith.constant 160 : i32
      %dma_wait3A_355 = arith.constant 0 : i32
      %dma_wait3A_356 = tpu.memref_slice %arg2[%dma_wait3A_353, %dma_wait3A_354, %dma_wait3A_355] : memref<768x224x224xf32, #tpu.memory_space<hbm>> -> memref<1x56x224xf32, #tpu.memory_space<hbm>>
      %dma_wait3A_357 = tpu.memref_squeeze %dma_wait3A_356 : memref<1x56x224xf32, #tpu.memory_space<hbm>> -> memref<56x224xf32, #tpu.memory_space<hbm>>
      %dma_wait3A_358 = arith.constant 160 : i32
      %dma_wait3A_359 = arith.constant 0 : i32
      %dma_wait3A_360 = tpu.memref_slice %arg2[%dma_wait3A_353, %dma_wait3A_358, %dma_wait3A_359] : memref<768x224x224xf32, #tpu.memory_space<hbm>> -> memref<1x56x224xf32, #tpu.memory_space<hbm>>
      %dma_wait3A_361 = tpu.memref_squeeze %dma_wait3A_360 : memref<1x56x224xf32, #tpu.memory_space<hbm>> -> memref<56x224xf32, #tpu.memory_space<hbm>>
      tpu.wait_dma2 semaphore(%arg19 : memref<!tpu.dma_semaphore, #tpu.memory_space<semaphore_mem>>) src(%dma_wait3A_361 : memref<56x224xf32, #tpu.memory_space<hbm>>) dst(%arg15 : memref<56x224xf32, #tpu.memory_space<vmem>>)
      %scan3A_362 = arith.constant 0 : i32
      %scan3A_363 = arith.constant 0 : i32
      %scan3A_364 = arith.constant 200 : i32
      %scan3A_365 = arith.addi %scan3A_363, %scan3A_364 : i32
      %scan3A_366 = arith.constant 8 : i32
      %scan3A_367 = scf.for %scan3A_620 = %scan3A_363 to %scan3A_365 step %scan3A_366 iter_args(%scan3A_621 = %scan3A_362) -> (i32)  : i32 {
        %mul3A_622 = arith.constant 16 : i32
        %mul3A_623 = arith.muli %scan3A_620, %mul3A_622 : i32
        %get3A_624 = arith.index_cast %mul3A_623 : i32 to index
        %get3A_625 = tpu.vector_load %arg8[%get3A_624] {strides = array<i32>} : memref<3264xi32, #tpu.memory_space<vmem>>, vector<16xi32>,
        %get3A_626 = arith.index_cast %mul3A_623 : i32 to index
        %get3A_627 = tpu.vector_load %arg9[%get3A_626] {strides = array<i32>} : memref<3264xi32, #tpu.memory_space<vmem>>, vector<16xi32>,
        %gather3A_628 = tpu.vector_load_idx %arg15[%get3A_625, %get3A_627] : memref<56x224xf32, #tpu.memory_space<vmem>>[vector<16xi32>, vector<16xi32>], vector<16xf32>,
        %swap3A_629 = arith.index_cast %mul3A_623 : i32 to index
        %swap3A_630 = tpu.vector_load %arg12[%swap3A_629] {strides = array<i32>} : memref<3264xf32, #tpu.memory_space<vmem>>, vector<16xf32>,
        tpu.vector_store %arg12[%swap3A_629], %gather3A_628 {strides = array<i32>} : memref<3264xf32, #tpu.memory_space<vmem>>, vector<16xf32>,
        %scan3A_631 = arith.constant 0 : i32
        %scan3A_632 = arith.constant 1 : i32
        %scan3A_633 = arith.addi %scan3A_620, %scan3A_632 : i32
        %mul3A_634 = arith.constant 16 : i32
        %mul3A_635 = arith.muli %scan3A_633, %mul3A_634 : i32
        %get3A_636 = arith.index_cast %mul3A_635 : i32 to index
        %get3A_637 = tpu.vector_load %arg8[%get3A_636] {strides = array<i32>} : memref<3264xi32, #tpu.memory_space<vmem>>, vector<16xi32>,
        %get3A_638 = arith.index_cast %mul3A_635 : i32 to index
        %get3A_639 = tpu.vector_load %arg9[%get3A_638] {strides = array<i32>} : memref<3264xi32, #tpu.memory_space<vmem>>, vector<16xi32>,
        %gather3A_640 = tpu.vector_load_idx %arg15[%get3A_637, %get3A_639] : memref<56x224xf32, #tpu.memory_space<vmem>>[vector<16xi32>, vector<16xi32>], vector<16xf32>,
        %swap3A_641 = arith.index_cast %mul3A_635 : i32 to index
        %swap3A_642 = tpu.vector_load %arg12[%swap3A_641] {strides = array<i32>} : memref<3264xf32, #tpu.memory_space<vmem>>, vector<16xf32>,
        tpu.vector_store %arg12[%swap3A_641], %gather3A_640 {strides = array<i32>} : memref<3264xf32, #tpu.memory_space<vmem>>, vector<16xf32>,
        %scan3A_643 = arith.constant 0 : i32
        %scan3A_644 = arith.constant 2 : i32
        %scan3A_645 = arith.addi %scan3A_620, %scan3A_644 : i32
        %mul3A_646 = arith.constant 16 : i32
        %mul3A_647 = arith.muli %scan3A_645, %mul3A_646 : i32
        %get3A_648 = arith.index_cast %mul3A_647 : i32 to index
        %get3A_649 = tpu.vector_load %arg8[%get3A_648] {strides = array<i32>} : memref<3264xi32, #tpu.memory_space<vmem>>, vector<16xi32>,
        %get3A_650 = arith.index_cast %mul3A_647 : i32 to index
        %get3A_651 = tpu.vector_load %arg9[%get3A_650] {strides = array<i32>} : memref<3264xi32, #tpu.memory_space<vmem>>, vector<16xi32>,
        %gather3A_652 = tpu.vector_load_idx %arg15[%get3A_649, %get3A_651] : memref<56x224xf32, #tpu.memory_space<vmem>>[vector<16xi32>, vector<16xi32>], vector<16xf32>,
        %swap3A_653 = arith.index_cast %mul3A_647 : i32 to index
        %swap3A_654 = tpu.vector_load %arg12[%swap3A_653] {strides = array<i32>} : memref<3264xf32, #tpu.memory_space<vmem>>, vector<16xf32>,
        tpu.vector_store %arg12[%swap3A_653], %gather3A_652 {strides = array<i32>} : memref<3264xf32, #tpu.memory_space<vmem>>, vector<16xf32>,
        %scan3A_655 = arith.constant 0 : i32
        %scan3A_656 = arith.constant 3 : i32
        %scan3A_657 = arith.addi %scan3A_620, %scan3A_656 : i32
        %mul3A_658 = arith.constant 16 : i32
        %mul3A_659 = arith.muli %scan3A_657, %mul3A_658 : i32
        %get3A_660 = arith.index_cast %mul3A_659 : i32 to index
        %get3A_661 = tpu.vector_load %arg8[%get3A_660] {strides = array<i32>} : memref<3264xi32, #tpu.memory_space<vmem>>, vector<16xi32>,
        %get3A_662 = arith.index_cast %mul3A_659 : i32 to index
        %get3A_663 = tpu.vector_load %arg9[%get3A_662] {strides = array<i32>} : memref<3264xi32, #tpu.memory_space<vmem>>, vector<16xi32>,
        %gather3A_664 = tpu.vector_load_idx %arg15[%get3A_661, %get3A_663] : memref<56x224xf32, #tpu.memory_space<vmem>>[vector<16xi32>, vector<16xi32>], vector<16xf32>,
        %swap3A_665 = arith.index_cast %mul3A_659 : i32 to index
        %swap3A_666 = tpu.vector_load %arg12[%swap3A_665] {strides = array<i32>} : memref<3264xf32, #tpu.memory_space<vmem>>, vector<16xf32>,
        tpu.vector_store %arg12[%swap3A_665], %gather3A_664 {strides = array<i32>} : memref<3264xf32, #tpu.memory_space<vmem>>, vector<16xf32>,
        %scan3A_667 = arith.constant 0 : i32
        %scan3A_668 = arith.constant 4 : i32
        %scan3A_669 = arith.addi %scan3A_620, %scan3A_668 : i32
        %mul3A_670 = arith.constant 16 : i32
        %mul3A_671 = arith.muli %scan3A_669, %mul3A_670 : i32
        %get3A_672 = arith.index_cast %mul3A_671 : i32 to index
        %get3A_673 = tpu.vector_load %arg8[%get3A_672] {strides = array<i32>} : memref<3264xi32, #tpu.memory_space<vmem>>, vector<16xi32>,
        %get3A_674 = arith.index_cast %mul3A_671 : i32 to index
        %get3A_675 = tpu.vector_load %arg9[%get3A_674] {strides = array<i32>} : memref<3264xi32, #tpu.memory_space<vmem>>, vector<16xi32>,
        %gather3A_676 = tpu.vector_load_idx %arg15[%get3A_673, %get3A_675] : memref<56x224xf32, #tpu.memory_space<vmem>>[vector<16xi32>, vector<16xi32>], vector<16xf32>,
        %swap3A_677 = arith.index_cast %mul3A_671 : i32 to index
        %swap3A_678 = tpu.vector_load %arg12[%swap3A_677] {strides = array<i32>} : memref<3264xf32, #tpu.memory_space<vmem>>, vector<16xf32>,
        tpu.vector_store %arg12[%swap3A_677], %gather3A_676 {strides = array<i32>} : memref<3264xf32, #tpu.memory_space<vmem>>, vector<16xf32>,
        %scan3A_679 = arith.constant 0 : i32
        %scan3A_680 = arith.constant 5 : i32
        %scan3A_681 = arith.addi %scan3A_620, %scan3A_680 : i32
        %mul3A_682 = arith.constant 16 : i32
        %mul3A_683 = arith.muli %scan3A_681, %mul3A_682 : i32
        %get3A_684 = arith.index_cast %mul3A_683 : i32 to index
        %get3A_685 = tpu.vector_load %arg8[%get3A_684] {strides = array<i32>} : memref<3264xi32, #tpu.memory_space<vmem>>, vector<16xi32>,
        %get3A_686 = arith.index_cast %mul3A_683 : i32 to index
        %get3A_687 = tpu.vector_load %arg9[%get3A_686] {strides = array<i32>} : memref<3264xi32, #tpu.memory_space<vmem>>, vector<16xi32>,
        %gather3A_688 = tpu.vector_load_idx %arg15[%get3A_685, %get3A_687] : memref<56x224xf32, #tpu.memory_space<vmem>>[vector<16xi32>, vector<16xi32>], vector<16xf32>,
        %swap3A_689 = arith.index_cast %mul3A_683 : i32 to index
        %swap3A_690 = tpu.vector_load %arg12[%swap3A_689] {strides = array<i32>} : memref<3264xf32, #tpu.memory_space<vmem>>, vector<16xf32>,
        tpu.vector_store %arg12[%swap3A_689], %gather3A_688 {strides = array<i32>} : memref<3264xf32, #tpu.memory_space<vmem>>, vector<16xf32>,
        %scan3A_691 = arith.constant 0 : i32
        %scan3A_692 = arith.constant 6 : i32
        %scan3A_693 = arith.addi %scan3A_620, %scan3A_692 : i32
        %mul3A_694 = arith.constant 16 : i32
        %mul3A_695 = arith.muli %scan3A_693, %mul3A_694 : i32
        %get3A_696 = arith.index_cast %mul3A_695 : i32 to index
        %get3A_697 = tpu.vector_load %arg8[%get3A_696] {strides = array<i32>} : memref<3264xi32, #tpu.memory_space<vmem>>, vector<16xi32>,
        %get3A_698 = arith.index_cast %mul3A_695 : i32 to index
        %get3A_699 = tpu.vector_load %arg9[%get3A_698] {strides = array<i32>} : memref<3264xi32, #tpu.memory_space<vmem>>, vector<16xi32>,
        %gather3A_700 = tpu.vector_load_idx %arg15[%get3A_697, %get3A_699] : memref<56x224xf32, #tpu.memory_space<vmem>>[vector<16xi32>, vector<16xi32>], vector<16xf32>,
        %swap3A_701 = arith.index_cast %mul3A_695 : i32 to index
        %swap3A_702 = tpu.vector_load %arg12[%swap3A_701] {strides = array<i32>} : memref<3264xf32, #tpu.memory_space<vmem>>, vector<16xf32>,
        tpu.vector_store %arg12[%swap3A_701], %gather3A_700 {strides = array<i32>} : memref<3264xf32, #tpu.memory_space<vmem>>, vector<16xf32>,
        %scan3A_703 = arith.constant 0 : i32
        %scan3A_704 = arith.constant 7 : i32
        %scan3A_705 = arith.addi %scan3A_620, %scan3A_704 : i32
        %mul3A_706 = arith.constant 16 : i32
        %mul3A_707 = arith.muli %scan3A_705, %mul3A_706 : i32
        %get3A_708 = arith.index_cast %mul3A_707 : i32 to index
        %get3A_709 = tpu.vector_load %arg8[%get3A_708] {strides = array<i32>} : memref<3264xi32, #tpu.memory_space<vmem>>, vector<16xi32>,
        %get3A_710 = arith.index_cast %mul3A_707 : i32 to index
        %get3A_711 = tpu.vector_load %arg9[%get3A_710] {strides = array<i32>} : memref<3264xi32, #tpu.memory_space<vmem>>, vector<16xi32>,
        %gather3A_712 = tpu.vector_load_idx %arg15[%get3A_709, %get3A_711] : memref<56x224xf32, #tpu.memory_space<vmem>>[vector<16xi32>, vector<16xi32>], vector<16xf32>,
        %swap3A_713 = arith.index_cast %mul3A_707 : i32 to index
        %swap3A_714 = tpu.vector_load %arg12[%swap3A_713] {strides = array<i32>} : memref<3264xf32, #tpu.memory_space<vmem>>, vector<16xf32>,
        tpu.vector_store %arg12[%swap3A_713], %gather3A_712 {strides = array<i32>} : memref<3264xf32, #tpu.memory_space<vmem>>, vector<16xf32>,
        %scan3A_715 = arith.constant 0 : i32
        scf.yield %scan3A_715 : i32
      }
      %scan3A_368 = arith.constant 200 : i32
      %scan3A_369 = arith.addi %scan3A_363, %scan3A_368 : i32
      %mul3A_370 = arith.constant 16 : i32
      %mul3A_371 = arith.muli %scan3A_369, %mul3A_370 : i32
      %get3A_372 = arith.index_cast %mul3A_371 : i32 to index
      %get3A_373 = tpu.vector_load %arg8[%get3A_372] {strides = array<i32>} : memref<3264xi32, #tpu.memory_space<vmem>>, vector<16xi32>,
      %get3A_374 = arith.index_cast %mul3A_371 : i32 to index
      %get3A_375 = tpu.vector_load %arg9[%get3A_374] {strides = array<i32>} : memref<3264xi32, #tpu.memory_space<vmem>>, vector<16xi32>,
      %gather3A_376 = tpu.vector_load_idx %arg15[%get3A_373, %get3A_375] : memref<56x224xf32, #tpu.memory_space<vmem>>[vector<16xi32>, vector<16xi32>], vector<16xf32>,
      %swap3A_377 = arith.index_cast %mul3A_371 : i32 to index
      %swap3A_378 = tpu.vector_load %arg12[%swap3A_377] {strides = array<i32>} : memref<3264xf32, #tpu.memory_space<vmem>>, vector<16xf32>,
      tpu.vector_store %arg12[%swap3A_377], %gather3A_376 {strides = array<i32>} : memref<3264xf32, #tpu.memory_space<vmem>>, vector<16xf32>,
      %scan3A_379 = arith.constant 0 : i32
      %scan3A_380 = arith.constant 201 : i32
      %scan3A_381 = arith.addi %scan3A_363, %scan3A_380 : i32
      %mul3A_382 = arith.constant 16 : i32
      %mul3A_383 = arith.muli %scan3A_381, %mul3A_382 : i32
      %get3A_384 = arith.index_cast %mul3A_383 : i32 to index
      %get3A_385 = tpu.vector_load %arg8[%get3A_384] {strides = array<i32>} : memref<3264xi32, #tpu.memory_space<vmem>>, vector<16xi32>,
      %get3A_386 = arith.index_cast %mul3A_383 : i32 to index
      %get3A_387 = tpu.vector_load %arg9[%get3A_386] {strides = array<i32>} : memref<3264xi32, #tpu.memory_space<vmem>>, vector<16xi32>,
      %gather3A_388 = tpu.vector_load_idx %arg15[%get3A_385, %get3A_387] : memref<56x224xf32, #tpu.memory_space<vmem>>[vector<16xi32>, vector<16xi32>], vector<16xf32>,
      %swap3A_389 = arith.index_cast %mul3A_383 : i32 to index
      %swap3A_390 = tpu.vector_load %arg12[%swap3A_389] {strides = array<i32>} : memref<3264xf32, #tpu.memory_space<vmem>>, vector<16xf32>,
      tpu.vector_store %arg12[%swap3A_389], %gather3A_388 {strides = array<i32>} : memref<3264xf32, #tpu.memory_space<vmem>>, vector<16xf32>,
      %scan3A_391 = arith.constant 0 : i32
      %scan3A_392 = arith.constant 202 : i32
      %scan3A_393 = arith.addi %scan3A_363, %scan3A_392 : i32
      %mul3A_394 = arith.constant 16 : i32
      %mul3A_395 = arith.muli %scan3A_393, %mul3A_394 : i32
      %get3A_396 = arith.index_cast %mul3A_395 : i32 to index
      %get3A_397 = tpu.vector_load %arg8[%get3A_396] {strides = array<i32>} : memref<3264xi32, #tpu.memory_space<vmem>>, vector<16xi32>,
      %get3A_398 = arith.index_cast %mul3A_395 : i32 to index
      %get3A_399 = tpu.vector_load %arg9[%get3A_398] {strides = array<i32>} : memref<3264xi32, #tpu.memory_space<vmem>>, vector<16xi32>,
      %gather3A_400 = tpu.vector_load_idx %arg15[%get3A_397, %get3A_399] : memref<56x224xf32, #tpu.memory_space<vmem>>[vector<16xi32>, vector<16xi32>], vector<16xf32>,
      %swap3A_401 = arith.index_cast %mul3A_395 : i32 to index
      %swap3A_402 = tpu.vector_load %arg12[%swap3A_401] {strides = array<i32>} : memref<3264xf32, #tpu.memory_space<vmem>>, vector<16xf32>,
      tpu.vector_store %arg12[%swap3A_401], %gather3A_400 {strides = array<i32>} : memref<3264xf32, #tpu.memory_space<vmem>>, vector<16xf32>,
      %scan3A_403 = arith.constant 0 : i32
      %scan3A_404 = arith.constant 203 : i32
      %scan3A_405 = arith.addi %scan3A_363, %scan3A_404 : i32
      %mul3A_406 = arith.constant 16 : i32
      %mul3A_407 = arith.muli %scan3A_405, %mul3A_406 : i32
      %get3A_408 = arith.index_cast %mul3A_407 : i32 to index
      %get3A_409 = tpu.vector_load %arg8[%get3A_408] {strides = array<i32>} : memref<3264xi32, #tpu.memory_space<vmem>>, vector<16xi32>,
      %get3A_410 = arith.index_cast %mul3A_407 : i32 to index
      %get3A_411 = tpu.vector_load %arg9[%get3A_410] {strides = array<i32>} : memref<3264xi32, #tpu.memory_space<vmem>>, vector<16xi32>,
      %gather3A_412 = tpu.vector_load_idx %arg15[%get3A_409, %get3A_411] : memref<56x224xf32, #tpu.memory_space<vmem>>[vector<16xi32>, vector<16xi32>], vector<16xf32>,
      %swap3A_413 = arith.index_cast %mul3A_407 : i32 to index
      %swap3A_414 = tpu.vector_load %arg12[%swap3A_413] {strides = array<i32>} : memref<3264xf32, #tpu.memory_space<vmem>>, vector<16xf32>,
      tpu.vector_store %arg12[%swap3A_413], %gather3A_412 {strides = array<i32>} : memref<3264xf32, #tpu.memory_space<vmem>>, vector<16xf32>,
      %scan3A_415 = arith.constant 0 : i32
      %scan3A_416 = arith.constant 204 : i32
      %scan3A_417 = arith.constant 0 : i32
      %scan3A_418 = arith.constant 0 : i32
      %scan3A_419 = arith.constant 200 : i32
      %scan3A_420 = arith.addi %scan3A_418, %scan3A_419 : i32
      %scan3A_421 = arith.constant 8 : i32
      %scan3A_422 = scf.for %scan3A_620 = %scan3A_418 to %scan3A_420 step %scan3A_421 iter_args(%scan3A_621 = %scan3A_417) -> (i32)  : i32 {
        %mul3A_622 = arith.constant 16 : i32
        %mul3A_623 = arith.muli %scan3A_620, %mul3A_622 : i32
        %get3A_624 = arith.index_cast %mul3A_623 : i32 to index
        %get3A_625 = tpu.vector_load %arg10[%get3A_624] {strides = array<i32>} : memref<3264xi32, #tpu.memory_space<vmem>>, vector<16xi32>,
        %get3A_626 = arith.index_cast %mul3A_623 : i32 to index
        %get3A_627 = tpu.vector_load %arg11[%get3A_626] {strides = array<i32>} : memref<3264xi32, #tpu.memory_space<vmem>>, vector<16xi32>,
        %get3A_628 = arith.index_cast %mul3A_623 : i32 to index
        %get3A_629 = tpu.vector_load %arg12[%get3A_628] {strides = array<i32>} : memref<3264xf32, #tpu.memory_space<vmem>>, vector<16xf32>,
        tpu.vector_store_idx %arg15[%get3A_625, %get3A_627], %get3A_629 : memref<56x224xf32, #tpu.memory_space<vmem>>[vector<16xi32>, vector<16xi32>], vector<16xf32>,
        %scan3A_630 = arith.constant 0 : i32
        %scan3A_631 = arith.constant 1 : i32
        %scan3A_632 = arith.addi %scan3A_620, %scan3A_631 : i32
        %mul3A_633 = arith.constant 16 : i32
        %mul3A_634 = arith.muli %scan3A_632, %mul3A_633 : i32
        %get3A_635 = arith.index_cast %mul3A_634 : i32 to index
        %get3A_636 = tpu.vector_load %arg10[%get3A_635] {strides = array<i32>} : memref<3264xi32, #tpu.memory_space<vmem>>, vector<16xi32>,
        %get3A_637 = arith.index_cast %mul3A_634 : i32 to index
        %get3A_638 = tpu.vector_load %arg11[%get3A_637] {strides = array<i32>} : memref<3264xi32, #tpu.memory_space<vmem>>, vector<16xi32>,
        %get3A_639 = arith.index_cast %mul3A_634 : i32 to index
        %get3A_640 = tpu.vector_load %arg12[%get3A_639] {strides = array<i32>} : memref<3264xf32, #tpu.memory_space<vmem>>, vector<16xf32>,
        tpu.vector_store_idx %arg15[%get3A_636, %get3A_638], %get3A_640 : memref<56x224xf32, #tpu.memory_space<vmem>>[vector<16xi32>, vector<16xi32>], vector<16xf32>,
        %scan3A_641 = arith.constant 0 : i32
        %scan3A_642 = arith.constant 2 : i32
        %scan3A_643 = arith.addi %scan3A_620, %scan3A_642 : i32
        %mul3A_644 = arith.constant 16 : i32
        %mul3A_645 = arith.muli %scan3A_643, %mul3A_644 : i32
        %get3A_646 = arith.index_cast %mul3A_645 : i32 to index
        %get3A_647 = tpu.vector_load %arg10[%get3A_646] {strides = array<i32>} : memref<3264xi32, #tpu.memory_space<vmem>>, vector<16xi32>,
        %get3A_648 = arith.index_cast %mul3A_645 : i32 to index
        %get3A_649 = tpu.vector_load %arg11[%get3A_648] {strides = array<i32>} : memref<3264xi32, #tpu.memory_space<vmem>>, vector<16xi32>,
        %get3A_650 = arith.index_cast %mul3A_645 : i32 to index
        %get3A_651 = tpu.vector_load %arg12[%get3A_650] {strides = array<i32>} : memref<3264xf32, #tpu.memory_space<vmem>>, vector<16xf32>,
        tpu.vector_store_idx %arg15[%get3A_647, %get3A_649], %get3A_651 : memref<56x224xf32, #tpu.memory_space<vmem>>[vector<16xi32>, vector<16xi32>], vector<16xf32>,
        %scan3A_652 = arith.constant 0 : i32
        %scan3A_653 = arith.constant 3 : i32
        %scan3A_654 = arith.addi %scan3A_620, %scan3A_653 : i32
        %mul3A_655 = arith.constant 16 : i32
        %mul3A_656 = arith.muli %scan3A_654, %mul3A_655 : i32
        %get3A_657 = arith.index_cast %mul3A_656 : i32 to index
        %get3A_658 = tpu.vector_load %arg10[%get3A_657] {strides = array<i32>} : memref<3264xi32, #tpu.memory_space<vmem>>, vector<16xi32>,
        %get3A_659 = arith.index_cast %mul3A_656 : i32 to index
        %get3A_660 = tpu.vector_load %arg11[%get3A_659] {strides = array<i32>} : memref<3264xi32, #tpu.memory_space<vmem>>, vector<16xi32>,
        %get3A_661 = arith.index_cast %mul3A_656 : i32 to index
        %get3A_662 = tpu.vector_load %arg12[%get3A_661] {strides = array<i32>} : memref<3264xf32, #tpu.memory_space<vmem>>, vector<16xf32>,
        tpu.vector_store_idx %arg15[%get3A_658, %get3A_660], %get3A_662 : memref<56x224xf32, #tpu.memory_space<vmem>>[vector<16xi32>, vector<16xi32>], vector<16xf32>,
        %scan3A_663 = arith.constant 0 : i32
        %scan3A_664 = arith.constant 4 : i32
        %scan3A_665 = arith.addi %scan3A_620, %scan3A_664 : i32
        %mul3A_666 = arith.constant 16 : i32
        %mul3A_667 = arith.muli %scan3A_665, %mul3A_666 : i32
        %get3A_668 = arith.index_cast %mul3A_667 : i32 to index
        %get3A_669 = tpu.vector_load %arg10[%get3A_668] {strides = array<i32>} : memref<3264xi32, #tpu.memory_space<vmem>>, vector<16xi32>,
        %get3A_670 = arith.index_cast %mul3A_667 : i32 to index
        %get3A_671 = tpu.vector_load %arg11[%get3A_670] {strides = array<i32>} : memref<3264xi32, #tpu.memory_space<vmem>>, vector<16xi32>,
        %get3A_672 = arith.index_cast %mul3A_667 : i32 to index
        %get3A_673 = tpu.vector_load %arg12[%get3A_672] {strides = array<i32>} : memref<3264xf32, #tpu.memory_space<vmem>>, vector<16xf32>,
        tpu.vector_store_idx %arg15[%get3A_669, %get3A_671], %get3A_673 : memref<56x224xf32, #tpu.memory_space<vmem>>[vector<16xi32>, vector<16xi32>], vector<16xf32>,
        %scan3A_674 = arith.constant 0 : i32
        %scan3A_675 = arith.constant 5 : i32
        %scan3A_676 = arith.addi %scan3A_620, %scan3A_675 : i32
        %mul3A_677 = arith.constant 16 : i32
        %mul3A_678 = arith.muli %scan3A_676, %mul3A_677 : i32
        %get3A_679 = arith.index_cast %mul3A_678 : i32 to index
        %get3A_680 = tpu.vector_load %arg10[%get3A_679] {strides = array<i32>} : memref<3264xi32, #tpu.memory_space<vmem>>, vector<16xi32>,
        %get3A_681 = arith.index_cast %mul3A_678 : i32 to index
        %get3A_682 = tpu.vector_load %arg11[%get3A_681] {strides = array<i32>} : memref<3264xi32, #tpu.memory_space<vmem>>, vector<16xi32>,
        %get3A_683 = arith.index_cast %mul3A_678 : i32 to index
        %get3A_684 = tpu.vector_load %arg12[%get3A_683] {strides = array<i32>} : memref<3264xf32, #tpu.memory_space<vmem>>, vector<16xf32>,
        tpu.vector_store_idx %arg15[%get3A_680, %get3A_682], %get3A_684 : memref<56x224xf32, #tpu.memory_space<vmem>>[vector<16xi32>, vector<16xi32>], vector<16xf32>,
        %scan3A_685 = arith.constant 0 : i32
        %scan3A_686 = arith.constant 6 : i32
        %scan3A_687 = arith.addi %scan3A_620, %scan3A_686 : i32
        %mul3A_688 = arith.constant 16 : i32
        %mul3A_689 = arith.muli %scan3A_687, %mul3A_688 : i32
        %get3A_690 = arith.index_cast %mul3A_689 : i32 to index
        %get3A_691 = tpu.vector_load %arg10[%get3A_690] {strides = array<i32>} : memref<3264xi32, #tpu.memory_space<vmem>>, vector<16xi32>,
        %get3A_692 = arith.index_cast %mul3A_689 : i32 to index
        %get3A_693 = tpu.vector_load %arg11[%get3A_692] {strides = array<i32>} : memref<3264xi32, #tpu.memory_space<vmem>>, vector<16xi32>,
        %get3A_694 = arith.index_cast %mul3A_689 : i32 to index
        %get3A_695 = tpu.vector_load %arg12[%get3A_694] {strides = array<i32>} : memref<3264xf32, #tpu.memory_space<vmem>>, vector<16xf32>,
        tpu.vector_store_idx %arg15[%get3A_691, %get3A_693], %get3A_695 : memref<56x224xf32, #tpu.memory_space<vmem>>[vector<16xi32>, vector<16xi32>], vector<16xf32>,
        %scan3A_696 = arith.constant 0 : i32
        %scan3A_697 = arith.constant 7 : i32
        %scan3A_698 = arith.addi %scan3A_620, %scan3A_697 : i32
        %mul3A_699 = arith.constant 16 : i32
        %mul3A_700 = arith.muli %scan3A_698, %mul3A_699 : i32
        %get3A_701 = arith.index_cast %mul3A_700 : i32 to index
        %get3A_702 = tpu.vector_load %arg10[%get3A_701] {strides = array<i32>} : memref<3264xi32, #tpu.memory_space<vmem>>, vector<16xi32>,
        %get3A_703 = arith.index_cast %mul3A_700 : i32 to index
        %get3A_704 = tpu.vector_load %arg11[%get3A_703] {strides = array<i32>} : memref<3264xi32, #tpu.memory_space<vmem>>, vector<16xi32>,
        %get3A_705 = arith.index_cast %mul3A_700 : i32 to index
        %get3A_706 = tpu.vector_load %arg12[%get3A_705] {strides = array<i32>} : memref<3264xf32, #tpu.memory_space<vmem>>, vector<16xf32>,
        tpu.vector_store_idx %arg15[%get3A_702, %get3A_704], %get3A_706 : memref<56x224xf32, #tpu.memory_space<vmem>>[vector<16xi32>, vector<16xi32>], vector<16xf32>,
        %scan3A_707 = arith.constant 0 : i32
        scf.yield %scan3A_707 : i32
      }
      %scan3A_423 = arith.constant 200 : i32
      %scan3A_424 = arith.addi %scan3A_418, %scan3A_423 : i32
      %mul3A_425 = arith.constant 16 : i32
      %mul3A_426 = arith.muli %scan3A_424, %mul3A_425 : i32
      %get3A_427 = arith.index_cast %mul3A_426 : i32 to index
      %get3A_428 = tpu.vector_load %arg10[%get3A_427] {strides = array<i32>} : memref<3264xi32, #tpu.memory_space<vmem>>, vector<16xi32>,
      %get3A_429 = arith.index_cast %mul3A_426 : i32 to index
      %get3A_430 = tpu.vector_load %arg11[%get3A_429] {strides = array<i32>} : memref<3264xi32, #tpu.memory_space<vmem>>, vector<16xi32>,
      %get3A_431 = arith.index_cast %mul3A_426 : i32 to index
      %get3A_432 = tpu.vector_load %arg12[%get3A_431] {strides = array<i32>} : memref<3264xf32, #tpu.memory_space<vmem>>, vector<16xf32>,
      tpu.vector_store_idx %arg15[%get3A_428, %get3A_430], %get3A_432 : memref<56x224xf32, #tpu.memory_space<vmem>>[vector<16xi32>, vector<16xi32>], vector<16xf32>,
      %scan3A_433 = arith.constant 0 : i32
      %scan3A_434 = arith.constant 201 : i32
      %scan3A_435 = arith.addi %scan3A_418, %scan3A_434 : i32
      %mul3A_436 = arith.constant 16 : i32
      %mul3A_437 = arith.muli %scan3A_435, %mul3A_436 : i32
      %get3A_438 = arith.index_cast %mul3A_437 : i32 to index
      %get3A_439 = tpu.vector_load %arg10[%get3A_438] {strides = array<i32>} : memref<3264xi32, #tpu.memory_space<vmem>>, vector<16xi32>,
      %get3A_440 = arith.index_cast %mul3A_437 : i32 to index
      %get3A_441 = tpu.vector_load %arg11[%get3A_440] {strides = array<i32>} : memref<3264xi32, #tpu.memory_space<vmem>>, vector<16xi32>,
      %get3A_442 = arith.index_cast %mul3A_437 : i32 to index
      %get3A_443 = tpu.vector_load %arg12[%get3A_442] {strides = array<i32>} : memref<3264xf32, #tpu.memory_space<vmem>>, vector<16xf32>,
      tpu.vector_store_idx %arg15[%get3A_439, %get3A_441], %get3A_443 : memref<56x224xf32, #tpu.memory_space<vmem>>[vector<16xi32>, vector<16xi32>], vector<16xf32>,
      %scan3A_444 = arith.constant 0 : i32
      %scan3A_445 = arith.constant 202 : i32
      %scan3A_446 = arith.addi %scan3A_418, %scan3A_445 : i32
      %mul3A_447 = arith.constant 16 : i32
      %mul3A_448 = arith.muli %scan3A_446, %mul3A_447 : i32
      %get3A_449 = arith.index_cast %mul3A_448 : i32 to index
      %get3A_450 = tpu.vector_load %arg10[%get3A_449] {strides = array<i32>} : memref<3264xi32, #tpu.memory_space<vmem>>, vector<16xi32>,
      %get3A_451 = arith.index_cast %mul3A_448 : i32 to index
      %get3A_452 = tpu.vector_load %arg11[%get3A_451] {strides = array<i32>} : memref<3264xi32, #tpu.memory_space<vmem>>, vector<16xi32>,
      %get3A_453 = arith.index_cast %mul3A_448 : i32 to index
      %get3A_454 = tpu.vector_load %arg12[%get3A_453] {strides = array<i32>} : memref<3264xf32, #tpu.memory_space<vmem>>, vector<16xf32>,
      tpu.vector_store_idx %arg15[%get3A_450, %get3A_452], %get3A_454 : memref<56x224xf32, #tpu.memory_space<vmem>>[vector<16xi32>, vector<16xi32>], vector<16xf32>,
      %scan3A_455 = arith.constant 0 : i32
      %scan3A_456 = arith.constant 203 : i32
      %scan3A_457 = arith.addi %scan3A_418, %scan3A_456 : i32
      %mul3A_458 = arith.constant 16 : i32
      %mul3A_459 = arith.muli %scan3A_457, %mul3A_458 : i32
      %get3A_460 = arith.index_cast %mul3A_459 : i32 to index
      %get3A_461 = tpu.vector_load %arg10[%get3A_460] {strides = array<i32>} : memref<3264xi32, #tpu.memory_space<vmem>>, vector<16xi32>,
      %get3A_462 = arith.index_cast %mul3A_459 : i32 to index
      %get3A_463 = tpu.vector_load %arg11[%get3A_462] {strides = array<i32>} : memref<3264xi32, #tpu.memory_space<vmem>>, vector<16xi32>,
      %get3A_464 = arith.index_cast %mul3A_459 : i32 to index
      %get3A_465 = tpu.vector_load %arg12[%get3A_464] {strides = array<i32>} : memref<3264xf32, #tpu.memory_space<vmem>>, vector<16xf32>,
      tpu.vector_store_idx %arg15[%get3A_461, %get3A_463], %get3A_465 : memref<56x224xf32, #tpu.memory_space<vmem>>[vector<16xi32>, vector<16xi32>], vector<16xf32>,
      %scan3A_466 = arith.constant 0 : i32
      %scan3A_467 = arith.constant 204 : i32
      %add3A_468 = arith.addi %mul3A_2, %add3A_352 : i32
      %dma_start3A_469 = arith.constant 0 : i32
      %dma_start3A_470 = arith.constant 0 : i32
      %dma_start3A_471 = tpu.memref_slice %arg7[%add3A_468, %dma_start3A_469, %dma_start3A_470] : memref<768x56x224xf32, #tpu.memory_space<hbm>> -> memref<1x56x224xf32, #tpu.memory_space<hbm>>
      %dma_start3A_472 = tpu.memref_squeeze %dma_start3A_471 : memref<1x56x224xf32, #tpu.memory_space<hbm>> -> memref<56x224xf32, #tpu.memory_space<hbm>>
      %dma_start3A_473 = arith.constant 0 : i32
      %dma_start3A_474 = arith.constant 0 : i32
      %dma_start3A_475 = tpu.memref_slice %arg7[%add3A_468, %dma_start3A_473, %dma_start3A_474] : memref<768x56x224xf32, #tpu.memory_space<hbm>> -> memref<1x56x224xf32, #tpu.memory_space<hbm>>
      %dma_start3A_476 = tpu.memref_squeeze %dma_start3A_475 : memref<1x56x224xf32, #tpu.memory_space<hbm>> -> memref<56x224xf32, #tpu.memory_space<hbm>>
      tpu.enqueue_dma source(%arg15 : memref<56x224xf32, #tpu.memory_space<vmem>>) target(%dma_start3A_476 : memref<56x224xf32, #tpu.memory_space<hbm>>) target_semaphore(%arg23 : memref<!tpu.dma_semaphore, #tpu.memory_space<semaphore_mem>>)
      %add3A_477 = arith.constant 4 : i32
      %add3A_478 = arith.addi %add3A_352, %add3A_477 : i32
      %lt3A_479 = arith.constant 24 : i32
      %lt3A_480 = arith.cmpi slt, %add3A_478, %lt3A_479 : i32
      %convert_element_type3A_481 = arith.extui %lt3A_480 : i1 to i32
      %cond3A_482 = arith.constant 0 : i32
      %cond3A_483 = arith.cmpi ne, %convert_element_type3A_481, %cond3A_482 : i32
      scf.if %cond3A_483 {
        %dma_wait3A_620 = arith.constant 0 : i32
        %dma_wait3A_621 = arith.constant 0 : i32
        %dma_wait3A_622 = arith.constant 0 : i32
        %dma_wait3A_623 = tpu.memref_slice %arg7[%dma_wait3A_620, %dma_wait3A_621, %dma_wait3A_622] : memref<768x56x224xf32, #tpu.memory_space<hbm>> -> memref<1x56x224xf32, #tpu.memory_space<hbm>>
        %dma_wait3A_624 = tpu.memref_squeeze %dma_wait3A_623 : memref<1x56x224xf32, #tpu.memory_space<hbm>> -> memref<56x224xf32, #tpu.memory_space<hbm>>
        %dma_wait3A_625 = arith.constant 0 : i32
        %dma_wait3A_626 = arith.constant 0 : i32
        %dma_wait3A_627 = tpu.memref_slice %arg7[%dma_wait3A_620, %dma_wait3A_625, %dma_wait3A_626] : memref<768x56x224xf32, #tpu.memory_space<hbm>> -> memref<1x56x224xf32, #tpu.memory_space<hbm>>
        %dma_wait3A_628 = tpu.memref_squeeze %dma_wait3A_627 : memref<1x56x224xf32, #tpu.memory_space<hbm>> -> memref<56x224xf32, #tpu.memory_space<hbm>>
        tpu.wait_dma2 semaphore(%arg23 : memref<!tpu.dma_semaphore, #tpu.memory_space<semaphore_mem>>) src(%arg15 : memref<56x224xf32, #tpu.memory_space<vmem>>) dst(%dma_wait3A_628 : memref<56x224xf32, #tpu.memory_space<hbm>>)
        %add3A_629 = arith.addi %mul3A_2, %add3A_352 : i32
        %add3A_630 = arith.constant 4 : i32
        %add3A_631 = arith.addi %add3A_629, %add3A_630 : i32
        %dma_start3A_632 = arith.constant 160 : i32
        %dma_start3A_633 = arith.constant 0 : i32
        %dma_start3A_634 = tpu.memref_slice %arg2[%add3A_631, %dma_start3A_632, %dma_start3A_633] : memref<768x224x224xf32, #tpu.memory_space<hbm>> -> memref<1x56x224xf32, #tpu.memory_space<hbm>>
        %dma_start3A_635 = tpu.memref_squeeze %dma_start3A_634 : memref<1x56x224xf32, #tpu.memory_space<hbm>> -> memref<56x224xf32, #tpu.memory_space<hbm>>
        %dma_start3A_636 = arith.constant 160 : i32
        %dma_start3A_637 = arith.constant 0 : i32
        %dma_start3A_638 = tpu.memref_slice %arg2[%add3A_631, %dma_start3A_636, %dma_start3A_637] : memref<768x224x224xf32, #tpu.memory_space<hbm>> -> memref<1x56x224xf32, #tpu.memory_space<hbm>>
        %dma_start3A_639 = tpu.memref_squeeze %dma_start3A_638 : memref<1x56x224xf32, #tpu.memory_space<hbm>> -> memref<56x224xf32, #tpu.memory_space<hbm>>
        tpu.enqueue_dma source(%dma_start3A_639 : memref<56x224xf32, #tpu.memory_space<hbm>>) target(%arg15 : memref<56x224xf32, #tpu.memory_space<vmem>>) target_semaphore(%arg19 : memref<!tpu.dma_semaphore, #tpu.memory_space<semaphore_mem>>)
      } else {
      }
      %mul3A_484 = arith.constant 4 : i32
      %mul3A_485 = arith.muli %scan3A_83, %mul3A_484 : i32
      %add3A_486 = arith.constant 3 : i32
      %add3A_487 = arith.addi %mul3A_485, %add3A_486 : i32
      %dma_wait3A_488 = arith.constant 0 : i32
      %dma_wait3A_489 = arith.constant 160 : i32
      %dma_wait3A_490 = arith.constant 0 : i32
      %dma_wait3A_491 = tpu.memref_slice %arg2[%dma_wait3A_488, %dma_wait3A_489, %dma_wait3A_490] : memref<768x224x224xf32, #tpu.memory_space<hbm>> -> memref<1x56x224xf32, #tpu.memory_space<hbm>>
      %dma_wait3A_492 = tpu.memref_squeeze %dma_wait3A_491 : memref<1x56x224xf32, #tpu.memory_space<hbm>> -> memref<56x224xf32, #tpu.memory_space<hbm>>
      %dma_wait3A_493 = arith.constant 160 : i32
      %dma_wait3A_494 = arith.constant 0 : i32
      %dma_wait3A_495 = tpu.memref_slice %arg2[%dma_wait3A_488, %dma_wait3A_493, %dma_wait3A_494] : memref<768x224x224xf32, #tpu.memory_space<hbm>> -> memref<1x56x224xf32, #tpu.memory_space<hbm>>
      %dma_wait3A_496 = tpu.memref_squeeze %dma_wait3A_495 : memref<1x56x224xf32, #tpu.memory_space<hbm>> -> memref<56x224xf32, #tpu.memory_space<hbm>>
      tpu.wait_dma2 semaphore(%arg20 : memref<!tpu.dma_semaphore, #tpu.memory_space<semaphore_mem>>) src(%dma_wait3A_496 : memref<56x224xf32, #tpu.memory_space<hbm>>) dst(%arg16 : memref<56x224xf32, #tpu.memory_space<vmem>>)
      %scan3A_497 = arith.constant 0 : i32
      %scan3A_498 = arith.constant 0 : i32
      %scan3A_499 = arith.constant 200 : i32
      %scan3A_500 = arith.addi %scan3A_498, %scan3A_499 : i32
      %scan3A_501 = arith.constant 8 : i32
      %scan3A_502 = scf.for %scan3A_620 = %scan3A_498 to %scan3A_500 step %scan3A_501 iter_args(%scan3A_621 = %scan3A_497) -> (i32)  : i32 {
        %mul3A_622 = arith.constant 16 : i32
        %mul3A_623 = arith.muli %scan3A_620, %mul3A_622 : i32
        %get3A_624 = arith.index_cast %mul3A_623 : i32 to index
        %get3A_625 = tpu.vector_load %arg8[%get3A_624] {strides = array<i32>} : memref<3264xi32, #tpu.memory_space<vmem>>, vector<16xi32>,
        %get3A_626 = arith.index_cast %mul3A_623 : i32 to index
        %get3A_627 = tpu.vector_load %arg9[%get3A_626] {strides = array<i32>} : memref<3264xi32, #tpu.memory_space<vmem>>, vector<16xi32>,
        %gather3A_628 = tpu.vector_load_idx %arg16[%get3A_625, %get3A_627] : memref<56x224xf32, #tpu.memory_space<vmem>>[vector<16xi32>, vector<16xi32>], vector<16xf32>,
        %swap3A_629 = arith.index_cast %mul3A_623 : i32 to index
        %swap3A_630 = tpu.vector_load %arg12[%swap3A_629] {strides = array<i32>} : memref<3264xf32, #tpu.memory_space<vmem>>, vector<16xf32>,
        tpu.vector_store %arg12[%swap3A_629], %gather3A_628 {strides = array<i32>} : memref<3264xf32, #tpu.memory_space<vmem>>, vector<16xf32>,
        %scan3A_631 = arith.constant 0 : i32
        %scan3A_632 = arith.constant 1 : i32
        %scan3A_633 = arith.addi %scan3A_620, %scan3A_632 : i32
        %mul3A_634 = arith.constant 16 : i32
        %mul3A_635 = arith.muli %scan3A_633, %mul3A_634 : i32
        %get3A_636 = arith.index_cast %mul3A_635 : i32 to index
        %get3A_637 = tpu.vector_load %arg8[%get3A_636] {strides = array<i32>} : memref<3264xi32, #tpu.memory_space<vmem>>, vector<16xi32>,
        %get3A_638 = arith.index_cast %mul3A_635 : i32 to index
        %get3A_639 = tpu.vector_load %arg9[%get3A_638] {strides = array<i32>} : memref<3264xi32, #tpu.memory_space<vmem>>, vector<16xi32>,
        %gather3A_640 = tpu.vector_load_idx %arg16[%get3A_637, %get3A_639] : memref<56x224xf32, #tpu.memory_space<vmem>>[vector<16xi32>, vector<16xi32>], vector<16xf32>,
        %swap3A_641 = arith.index_cast %mul3A_635 : i32 to index
        %swap3A_642 = tpu.vector_load %arg12[%swap3A_641] {strides = array<i32>} : memref<3264xf32, #tpu.memory_space<vmem>>, vector<16xf32>,
        tpu.vector_store %arg12[%swap3A_641], %gather3A_640 {strides = array<i32>} : memref<3264xf32, #tpu.memory_space<vmem>>, vector<16xf32>,
        %scan3A_643 = arith.constant 0 : i32
        %scan3A_644 = arith.constant 2 : i32
        %scan3A_645 = arith.addi %scan3A_620, %scan3A_644 : i32
        %mul3A_646 = arith.constant 16 : i32
        %mul3A_647 = arith.muli %scan3A_645, %mul3A_646 : i32
        %get3A_648 = arith.index_cast %mul3A_647 : i32 to index
        %get3A_649 = tpu.vector_load %arg8[%get3A_648] {strides = array<i32>} : memref<3264xi32, #tpu.memory_space<vmem>>, vector<16xi32>,
        %get3A_650 = arith.index_cast %mul3A_647 : i32 to index
        %get3A_651 = tpu.vector_load %arg9[%get3A_650] {strides = array<i32>} : memref<3264xi32, #tpu.memory_space<vmem>>, vector<16xi32>,
        %gather3A_652 = tpu.vector_load_idx %arg16[%get3A_649, %get3A_651] : memref<56x224xf32, #tpu.memory_space<vmem>>[vector<16xi32>, vector<16xi32>], vector<16xf32>,
        %swap3A_653 = arith.index_cast %mul3A_647 : i32 to index
        %swap3A_654 = tpu.vector_load %arg12[%swap3A_653] {strides = array<i32>} : memref<3264xf32, #tpu.memory_space<vmem>>, vector<16xf32>,
        tpu.vector_store %arg12[%swap3A_653], %gather3A_652 {strides = array<i32>} : memref<3264xf32, #tpu.memory_space<vmem>>, vector<16xf32>,
        %scan3A_655 = arith.constant 0 : i32
        %scan3A_656 = arith.constant 3 : i32
        %scan3A_657 = arith.addi %scan3A_620, %scan3A_656 : i32
        %mul3A_658 = arith.constant 16 : i32
        %mul3A_659 = arith.muli %scan3A_657, %mul3A_658 : i32
        %get3A_660 = arith.index_cast %mul3A_659 : i32 to index
        %get3A_661 = tpu.vector_load %arg8[%get3A_660] {strides = array<i32>} : memref<3264xi32, #tpu.memory_space<vmem>>, vector<16xi32>,
        %get3A_662 = arith.index_cast %mul3A_659 : i32 to index
        %get3A_663 = tpu.vector_load %arg9[%get3A_662] {strides = array<i32>} : memref<3264xi32, #tpu.memory_space<vmem>>, vector<16xi32>,
        %gather3A_664 = tpu.vector_load_idx %arg16[%get3A_661, %get3A_663] : memref<56x224xf32, #tpu.memory_space<vmem>>[vector<16xi32>, vector<16xi32>], vector<16xf32>,
        %swap3A_665 = arith.index_cast %mul3A_659 : i32 to index
        %swap3A_666 = tpu.vector_load %arg12[%swap3A_665] {strides = array<i32>} : memref<3264xf32, #tpu.memory_space<vmem>>, vector<16xf32>,
        tpu.vector_store %arg12[%swap3A_665], %gather3A_664 {strides = array<i32>} : memref<3264xf32, #tpu.memory_space<vmem>>, vector<16xf32>,
        %scan3A_667 = arith.constant 0 : i32
        %scan3A_668 = arith.constant 4 : i32
        %scan3A_669 = arith.addi %scan3A_620, %scan3A_668 : i32
        %mul3A_670 = arith.constant 16 : i32
        %mul3A_671 = arith.muli %scan3A_669, %mul3A_670 : i32
        %get3A_672 = arith.index_cast %mul3A_671 : i32 to index
        %get3A_673 = tpu.vector_load %arg8[%get3A_672] {strides = array<i32>} : memref<3264xi32, #tpu.memory_space<vmem>>, vector<16xi32>,
        %get3A_674 = arith.index_cast %mul3A_671 : i32 to index
        %get3A_675 = tpu.vector_load %arg9[%get3A_674] {strides = array<i32>} : memref<3264xi32, #tpu.memory_space<vmem>>, vector<16xi32>,
        %gather3A_676 = tpu.vector_load_idx %arg16[%get3A_673, %get3A_675] : memref<56x224xf32, #tpu.memory_space<vmem>>[vector<16xi32>, vector<16xi32>], vector<16xf32>,
        %swap3A_677 = arith.index_cast %mul3A_671 : i32 to index
        %swap3A_678 = tpu.vector_load %arg12[%swap3A_677] {strides = array<i32>} : memref<3264xf32, #tpu.memory_space<vmem>>, vector<16xf32>,
        tpu.vector_store %arg12[%swap3A_677], %gather3A_676 {strides = array<i32>} : memref<3264xf32, #tpu.memory_space<vmem>>, vector<16xf32>,
        %scan3A_679 = arith.constant 0 : i32
        %scan3A_680 = arith.constant 5 : i32
        %scan3A_681 = arith.addi %scan3A_620, %scan3A_680 : i32
        %mul3A_682 = arith.constant 16 : i32
        %mul3A_683 = arith.muli %scan3A_681, %mul3A_682 : i32
        %get3A_684 = arith.index_cast %mul3A_683 : i32 to index
        %get3A_685 = tpu.vector_load %arg8[%get3A_684] {strides = array<i32>} : memref<3264xi32, #tpu.memory_space<vmem>>, vector<16xi32>,
        %get3A_686 = arith.index_cast %mul3A_683 : i32 to index
        %get3A_687 = tpu.vector_load %arg9[%get3A_686] {strides = array<i32>} : memref<3264xi32, #tpu.memory_space<vmem>>, vector<16xi32>,
        %gather3A_688 = tpu.vector_load_idx %arg16[%get3A_685, %get3A_687] : memref<56x224xf32, #tpu.memory_space<vmem>>[vector<16xi32>, vector<16xi32>], vector<16xf32>,
        %swap3A_689 = arith.index_cast %mul3A_683 : i32 to index
        %swap3A_690 = tpu.vector_load %arg12[%swap3A_689] {strides = array<i32>} : memref<3264xf32, #tpu.memory_space<vmem>>, vector<16xf32>,
        tpu.vector_store %arg12[%swap3A_689], %gather3A_688 {strides = array<i32>} : memref<3264xf32, #tpu.memory_space<vmem>>, vector<16xf32>,
        %scan3A_691 = arith.constant 0 : i32
        %scan3A_692 = arith.constant 6 : i32
        %scan3A_693 = arith.addi %scan3A_620, %scan3A_692 : i32
        %mul3A_694 = arith.constant 16 : i32
        %mul3A_695 = arith.muli %scan3A_693, %mul3A_694 : i32
        %get3A_696 = arith.index_cast %mul3A_695 : i32 to index
        %get3A_697 = tpu.vector_load %arg8[%get3A_696] {strides = array<i32>} : memref<3264xi32, #tpu.memory_space<vmem>>, vector<16xi32>,
        %get3A_698 = arith.index_cast %mul3A_695 : i32 to index
        %get3A_699 = tpu.vector_load %arg9[%get3A_698] {strides = array<i32>} : memref<3264xi32, #tpu.memory_space<vmem>>, vector<16xi32>,
        %gather3A_700 = tpu.vector_load_idx %arg16[%get3A_697, %get3A_699] : memref<56x224xf32, #tpu.memory_space<vmem>>[vector<16xi32>, vector<16xi32>], vector<16xf32>,
        %swap3A_701 = arith.index_cast %mul3A_695 : i32 to index
        %swap3A_702 = tpu.vector_load %arg12[%swap3A_701] {strides = array<i32>} : memref<3264xf32, #tpu.memory_space<vmem>>, vector<16xf32>,
        tpu.vector_store %arg12[%swap3A_701], %gather3A_700 {strides = array<i32>} : memref<3264xf32, #tpu.memory_space<vmem>>, vector<16xf32>,
        %scan3A_703 = arith.constant 0 : i32
        %scan3A_704 = arith.constant 7 : i32
        %scan3A_705 = arith.addi %scan3A_620, %scan3A_704 : i32
        %mul3A_706 = arith.constant 16 : i32
        %mul3A_707 = arith.muli %scan3A_705, %mul3A_706 : i32
        %get3A_708 = arith.index_cast %mul3A_707 : i32 to index
        %get3A_709 = tpu.vector_load %arg8[%get3A_708] {strides = array<i32>} : memref<3264xi32, #tpu.memory_space<vmem>>, vector<16xi32>,
        %get3A_710 = arith.index_cast %mul3A_707 : i32 to index
        %get3A_711 = tpu.vector_load %arg9[%get3A_710] {strides = array<i32>} : memref<3264xi32, #tpu.memory_space<vmem>>, vector<16xi32>,
        %gather3A_712 = tpu.vector_load_idx %arg16[%get3A_709, %get3A_711] : memref<56x224xf32, #tpu.memory_space<vmem>>[vector<16xi32>, vector<16xi32>], vector<16xf32>,
        %swap3A_713 = arith.index_cast %mul3A_707 : i32 to index
        %swap3A_714 = tpu.vector_load %arg12[%swap3A_713] {strides = array<i32>} : memref<3264xf32, #tpu.memory_space<vmem>>, vector<16xf32>,
        tpu.vector_store %arg12[%swap3A_713], %gather3A_712 {strides = array<i32>} : memref<3264xf32, #tpu.memory_space<vmem>>, vector<16xf32>,
        %scan3A_715 = arith.constant 0 : i32
        scf.yield %scan3A_715 : i32
      }
      %scan3A_503 = arith.constant 200 : i32
      %scan3A_504 = arith.addi %scan3A_498, %scan3A_503 : i32
      %mul3A_505 = arith.constant 16 : i32
      %mul3A_506 = arith.muli %scan3A_504, %mul3A_505 : i32
      %get3A_507 = arith.index_cast %mul3A_506 : i32 to index
      %get3A_508 = tpu.vector_load %arg8[%get3A_507] {strides = array<i32>} : memref<3264xi32, #tpu.memory_space<vmem>>, vector<16xi32>,
      %get3A_509 = arith.index_cast %mul3A_506 : i32 to index
      %get3A_510 = tpu.vector_load %arg9[%get3A_509] {strides = array<i32>} : memref<3264xi32, #tpu.memory_space<vmem>>, vector<16xi32>,
      %gather3A_511 = tpu.vector_load_idx %arg16[%get3A_508, %get3A_510] : memref<56x224xf32, #tpu.memory_space<vmem>>[vector<16xi32>, vector<16xi32>], vector<16xf32>,
      %swap3A_512 = arith.index_cast %mul3A_506 : i32 to index
      %swap3A_513 = tpu.vector_load %arg12[%swap3A_512] {strides = array<i32>} : memref<3264xf32, #tpu.memory_space<vmem>>, vector<16xf32>,
      tpu.vector_store %arg12[%swap3A_512], %gather3A_511 {strides = array<i32>} : memref<3264xf32, #tpu.memory_space<vmem>>, vector<16xf32>,
      %scan3A_514 = arith.constant 0 : i32
      %scan3A_515 = arith.constant 201 : i32
      %scan3A_516 = arith.addi %scan3A_498, %scan3A_515 : i32
      %mul3A_517 = arith.constant 16 : i32
      %mul3A_518 = arith.muli %scan3A_516, %mul3A_517 : i32
      %get3A_519 = arith.index_cast %mul3A_518 : i32 to index
      %get3A_520 = tpu.vector_load %arg8[%get3A_519] {strides = array<i32>} : memref<3264xi32, #tpu.memory_space<vmem>>, vector<16xi32>,
      %get3A_521 = arith.index_cast %mul3A_518 : i32 to index
      %get3A_522 = tpu.vector_load %arg9[%get3A_521] {strides = array<i32>} : memref<3264xi32, #tpu.memory_space<vmem>>, vector<16xi32>,
      %gather3A_523 = tpu.vector_load_idx %arg16[%get3A_520, %get3A_522] : memref<56x224xf32, #tpu.memory_space<vmem>>[vector<16xi32>, vector<16xi32>], vector<16xf32>,
      %swap3A_524 = arith.index_cast %mul3A_518 : i32 to index
      %swap3A_525 = tpu.vector_load %arg12[%swap3A_524] {strides = array<i32>} : memref<3264xf32, #tpu.memory_space<vmem>>, vector<16xf32>,
      tpu.vector_store %arg12[%swap3A_524], %gather3A_523 {strides = array<i32>} : memref<3264xf32, #tpu.memory_space<vmem>>, vector<16xf32>,
      %scan3A_526 = arith.constant 0 : i32
      %scan3A_527 = arith.constant 202 : i32
      %scan3A_528 = arith.addi %scan3A_498, %scan3A_527 : i32
      %mul3A_529 = arith.constant 16 : i32
      %mul3A_530 = arith.muli %scan3A_528, %mul3A_529 : i32
      %get3A_531 = arith.index_cast %mul3A_530 : i32 to index
      %get3A_532 = tpu.vector_load %arg8[%get3A_531] {strides = array<i32>} : memref<3264xi32, #tpu.memory_space<vmem>>, vector<16xi32>,
      %get3A_533 = arith.index_cast %mul3A_530 : i32 to index
      %get3A_534 = tpu.vector_load %arg9[%get3A_533] {strides = array<i32>} : memref<3264xi32, #tpu.memory_space<vmem>>, vector<16xi32>,
      %gather3A_535 = tpu.vector_load_idx %arg16[%get3A_532, %get3A_534] : memref<56x224xf32, #tpu.memory_space<vmem>>[vector<16xi32>, vector<16xi32>], vector<16xf32>,
      %swap3A_536 = arith.index_cast %mul3A_530 : i32 to index
      %swap3A_537 = tpu.vector_load %arg12[%swap3A_536] {strides = array<i32>} : memref<3264xf32, #tpu.memory_space<vmem>>, vector<16xf32>,
      tpu.vector_store %arg12[%swap3A_536], %gather3A_535 {strides = array<i32>} : memref<3264xf32, #tpu.memory_space<vmem>>, vector<16xf32>,
      %scan3A_538 = arith.constant 0 : i32
      %scan3A_539 = arith.constant 203 : i32
      %scan3A_540 = arith.addi %scan3A_498, %scan3A_539 : i32
      %mul3A_541 = arith.constant 16 : i32
      %mul3A_542 = arith.muli %scan3A_540, %mul3A_541 : i32
      %get3A_543 = arith.index_cast %mul3A_542 : i32 to index
      %get3A_544 = tpu.vector_load %arg8[%get3A_543] {strides = array<i32>} : memref<3264xi32, #tpu.memory_space<vmem>>, vector<16xi32>,
      %get3A_545 = arith.index_cast %mul3A_542 : i32 to index
      %get3A_546 = tpu.vector_load %arg9[%get3A_545] {strides = array<i32>} : memref<3264xi32, #tpu.memory_space<vmem>>, vector<16xi32>,
      %gather3A_547 = tpu.vector_load_idx %arg16[%get3A_544, %get3A_546] : memref<56x224xf32, #tpu.memory_space<vmem>>[vector<16xi32>, vector<16xi32>], vector<16xf32>,
      %swap3A_548 = arith.index_cast %mul3A_542 : i32 to index
      %swap3A_549 = tpu.vector_load %arg12[%swap3A_548] {strides = array<i32>} : memref<3264xf32, #tpu.memory_space<vmem>>, vector<16xf32>,
      tpu.vector_store %arg12[%swap3A_548], %gather3A_547 {strides = array<i32>} : memref<3264xf32, #tpu.memory_space<vmem>>, vector<16xf32>,
      %scan3A_550 = arith.constant 0 : i32
      %scan3A_551 = arith.constant 204 : i32
      %scan3A_552 = arith.constant 0 : i32
      %scan3A_553 = arith.constant 0 : i32
      %scan3A_554 = arith.constant 200 : i32
      %scan3A_555 = arith.addi %scan3A_553, %scan3A_554 : i32
      %scan3A_556 = arith.constant 8 : i32
      %scan3A_557 = scf.for %scan3A_620 = %scan3A_553 to %scan3A_555 step %scan3A_556 iter_args(%scan3A_621 = %scan3A_552) -> (i32)  : i32 {
        %mul3A_622 = arith.constant 16 : i32
        %mul3A_623 = arith.muli %scan3A_620, %mul3A_622 : i32
        %get3A_624 = arith.index_cast %mul3A_623 : i32 to index
        %get3A_625 = tpu.vector_load %arg10[%get3A_624] {strides = array<i32>} : memref<3264xi32, #tpu.memory_space<vmem>>, vector<16xi32>,
        %get3A_626 = arith.index_cast %mul3A_623 : i32 to index
        %get3A_627 = tpu.vector_load %arg11[%get3A_626] {strides = array<i32>} : memref<3264xi32, #tpu.memory_space<vmem>>, vector<16xi32>,
        %get3A_628 = arith.index_cast %mul3A_623 : i32 to index
        %get3A_629 = tpu.vector_load %arg12[%get3A_628] {strides = array<i32>} : memref<3264xf32, #tpu.memory_space<vmem>>, vector<16xf32>,
        tpu.vector_store_idx %arg16[%get3A_625, %get3A_627], %get3A_629 : memref<56x224xf32, #tpu.memory_space<vmem>>[vector<16xi32>, vector<16xi32>], vector<16xf32>,
        %scan3A_630 = arith.constant 0 : i32
        %scan3A_631 = arith.constant 1 : i32
        %scan3A_632 = arith.addi %scan3A_620, %scan3A_631 : i32
        %mul3A_633 = arith.constant 16 : i32
        %mul3A_634 = arith.muli %scan3A_632, %mul3A_633 : i32
        %get3A_635 = arith.index_cast %mul3A_634 : i32 to index
        %get3A_636 = tpu.vector_load %arg10[%get3A_635] {strides = array<i32>} : memref<3264xi32, #tpu.memory_space<vmem>>, vector<16xi32>,
        %get3A_637 = arith.index_cast %mul3A_634 : i32 to index
        %get3A_638 = tpu.vector_load %arg11[%get3A_637] {strides = array<i32>} : memref<3264xi32, #tpu.memory_space<vmem>>, vector<16xi32>,
        %get3A_639 = arith.index_cast %mul3A_634 : i32 to index
        %get3A_640 = tpu.vector_load %arg12[%get3A_639] {strides = array<i32>} : memref<3264xf32, #tpu.memory_space<vmem>>, vector<16xf32>,
        tpu.vector_store_idx %arg16[%get3A_636, %get3A_638], %get3A_640 : memref<56x224xf32, #tpu.memory_space<vmem>>[vector<16xi32>, vector<16xi32>], vector<16xf32>,
        %scan3A_641 = arith.constant 0 : i32
        %scan3A_642 = arith.constant 2 : i32
        %scan3A_643 = arith.addi %scan3A_620, %scan3A_642 : i32
        %mul3A_644 = arith.constant 16 : i32
        %mul3A_645 = arith.muli %scan3A_643, %mul3A_644 : i32
        %get3A_646 = arith.index_cast %mul3A_645 : i32 to index
        %get3A_647 = tpu.vector_load %arg10[%get3A_646] {strides = array<i32>} : memref<3264xi32, #tpu.memory_space<vmem>>, vector<16xi32>,
        %get3A_648 = arith.index_cast %mul3A_645 : i32 to index
        %get3A_649 = tpu.vector_load %arg11[%get3A_648] {strides = array<i32>} : memref<3264xi32, #tpu.memory_space<vmem>>, vector<16xi32>,
        %get3A_650 = arith.index_cast %mul3A_645 : i32 to index
        %get3A_651 = tpu.vector_load %arg12[%get3A_650] {strides = array<i32>} : memref<3264xf32, #tpu.memory_space<vmem>>, vector<16xf32>,
        tpu.vector_store_idx %arg16[%get3A_647, %get3A_649], %get3A_651 : memref<56x224xf32, #tpu.memory_space<vmem>>[vector<16xi32>, vector<16xi32>], vector<16xf32>,
        %scan3A_652 = arith.constant 0 : i32
        %scan3A_653 = arith.constant 3 : i32
        %scan3A_654 = arith.addi %scan3A_620, %scan3A_653 : i32
        %mul3A_655 = arith.constant 16 : i32
        %mul3A_656 = arith.muli %scan3A_654, %mul3A_655 : i32
        %get3A_657 = arith.index_cast %mul3A_656 : i32 to index
        %get3A_658 = tpu.vector_load %arg10[%get3A_657] {strides = array<i32>} : memref<3264xi32, #tpu.memory_space<vmem>>, vector<16xi32>,
        %get3A_659 = arith.index_cast %mul3A_656 : i32 to index
        %get3A_660 = tpu.vector_load %arg11[%get3A_659] {strides = array<i32>} : memref<3264xi32, #tpu.memory_space<vmem>>, vector<16xi32>,
        %get3A_661 = arith.index_cast %mul3A_656 : i32 to index
        %get3A_662 = tpu.vector_load %arg12[%get3A_661] {strides = array<i32>} : memref<3264xf32, #tpu.memory_space<vmem>>, vector<16xf32>,
        tpu.vector_store_idx %arg16[%get3A_658, %get3A_660], %get3A_662 : memref<56x224xf32, #tpu.memory_space<vmem>>[vector<16xi32>, vector<16xi32>], vector<16xf32>,
        %scan3A_663 = arith.constant 0 : i32
        %scan3A_664 = arith.constant 4 : i32
        %scan3A_665 = arith.addi %scan3A_620, %scan3A_664 : i32
        %mul3A_666 = arith.constant 16 : i32
        %mul3A_667 = arith.muli %scan3A_665, %mul3A_666 : i32
        %get3A_668 = arith.index_cast %mul3A_667 : i32 to index
        %get3A_669 = tpu.vector_load %arg10[%get3A_668] {strides = array<i32>} : memref<3264xi32, #tpu.memory_space<vmem>>, vector<16xi32>,
        %get3A_670 = arith.index_cast %mul3A_667 : i32 to index
        %get3A_671 = tpu.vector_load %arg11[%get3A_670] {strides = array<i32>} : memref<3264xi32, #tpu.memory_space<vmem>>, vector<16xi32>,
        %get3A_672 = arith.index_cast %mul3A_667 : i32 to index
        %get3A_673 = tpu.vector_load %arg12[%get3A_672] {strides = array<i32>} : memref<3264xf32, #tpu.memory_space<vmem>>, vector<16xf32>,
        tpu.vector_store_idx %arg16[%get3A_669, %get3A_671], %get3A_673 : memref<56x224xf32, #tpu.memory_space<vmem>>[vector<16xi32>, vector<16xi32>], vector<16xf32>,
        %scan3A_674 = arith.constant 0 : i32
        %scan3A_675 = arith.constant 5 : i32
        %scan3A_676 = arith.addi %scan3A_620, %scan3A_675 : i32
        %mul3A_677 = arith.constant 16 : i32
        %mul3A_678 = arith.muli %scan3A_676, %mul3A_677 : i32
        %get3A_679 = arith.index_cast %mul3A_678 : i32 to index
        %get3A_680 = tpu.vector_load %arg10[%get3A_679] {strides = array<i32>} : memref<3264xi32, #tpu.memory_space<vmem>>, vector<16xi32>,
        %get3A_681 = arith.index_cast %mul3A_678 : i32 to index
        %get3A_682 = tpu.vector_load %arg11[%get3A_681] {strides = array<i32>} : memref<3264xi32, #tpu.memory_space<vmem>>, vector<16xi32>,
        %get3A_683 = arith.index_cast %mul3A_678 : i32 to index
        %get3A_684 = tpu.vector_load %arg12[%get3A_683] {strides = array<i32>} : memref<3264xf32, #tpu.memory_space<vmem>>, vector<16xf32>,
        tpu.vector_store_idx %arg16[%get3A_680, %get3A_682], %get3A_684 : memref<56x224xf32, #tpu.memory_space<vmem>>[vector<16xi32>, vector<16xi32>], vector<16xf32>,
        %scan3A_685 = arith.constant 0 : i32
        %scan3A_686 = arith.constant 6 : i32
        %scan3A_687 = arith.addi %scan3A_620, %scan3A_686 : i32
        %mul3A_688 = arith.constant 16 : i32
        %mul3A_689 = arith.muli %scan3A_687, %mul3A_688 : i32
        %get3A_690 = arith.index_cast %mul3A_689 : i32 to index
        %get3A_691 = tpu.vector_load %arg10[%get3A_690] {strides = array<i32>} : memref<3264xi32, #tpu.memory_space<vmem>>, vector<16xi32>,
        %get3A_692 = arith.index_cast %mul3A_689 : i32 to index
        %get3A_693 = tpu.vector_load %arg11[%get3A_692] {strides = array<i32>} : memref<3264xi32, #tpu.memory_space<vmem>>, vector<16xi32>,
        %get3A_694 = arith.index_cast %mul3A_689 : i32 to index
        %get3A_695 = tpu.vector_load %arg12[%get3A_694] {strides = array<i32>} : memref<3264xf32, #tpu.memory_space<vmem>>, vector<16xf32>,
        tpu.vector_store_idx %arg16[%get3A_691, %get3A_693], %get3A_695 : memref<56x224xf32, #tpu.memory_space<vmem>>[vector<16xi32>, vector<16xi32>], vector<16xf32>,
        %scan3A_696 = arith.constant 0 : i32
        %scan3A_697 = arith.constant 7 : i32
        %scan3A_698 = arith.addi %scan3A_620, %scan3A_697 : i32
        %mul3A_699 = arith.constant 16 : i32
        %mul3A_700 = arith.muli %scan3A_698, %mul3A_699 : i32
        %get3A_701 = arith.index_cast %mul3A_700 : i32 to index
        %get3A_702 = tpu.vector_load %arg10[%get3A_701] {strides = array<i32>} : memref<3264xi32, #tpu.memory_space<vmem>>, vector<16xi32>,
        %get3A_703 = arith.index_cast %mul3A_700 : i32 to index
        %get3A_704 = tpu.vector_load %arg11[%get3A_703] {strides = array<i32>} : memref<3264xi32, #tpu.memory_space<vmem>>, vector<16xi32>,
        %get3A_705 = arith.index_cast %mul3A_700 : i32 to index
        %get3A_706 = tpu.vector_load %arg12[%get3A_705] {strides = array<i32>} : memref<3264xf32, #tpu.memory_space<vmem>>, vector<16xf32>,
        tpu.vector_store_idx %arg16[%get3A_702, %get3A_704], %get3A_706 : memref<56x224xf32, #tpu.memory_space<vmem>>[vector<16xi32>, vector<16xi32>], vector<16xf32>,
        %scan3A_707 = arith.constant 0 : i32
        scf.yield %scan3A_707 : i32
      }
      %scan3A_558 = arith.constant 200 : i32
      %scan3A_559 = arith.addi %scan3A_553, %scan3A_558 : i32
      %mul3A_560 = arith.constant 16 : i32
      %mul3A_561 = arith.muli %scan3A_559, %mul3A_560 : i32
      %get3A_562 = arith.index_cast %mul3A_561 : i32 to index
      %get3A_563 = tpu.vector_load %arg10[%get3A_562] {strides = array<i32>} : memref<3264xi32, #tpu.memory_space<vmem>>, vector<16xi32>,
      %get3A_564 = arith.index_cast %mul3A_561 : i32 to index
      %get3A_565 = tpu.vector_load %arg11[%get3A_564] {strides = array<i32>} : memref<3264xi32, #tpu.memory_space<vmem>>, vector<16xi32>,
      %get3A_566 = arith.index_cast %mul3A_561 : i32 to index
      %get3A_567 = tpu.vector_load %arg12[%get3A_566] {strides = array<i32>} : memref<3264xf32, #tpu.memory_space<vmem>>, vector<16xf32>,
      tpu.vector_store_idx %arg16[%get3A_563, %get3A_565], %get3A_567 : memref<56x224xf32, #tpu.memory_space<vmem>>[vector<16xi32>, vector<16xi32>], vector<16xf32>,
      %scan3A_568 = arith.constant 0 : i32
      %scan3A_569 = arith.constant 201 : i32
      %scan3A_570 = arith.addi %scan3A_553, %scan3A_569 : i32
      %mul3A_571 = arith.constant 16 : i32
      %mul3A_572 = arith.muli %scan3A_570, %mul3A_571 : i32
      %get3A_573 = arith.index_cast %mul3A_572 : i32 to index
      %get3A_574 = tpu.vector_load %arg10[%get3A_573] {strides = array<i32>} : memref<3264xi32, #tpu.memory_space<vmem>>, vector<16xi32>,
      %get3A_575 = arith.index_cast %mul3A_572 : i32 to index
      %get3A_576 = tpu.vector_load %arg11[%get3A_575] {strides = array<i32>} : memref<3264xi32, #tpu.memory_space<vmem>>, vector<16xi32>,
      %get3A_577 = arith.index_cast %mul3A_572 : i32 to index
      %get3A_578 = tpu.vector_load %arg12[%get3A_577] {strides = array<i32>} : memref<3264xf32, #tpu.memory_space<vmem>>, vector<16xf32>,
      tpu.vector_store_idx %arg16[%get3A_574, %get3A_576], %get3A_578 : memref<56x224xf32, #tpu.memory_space<vmem>>[vector<16xi32>, vector<16xi32>], vector<16xf32>,
      %scan3A_579 = arith.constant 0 : i32
      %scan3A_580 = arith.constant 202 : i32
      %scan3A_581 = arith.addi %scan3A_553, %scan3A_580 : i32
      %mul3A_582 = arith.constant 16 : i32
      %mul3A_583 = arith.muli %scan3A_581, %mul3A_582 : i32
      %get3A_584 = arith.index_cast %mul3A_583 : i32 to index
      %get3A_585 = tpu.vector_load %arg10[%get3A_584] {strides = array<i32>} : memref<3264xi32, #tpu.memory_space<vmem>>, vector<16xi32>,
      %get3A_586 = arith.index_cast %mul3A_583 : i32 to index
      %get3A_587 = tpu.vector_load %arg11[%get3A_586] {strides = array<i32>} : memref<3264xi32, #tpu.memory_space<vmem>>, vector<16xi32>,
      %get3A_588 = arith.index_cast %mul3A_583 : i32 to index
      %get3A_589 = tpu.vector_load %arg12[%get3A_588] {strides = array<i32>} : memref<3264xf32, #tpu.memory_space<vmem>>, vector<16xf32>,
      tpu.vector_store_idx %arg16[%get3A_585, %get3A_587], %get3A_589 : memref<56x224xf32, #tpu.memory_space<vmem>>[vector<16xi32>, vector<16xi32>], vector<16xf32>,
      %scan3A_590 = arith.constant 0 : i32
      %scan3A_591 = arith.constant 203 : i32
      %scan3A_592 = arith.addi %scan3A_553, %scan3A_591 : i32
      %mul3A_593 = arith.constant 16 : i32
      %mul3A_594 = arith.muli %scan3A_592, %mul3A_593 : i32
      %get3A_595 = arith.index_cast %mul3A_594 : i32 to index
      %get3A_596 = tpu.vector_load %arg10[%get3A_595] {strides = array<i32>} : memref<3264xi32, #tpu.memory_space<vmem>>, vector<16xi32>,
      %get3A_597 = arith.index_cast %mul3A_594 : i32 to index
      %get3A_598 = tpu.vector_load %arg11[%get3A_597] {strides = array<i32>} : memref<3264xi32, #tpu.memory_space<vmem>>, vector<16xi32>,
      %get3A_599 = arith.index_cast %mul3A_594 : i32 to index
      %get3A_600 = tpu.vector_load %arg12[%get3A_599] {strides = array<i32>} : memref<3264xf32, #tpu.memory_space<vmem>>, vector<16xf32>,
      tpu.vector_store_idx %arg16[%get3A_596, %get3A_598], %get3A_600 : memref<56x224xf32, #tpu.memory_space<vmem>>[vector<16xi32>, vector<16xi32>], vector<16xf32>,
      %scan3A_601 = arith.constant 0 : i32
      %scan3A_602 = arith.constant 204 : i32
      %add3A_603 = arith.addi %mul3A_2, %add3A_487 : i32
      %dma_start3A_604 = arith.constant 0 : i32
      %dma_start3A_605 = arith.constant 0 : i32
      %dma_start3A_606 = tpu.memref_slice %arg7[%add3A_603, %dma_start3A_604, %dma_start3A_605] : memref<768x56x224xf32, #tpu.memory_space<hbm>> -> memref<1x56x224xf32, #tpu.memory_space<hbm>>
      %dma_start3A_607 = tpu.memref_squeeze %dma_start3A_606 : memref<1x56x224xf32, #tpu.memory_space<hbm>> -> memref<56x224xf32, #tpu.memory_space<hbm>>
      %dma_start3A_608 = arith.constant 0 : i32
      %dma_start3A_609 = arith.constant 0 : i32
      %dma_start3A_610 = tpu.memref_slice %arg7[%add3A_603, %dma_start3A_608, %dma_start3A_609] : memref<768x56x224xf32, #tpu.memory_space<hbm>> -> memref<1x56x224xf32, #tpu.memory_space<hbm>>
      %dma_start3A_611 = tpu.memref_squeeze %dma_start3A_610 : memref<1x56x224xf32, #tpu.memory_space<hbm>> -> memref<56x224xf32, #tpu.memory_space<hbm>>
      tpu.enqueue_dma source(%arg16 : memref<56x224xf32, #tpu.memory_space<vmem>>) target(%dma_start3A_611 : memref<56x224xf32, #tpu.memory_space<hbm>>) target_semaphore(%arg24 : memref<!tpu.dma_semaphore, #tpu.memory_space<semaphore_mem>>)
      %add3A_612 = arith.constant 4 : i32
      %add3A_613 = arith.addi %add3A_487, %add3A_612 : i32
      %lt3A_614 = arith.constant 24 : i32
      %lt3A_615 = arith.cmpi slt, %add3A_613, %lt3A_614 : i32
      %convert_element_type3A_616 = arith.extui %lt3A_615 : i1 to i32
      %cond3A_617 = arith.constant 0 : i32
      %cond3A_618 = arith.cmpi ne, %convert_element_type3A_616, %cond3A_617 : i32
      scf.if %cond3A_618 {
        %dma_wait3A_620 = arith.constant 0 : i32
        %dma_wait3A_621 = arith.constant 0 : i32
        %dma_wait3A_622 = arith.constant 0 : i32
        %dma_wait3A_623 = tpu.memref_slice %arg7[%dma_wait3A_620, %dma_wait3A_621, %dma_wait3A_622] : memref<768x56x224xf32, #tpu.memory_space<hbm>> -> memref<1x56x224xf32, #tpu.memory_space<hbm>>
        %dma_wait3A_624 = tpu.memref_squeeze %dma_wait3A_623 : memref<1x56x224xf32, #tpu.memory_space<hbm>> -> memref<56x224xf32, #tpu.memory_space<hbm>>
        %dma_wait3A_625 = arith.constant 0 : i32
        %dma_wait3A_626 = arith.constant 0 : i32
        %dma_wait3A_627 = tpu.memref_slice %arg7[%dma_wait3A_620, %dma_wait3A_625, %dma_wait3A_626] : memref<768x56x224xf32, #tpu.memory_space<hbm>> -> memref<1x56x224xf32, #tpu.memory_space<hbm>>
        %dma_wait3A_628 = tpu.memref_squeeze %dma_wait3A_627 : memref<1x56x224xf32, #tpu.memory_space<hbm>> -> memref<56x224xf32, #tpu.memory_space<hbm>>
        tpu.wait_dma2 semaphore(%arg24 : memref<!tpu.dma_semaphore, #tpu.memory_space<semaphore_mem>>) src(%arg16 : memref<56x224xf32, #tpu.memory_space<vmem>>) dst(%dma_wait3A_628 : memref<56x224xf32, #tpu.memory_space<hbm>>)
        %add3A_629 = arith.addi %mul3A_2, %add3A_487 : i32
        %add3A_630 = arith.constant 4 : i32
        %add3A_631 = arith.addi %add3A_629, %add3A_630 : i32
        %dma_start3A_632 = arith.constant 160 : i32
        %dma_start3A_633 = arith.constant 0 : i32
        %dma_start3A_634 = tpu.memref_slice %arg2[%add3A_631, %dma_start3A_632, %dma_start3A_633] : memref<768x224x224xf32, #tpu.memory_space<hbm>> -> memref<1x56x224xf32, #tpu.memory_space<hbm>>
        %dma_start3A_635 = tpu.memref_squeeze %dma_start3A_634 : memref<1x56x224xf32, #tpu.memory_space<hbm>> -> memref<56x224xf32, #tpu.memory_space<hbm>>
        %dma_start3A_636 = arith.constant 160 : i32
        %dma_start3A_637 = arith.constant 0 : i32
        %dma_start3A_638 = tpu.memref_slice %arg2[%add3A_631, %dma_start3A_636, %dma_start3A_637] : memref<768x224x224xf32, #tpu.memory_space<hbm>> -> memref<1x56x224xf32, #tpu.memory_space<hbm>>
        %dma_start3A_639 = tpu.memref_squeeze %dma_start3A_638 : memref<1x56x224xf32, #tpu.memory_space<hbm>> -> memref<56x224xf32, #tpu.memory_space<hbm>>
        tpu.enqueue_dma source(%dma_start3A_639 : memref<56x224xf32, #tpu.memory_space<hbm>>) target(%arg16 : memref<56x224xf32, #tpu.memory_space<vmem>>) target_semaphore(%arg20 : memref<!tpu.dma_semaphore, #tpu.memory_space<semaphore_mem>>)
      } else {
      }
      %scan3A_619 = arith.constant 0 : i32
      scf.yield %scan3A_619 : i32
    }
    %scan3A_47 = arith.constant 6 : i32
    %dma_wait3A = arith.constant 0 : i32
    %dma_wait3A_48 = arith.constant 0 : i32
    %dma_wait3A_49 = arith.constant 0 : i32
    %dma_wait3A_50 = tpu.memref_slice %arg7[%dma_wait3A, %dma_wait3A_48, %dma_wait3A_49] : memref<768x56x224xf32, #tpu.memory_space<hbm>> -> memref<1x56x224xf32, #tpu.memory_space<hbm>>
    %dma_wait3A_51 = tpu.memref_squeeze %dma_wait3A_50 : memref<1x56x224xf32, #tpu.memory_space<hbm>> -> memref<56x224xf32, #tpu.memory_space<hbm>>
    %dma_wait3A_52 = arith.constant 0 : i32
    %dma_wait3A_53 = arith.constant 0 : i32
    %dma_wait3A_54 = tpu.memref_slice %arg7[%dma_wait3A, %dma_wait3A_52, %dma_wait3A_53] : memref<768x56x224xf32, #tpu.memory_space<hbm>> -> memref<1x56x224xf32, #tpu.memory_space<hbm>>
    %dma_wait3A_55 = tpu.memref_squeeze %dma_wait3A_54 : memref<1x56x224xf32, #tpu.memory_space<hbm>> -> memref<56x224xf32, #tpu.memory_space<hbm>>
    tpu.wait_dma2 semaphore(%arg21 : memref<!tpu.dma_semaphore, #tpu.memory_space<semaphore_mem>>) src(%arg13 : memref<56x224xf32, #tpu.memory_space<vmem>>) dst(%dma_wait3A_55 : memref<56x224xf32, #tpu.memory_space<hbm>>)
    %dma_wait3A_56 = arith.constant 0 : i32
    %dma_wait3A_57 = arith.constant 0 : i32
    %dma_wait3A_58 = arith.constant 0 : i32
    %dma_wait3A_59 = tpu.memref_slice %arg7[%dma_wait3A_56, %dma_wait3A_57, %dma_wait3A_58] : memref<768x56x224xf32, #tpu.memory_space<hbm>> -> memref<1x56x224xf32, #tpu.memory_space<hbm>>
    %dma_wait3A_60 = tpu.memref_squeeze %dma_wait3A_59 : memref<1x56x224xf32, #tpu.memory_space<hbm>> -> memref<56x224xf32, #tpu.memory_space<hbm>>
    %dma_wait3A_61 = arith.constant 0 : i32
    %dma_wait3A_62 = arith.constant 0 : i32
    %dma_wait3A_63 = tpu.memref_slice %arg7[%dma_wait3A_56, %dma_wait3A_61, %dma_wait3A_62] : memref<768x56x224xf32, #tpu.memory_space<hbm>> -> memref<1x56x224xf32, #tpu.memory_space<hbm>>
    %dma_wait3A_64 = tpu.memref_squeeze %dma_wait3A_63 : memref<1x56x224xf32, #tpu.memory_space<hbm>> -> memref<56x224xf32, #tpu.memory_space<hbm>>
    tpu.wait_dma2 semaphore(%arg22 : memref<!tpu.dma_semaphore, #tpu.memory_space<semaphore_mem>>) src(%arg14 : memref<56x224xf32, #tpu.memory_space<vmem>>) dst(%dma_wait3A_64 : memref<56x224xf32, #tpu.memory_space<hbm>>)
    %dma_wait3A_65 = arith.constant 0 : i32
    %dma_wait3A_66 = arith.constant 0 : i32
    %dma_wait3A_67 = arith.constant 0 : i32
    %dma_wait3A_68 = tpu.memref_slice %arg7[%dma_wait3A_65, %dma_wait3A_66, %dma_wait3A_67] : memref<768x56x224xf32, #tpu.memory_space<hbm>> -> memref<1x56x224xf32, #tpu.memory_space<hbm>>
    %dma_wait3A_69 = tpu.memref_squeeze %dma_wait3A_68 : memref<1x56x224xf32, #tpu.memory_space<hbm>> -> memref<56x224xf32, #tpu.memory_space<hbm>>
    %dma_wait3A_70 = arith.constant 0 : i32
    %dma_wait3A_71 = arith.constant 0 : i32
    %dma_wait3A_72 = tpu.memref_slice %arg7[%dma_wait3A_65, %dma_wait3A_70, %dma_wait3A_71] : memref<768x56x224xf32, #tpu.memory_space<hbm>> -> memref<1x56x224xf32, #tpu.memory_space<hbm>>
    %dma_wait3A_73 = tpu.memref_squeeze %dma_wait3A_72 : memref<1x56x224xf32, #tpu.memory_space<hbm>> -> memref<56x224xf32, #tpu.memory_space<hbm>>
    tpu.wait_dma2 semaphore(%arg23 : memref<!tpu.dma_semaphore, #tpu.memory_space<semaphore_mem>>) src(%arg15 : memref<56x224xf32, #tpu.memory_space<vmem>>) dst(%dma_wait3A_73 : memref<56x224xf32, #tpu.memory_space<hbm>>)
    %dma_wait3A_74 = arith.constant 0 : i32
    %dma_wait3A_75 = arith.constant 0 : i32
    %dma_wait3A_76 = arith.constant 0 : i32
    %dma_wait3A_77 = tpu.memref_slice %arg7[%dma_wait3A_74, %dma_wait3A_75, %dma_wait3A_76] : memref<768x56x224xf32, #tpu.memory_space<hbm>> -> memref<1x56x224xf32, #tpu.memory_space<hbm>>
    %dma_wait3A_78 = tpu.memref_squeeze %dma_wait3A_77 : memref<1x56x224xf32, #tpu.memory_space<hbm>> -> memref<56x224xf32, #tpu.memory_space<hbm>>
    %dma_wait3A_79 = arith.constant 0 : i32
    %dma_wait3A_80 = arith.constant 0 : i32
    %dma_wait3A_81 = tpu.memref_slice %arg7[%dma_wait3A_74, %dma_wait3A_79, %dma_wait3A_80] : memref<768x56x224xf32, #tpu.memory_space<hbm>> -> memref<1x56x224xf32, #tpu.memory_space<hbm>>
    %dma_wait3A_82 = tpu.memref_squeeze %dma_wait3A_81 : memref<1x56x224xf32, #tpu.memory_space<hbm>> -> memref<56x224xf32, #tpu.memory_space<hbm>>
    tpu.wait_dma2 semaphore(%arg24 : memref<!tpu.dma_semaphore, #tpu.memory_space<semaphore_mem>>) src(%arg16 : memref<56x224xf32, #tpu.memory_space<vmem>>) dst(%dma_wait3A_82 : memref<56x224xf32, #tpu.memory_space<hbm>>)
    return
  }
}

module attributes {stable_mosaic.version = 14 : i64} {
  func.func @tc_body(%arg0: i32, %arg1: memref<48x224x224xf32, #tpu.memory_space<vmem>>, %arg2: memref<48x56x224xf32, #tpu.memory_space<vmem>>, %arg3: memref<48x224x224xf32, #tpu.memory_space<vmem>>) attributes {dimension_semantics = [#tpu.dimension_semantics<arbitrary>], iteration_bounds = array<i64: 16>, scalar_prefetch = 0 : i64, scratch_operands = 0 : i64, tpu.core_type = #tpu.core_type<tc>, window_params = [{transform_indices = @transform_0, window_bounds = array<i64: 48, 224, 224>}, {transform_indices = @transform_1, window_bounds = array<i64: 48, 56, 224>}, {transform_indices = @transform_2, window_bounds = array<i64: 48, 224, 224>}]} {
    %get3A = arith.constant 0 : index
    %get3A_0 = arith.constant 0 : index
    %get3A_1 = arith.constant 0 : index
    %get3A_2 = vector.load %arg1[%get3A, %get3A_0, %get3A_1] : memref<48x224x224xf32, #tpu.memory_space<vmem>>, vector<48x160x224xf32>
    %swap3A = arith.constant 0 : index
    %swap3A_3 = arith.constant 0 : index
    %swap3A_4 = arith.constant 0 : index
    %swap3A_5 = vector.load %arg3[%swap3A, %swap3A_3, %swap3A_4] : memref<48x224x224xf32, #tpu.memory_space<vmem>>, vector<48x160x224xf32>
    tpu.vector_store %arg3[%swap3A, %swap3A_3, %swap3A_4], %get3A_2 {strides = array<i32>} : memref<48x224x224xf32, #tpu.memory_space<vmem>>, vector<48x160x224xf32>,
    %get3A_6 = arith.constant 0 : index
    %get3A_7 = arith.constant 0 : index
    %get3A_8 = arith.constant 0 : index
    %get3A_9 = vector.load %arg2[%get3A_6, %get3A_7, %get3A_8] : memref<48x56x224xf32, #tpu.memory_space<vmem>>, vector<48x56x224xf32>
    %swap3A_10 = arith.constant 0 : index
    %swap3A_11 = arith.constant 160 : index
    %swap3A_12 = arith.constant 0 : index
    %swap3A_13 = vector.load %arg3[%swap3A_10, %swap3A_11, %swap3A_12] : memref<48x224x224xf32, #tpu.memory_space<vmem>>, vector<48x56x224xf32>
    tpu.vector_store %arg3[%swap3A_10, %swap3A_11, %swap3A_12], %get3A_9 {strides = array<i32>} : memref<48x224x224xf32, #tpu.memory_space<vmem>>, vector<48x56x224xf32>,
    %get3A_14 = arith.constant 0 : index
    %get3A_15 = arith.constant 216 : index
    %get3A_16 = arith.constant 0 : index
    %get3A_17 = vector.load %arg1[%get3A_14, %get3A_15, %get3A_16] : memref<48x224x224xf32, #tpu.memory_space<vmem>>, vector<48x8x224xf32>
    %swap3A_18 = arith.constant 0 : index
    %swap3A_19 = arith.constant 216 : index
    %swap3A_20 = arith.constant 0 : index
    %swap3A_21 = vector.load %arg3[%swap3A_18, %swap3A_19, %swap3A_20] : memref<48x224x224xf32, #tpu.memory_space<vmem>>, vector<48x8x224xf32>
    tpu.vector_store %arg3[%swap3A_18, %swap3A_19, %swap3A_20], %get3A_17 {strides = array<i32>} : memref<48x224x224xf32, #tpu.memory_space<vmem>>, vector<48x8x224xf32>,
    return
  }
  func.func @transform_0(%arg0: i32) -> (i32, i32, i32) {
    %c0_i32 = arith.constant 0 : i32
    %c0_i32_0 = arith.constant 0 : i32
    %c0_i32_1 = arith.constant 0 : i32
    return %arg0, %c0_i32, %c0_i32_0 : i32, i32, i32
  }
  func.func @transform_1(%arg0: i32) -> (i32, i32, i32) {
    %c0_i32 = arith.constant 0 : i32
    %c0_i32_0 = arith.constant 0 : i32
    %c0_i32_1 = arith.constant 0 : i32
    return %arg0, %c0_i32, %c0_i32_0 : i32, i32, i32
  }
  func.func @transform_2(%arg0: i32) -> (i32, i32, i32) {
    %c0_i32 = arith.constant 0 : i32
    %c0_i32_0 = arith.constant 0 : i32
    %c0_i32_1 = arith.constant 0 : i32
    return %arg0, %c0_i32, %c0_i32_0 : i32, i32, i32
  }
}

</mosaic_0001>

<sc_bundles>
// kernel: kernel.4.cloned.1.call-start
scs
__scs_entry_jumppad:
0x0: {  	(pc) =	sbr.rel $0x88, $3  }
0x1: {  	(tag) =	ssettag $0x0;
	lr =	simm.s32 $0x1  }
0x2: {  	[smem:$0x3FA0] =	sst lr;
	_ =	strace $0xD0000000  }
0x3: {  	_ = 	snop  }
0x4: {  	_ = 	snop  }
0x5: {  	_ = 	snop  }
0x6: {  	_ = 	snop  }
0x7: {  	_ = 	snop  }
__scs_overlays_trampoline_lowered:
0x8: {  	[smem:$0x3FAF] =	sst s0  }
0x9: {  	[smem:$0x3FB0] =	sst s1  }
0xa: {  	[smem:$0x3FB1] =	sst s2  }
0xb: {  	[smem:$0x3FB2] =	sst s3  }
0xc: {  	[smem:$0x3FB3] =	sst s4  }
0xd: {  	[smem:$0x3FB4] =	sst s5  }
0xe: {  	[smem:$0x3FB5] =	sst s6  }
0xf: {  	[smem:$0x3FB6] =	sst s7  }
0x10: {  	[smem:$0x3FB7] =	sst s8  }
0x11: {  	[smem:$0x3FB8] =	sst s9;
	s0 =	simm.s32 @!p0 $0x0  }
0x12: {  	s1 =	sld [smem:$0x3F9E];
	s0 =	simm.s32 @p0 $0x1  }
0x13: {  	[smem:$0x3FB9] =	sst s0;
	s0 =	simm.s32 @!p1 $0x0  }
0x14: {  	s2 =	sld [smem:$0x3F9D];
	s0 =	simm.s32 @p1 $0x1  }
0x15: {  	[smem:$0x3FBA] =	sst s0;
	s0 =	simm.s32 @!p2 $0x0  }
0x16: {  	s3 =	sld [smem:$0x3FDB];
	s0 =	simm.s32 @p2 $0x1  }
0x17: {  	s4 =	simm.s32 $0x1BF5;
	[smem:$0x3FBC] =	sst s0  }
0x18: {  	s0 =	sld [smem:$0x3F9F];
	_ =	swait.ge [sflag:s4], $0x0  }
0x19: {  	s7 =	sld [smem:$0x3FA0]  }
0x1a: {  	s8 =	sadd.s32 $0xFFFFE003, lr  }
0x1b: {  	s9 =	sadd.s32 $0xFFFFFEF7, lr;
	s5 =	simm.s32 $0xFFFFFFFF;
	p2 =	slt.u32 s8, $0xFFFFF086  }
0x1c: {  	p1 =	slt.u32 s9, $0xF7A;
	s5 =	simm.s32 @!p2 $0x0  }
0x1d: {  	s5 =	simm.s32 @p1 $0x1;
	p0 =	seq.s32 s7, s2  }
0x1e: {  	s7 =	smul.u32 @!p0 $0xF7A, s2;
	p2 =	seq.s32 @!p0 s5, $0x0  }
0x1f: {  	s9 =	smul.u32 $0xF7A, s1;
	s8 =	simm.s32 @!p0 $0x1BF5;
	p2 =	por !p2, p0  }
0x20: {  	[sflag:s8] =	ssyncset.s32 @!p0 $0xFFFFF086;
	s6 =	sadd.s32 @!p0 s3, s7;
	s7 =	simm.s32 @!p0 $0x108  }
0x21: {  	s3 =	sadd.s32 s3, s9;
	s6 =	sadd.s32 @!p0 $0x88, s6;
	s7 =	simm.s32 @p2 $0x1082  }
0x22: {  	[simem:s7], [sflag:s8] =	dma.local @!p0 [hbm:s6], $0xF7A  }
0x23: {  	s9 =	sor.u32 $0xD0000000, s2;
	s6 =	simm.s32 $0x108;
	_ =	swait.ge @!p0 [sflag:s8], $0x0  }
0x24: {  	s3 =	sadd.s32 $0x88, s3;
	s6 =	simm.s32 @!p1 $0x1082;
	[sflag:s4] =	ssyncset.s32 $0xFFFFF086  }
0x25: {  	[simem:s6], [sflag:s4] =	dma.local [hbm:s3], $0xF7A  }
0x26: {  	[smem:$0x3FA0] =	sst s1;
	(tag) =	ssettag s2;
	_ =	strace s9  }
0x27: {  	s1 =	sld [smem:$0x3FB0]  }
0x28: {  	s2 =	sld [smem:$0x3FB1]  }
0x29: {  	s4 =	sld [smem:$0x3FB3]  }
0x2a: {  	p0 =	seq.s32 s5, $0x0;
	s5 =	sld [smem:$0x3FB4]  }
0x2b: {  	s6 =	sld [smem:$0x3FB5]  }
0x2c: {  	s7 =	sld [smem:$0x3FB6]  }
0x2d: {  	s3 =	simm.s32 $0x108;
	s8 =	sld [smem:$0x3FB7]  }
0x2e: {  	s3 =	simm.s32 @!p0 $0x1082;
	s9 =	sld [smem:$0x3FB8]  }
0x2f: {  	lr =	sadd.s32 s0, s3;
	s0 =	sld [smem:$0x3FAF]  }
0x30: {  	s3 =	sld [smem:$0x3FB2]  }
0x31: {  	[smem:$0x3FBB] =	sst s10  }
0x32: {  	s10 =	sld [smem:$0x3FB9];
	_ =	sdelay $0x3  }
0x33: {  	p0 =	seq.s32 s10, $0x1;
	s10 =	sld [smem:$0x3FBB];
	_ =	sdelay $0x3  }
0x34: {  	[smem:$0x3FBB] =	sst s10  }
0x35: {  	s10 =	sld [smem:$0x3FBA];
	_ =	sdelay $0x3  }
0x36: {  	p1 =	seq.s32 s10, $0x1;
	s10 =	sld [smem:$0x3FBB];
	_ =	sdelay $0x3  }
0x37: {  	[smem:$0x3FBB] =	sst s10  }
0x38: {  	s10 =	sld [smem:$0x3FBC]  }
0x39: {  	_ = 	snop;
	(pc) =	sbr.ind lr, $3  }
0x3a: {  	_ = 	snop  }
0x3b: {  	_ = 	snop  }
0x3c: {  	p2 =	seq.s32 s10, $0x1;
	s10 =	sld [smem:$0x3FBB]  }
0x3d: {  	_ =	shalt  }
0x3e: {  	_ =	shalt  }
0x3f: {  	_ =	shalt  }
0x40: {  	_ =	shalt  }
0x41: {  	_ =	shalt  }
0x42: {  	_ =	shalt  }
0x43: {  	_ =	shalt  }
0x44: {  	_ =	shalt  }
0x45: {  	_ =	shalt  }
0x46: {  	_ =	shalt  }
0x47: {  	_ =	shalt  }
0x48: {  	_ =	shalt  }
0x49: {  	_ =	shalt  }
0x4a: {  	_ =	shalt  }
0x4b: {  	_ =	shalt  }
0x4c: {  	_ =	shalt  }
0x4d: {  	_ =	shalt  }
0x4e: {  	_ =	shalt  }
0x4f: {  	_ =	shalt  }
0x50: {  	_ =	shalt  }
0x51: {  	_ =	shalt  }
0x52: {  	_ =	shalt  }
0x53: {  	_ =	shalt  }
0x54: {  	_ =	shalt  }
0x55: {  	_ =	shalt  }
0x56: {  	_ =	shalt  }
0x57: {  	_ =	shalt  }
0x58: {  	_ =	shalt  }
0x59: {  	_ =	shalt  }
0x5a: {  	_ =	shalt  }
0x5b: {  	_ =	shalt  }
0x5c: {  	_ =	shalt  }
0x5d: {  	_ =	shalt  }
0x5e: {  	_ =	shalt  }
0x5f: {  	_ =	shalt  }
0x60: {  	_ =	shalt  }
0x61: {  	_ =	shalt  }
0x62: {  	_ =	shalt  }
0x63: {  	_ =	shalt  }
0x64: {  	_ =	shalt  }
0x65: {  	_ =	shalt  }
0x66: {  	_ =	shalt  }
0x67: {  	_ =	shalt  }
0x68: {  	_ =	shalt  }
0x69: {  	_ =	shalt  }
0x6a: {  	_ =	shalt  }
0x6b: {  	_ =	shalt  }
0x6c: {  	_ =	shalt  }
0x6d: {  	_ =	shalt  }
0x6e: {  	_ =	shalt  }
0x6f: {  	_ =	shalt  }
0x70: {  	_ =	shalt  }
0x71: {  	_ =	shalt  }
0x72: {  	_ =	shalt  }
0x73: {  	_ =	shalt  }
0x74: {  	_ =	shalt  }
0x75: {  	_ =	shalt  }
0x76: {  	_ =	shalt  }
0x77: {  	_ =	shalt  }
0x78: {  	_ =	shalt  }
0x79: {  	_ =	shalt  }
0x7a: {  	_ =	shalt  }
0x7b: {  	_ =	shalt  }
0x7c: {  	_ =	shalt  }
0x7d: {  	_ =	shalt  }
0x7e: {  	_ =	shalt  }
0x7f: {  	_ =	shalt  }
0x80: {  	_ =	shalt  }
0x81: {  	_ =	shalt  }
0x82: {  	_ =	shalt  }
0x83: {  	_ =	shalt  }
0x84: {  	_ =	shalt  }
0x85: {  	_ =	shalt  }
0x86: {  	_ =	shalt  }
0x87: {  	_ =	shalt  }
.Lfunc_end0:
.L_simem_size_0:
called_computation.1_lowered:
.L_overlay_start_0:
0x88: {  	s2 =	sld [smem:$0x3FD9]  }
0x89: {  	s3 =	sld [smem:$0x3FFE];
	_ =	sdelay $0x1  }
0x8a: {  	s1 =	srdreg.scid  }
0x8b: {  	s0 =	sand.u32 $0x1, s1  }
0x8c: {  	s17 =	sshll.u32 s0, $0xA;
	s2 =	sadd.s32 s3, s2  }
0x8d: {  	s2 =	sadd.s32 s2, s17  }
0x8e: {  	[smem:$0x3FC7] =	sst s2  }
0x8f: {  	_ = 	snop  }
0x90: {  	s2 =	sld [smem:$0x3FD0];
	(tm) =	ssettm $0x1  }
0x91: {  	s18 =	sld [smem:$0x3FFB];
	_ =	sdelay $0x3  }
0x92: {  	_ =	strace s18  }
0x93: {  	s3 =	sld [smem:$0x3FFC];
	_ =	sdelay $0x3  }
0x94: {  	_ =	strace s3  }
0x95: {  	s3 =	sld [smem:$0x3FFD];
	_ =	sdelay $0x3  }
0x96: {  	_ =	strace s3  }
0x97: {  	_ =	strace $0x8FFFFFFF  }
0x98: {  	s19 =	sld [smem:$0x3FDB];
	_ =	sdelay $0x1  }
0x99: {  	s4 =	simm.s32 $_scs_section_size  }
0x9a: {  	s5 =	simm.s32 $_size__tile_overlayer_lowered;
	s6 =	simm.s32 $_tile_overlayer_lowered  }
0x9b: {  	s22 =	simm.s32 $0x1BFF;
	s21 =	sshll.u32 s6, $0x1;
	s3 =	sadd.s32 s4, s19  }
0x9c: {  	s7 =	simm.s32 $0x0;
	s20 =	sshll.u32 s5, $0x1;
	s5 =	sadd.s32 s21, s3  }
0x9d: {  	[timem:s7], [sflag:s22] =	dma.local [hbm:s5], s20  }
0x9e: {  	_ =	swait.ge [sflag:s22], s20  }
0x9f: {  	s4 =	ssub.s32 $0x0, s20;
	[sflag:s22] =	ssyncset.done $0x0  }
0xa0: {  	[sflag:s22] =	ssyncadd.s32 s4;
	_ =	sdelay $0x1  }
0xa1: {  	s23 =	simm.s32 $0x1B8B  }
0xa2: {  	_ =	swait.ge [sflag:s23], $0x1  }
0xa3: {  	[sflag:s23] =	ssyncset.done $0x0  }
0xa4: {  	s25 =	simm.s32 $0x1B8E;
	s24 =	sld [smem:$0x3FFE];
	[sflag:s23] =	ssyncadd.s32 $0xFFFFFFFF  }
0xa5: {  	s26 =	simm.s32 $execute0_lowered;
	[smem:$0x3FD2] =	sst s25  }
0xa6: {  	s5 =	sshll.u32 s26, $0x1;
	_ =	strace $0x80000046;
	[dreg:$0x1] =	wrdreg $0xFFFFFFFF  }
0xa7: {  	s28 =	simm.s32 $_size_execute0_lowered;
	s3 =	sadd.s32 s3, s5;
	[dreg:$0x0] =	wrdreg $0x0  }
0xa8: {  	s5 =	sshll.u32 s28, $0x1;
	[dreg:$0x2] =	wrdreg s3  }
0xa9: {  	[dreg:$0x3] =	wrdreg s5  }
0xaa: {  	[dreg:$0x4] =	wrdreg $0xC0  }
0xab: {  	_ =	task [dreg:s7], $0x5FFFF  }
0xac: {  	[dreg:$0x1] =	wrdreg $0xFFFFFFFF  }
0xad: {  	[dreg:$0x0] =	wrdreg $0x60  }
0xae: {  	[dreg:$0x2] =	wrdreg s24  }
0xaf: {  	[dreg:$0x3] =	wrdreg s2  }
0xb0: {  	[dreg:$0x4] =	wrdreg $0x9  }
0xb1: {  	_ =	task.clear_ibuf [dreg:s7], $0x5FFFF;
	_ =	strace $0x90000046  }
0xb2: {  	s29 =	simm.s32 $0x9;
	_ =	strace $0x80000048  }
0xb3: {  	_ =	swait.ge [sflag:s29], $0x1  }
0xb4: {  	[sflag:s29] =	ssyncadd.s32 $0xFFFFFFFF  }
0xb5: {  	_ =	strace $0x90000048  }
0xb6: {  	_ =	sfence  }
0xb7: {  	s30 =	sld [smem:$0x0];
	_ =	sdelay $0x2  }
0xb8: {  	s31 =	sshll.u32 s1, $0xD;
	s1 =	sshrl.u32 s1, $0x2  }
0xb9: {  	s3 =	sand.u32 $0x4000, s31;
	s1 =	sadd.s32 s1, s30  }
0xba: {  	s0 =	sor.u32 s3, s0;
	s1 =	sshll.u32 s1, $0x11  }
0xbb: {  	s0 =	sor.u32 s1, s0  }
0xbc: {  	s0 =	sadd.s32 $0x8F2B, s0  }
0xbd: {  	[sflag:s0] =	ssyncadd.remote.s32 $0x1  }
0xbe: {  	_ =	sfence.sel $0xFFFF  }
0xbf: {  	[dreg:$0x0] =	wrdreg $0xFFFFFFFF;
	(pc) =	sbr.abs _section_cstart, $3  }
0xc0: {  	[dreg:$0x1] =	wrdreg $0xFFFFFFFF  }
0xc1: {  	_ =	task.clear_ibuf [dreg:s7], $0x2FFFF;
	_ =	strace $0x9FFFFFFF  }
0xc2: {  	(tm) =	ssettm $0x7FFFFFFF  }
0xc3: {  	_ =	shalt  }
tec
execute0_lowered:
.L_overlay_start_1:
0x0: {  	(tag) =	ssettag $0x1  }
0x1: {  	s0 =	rddreg [dreg:$0x0]  }
0x2: {  	s2 =	rddreg [dreg:$0x1];
	s3 =	simm.s32 $0x0;
	s1 =	srdreg.scid  }
0x3: {  	s4 =	stileid.u32;
	s15 =	simm.s32 $0x9;
	s19 =	simm.s32 $0x4100  }
0x4: {  	s20 =	simm.s32 $0x7900;
	s21 =	simm.s32 $0xB100;
	s28 =	simm.s32 $0x5  }
0x5: {  	s29 =	simm.s32 $0x6;
	s30 =	simm.s32 $0x7;
	s31 =	simm.s32 $0x8  }
0x6: {  	[smem:$0x7FF] =	sst s3;
	s1 =	sand.u32 $0x1, s1;
	s6 =	sadd.s32 $0x541600, s0  }
0x7: {  	s4 =	sshll.u32 s4, $0x1;
	s7 =	sadd.s32 $0x541400, s0;
	s8 =	sadd.s32 $0x541000, s0  }
0x8: {  	_ =	strace $0x80000047;
	s5 =	sor.u32 s1, s4;
	s4 =	sadd.s32 $0x1000, s0  }
0x9: {  	[dreg:$0x3] =	wrdreg s6;
	s1 =	ssub.s32 $0x2, s1;
	s22 =	smul.u32 $0x2A000, s5  }
0xa: {  	[dreg:$0x4] =	wrdreg s7;
	s9 =	smul.u32 $0x150000, s5;
	s23 =	sshrl.u32 s1, $0x1  }
0xb: {  	s7 =	sadd.s32 $0x541200, s0;
	s0 =	ssub.s32 s1, s23;
	s23 =	simm.s32 $0x1  }
.Ltmp0:
0xc: {  	s24 =	sadd.s32 s22, s4;
	s25 =	sshrl.u32 s9, $0x3;
	(pc) =	sbr.rel .LBB2_1-.Ltmp0, $4  }
0xd: {  	s9 =	smul.u32 $0x18, s5;
	s14 =	smax.u32 s0, $0x1;
	s22 =	simm.s32 $0xE900  }
0xe: {  	s0 =	simm.s32 $0x0;
	s10 =	sadd.s32 $0x1400, s24;
	s26 =	sadd.s32 s4, s25  }
0xf: {  	s24 =	simm.s32 $0x2;
	s25 =	simm.s32 $0x3;
	s11 =	sadd.s32 $0x3000, s26  }
0x10: {  	s12 =	sadd.s32 $0x4C00, s26;
	s13 =	sadd.s32 $0x6800, s26;
	s26 =	simm.s32 $0x4  }
.LBB2_20:
0x11: {  	_ =	swait.ge [sflag:s28], $0x3800  }
0x12: {  	[sflag:s28] =	ssyncset.done $0x0  }
0x13: {  	[sflag:s28] =	ssyncadd.s32 $0xFFFFC800  }
0x14: {  	_ =	swait.ge [sflag:s29], $0x3800  }
0x15: {  	[sflag:s29] =	ssyncset.done $0x0  }
0x16: {  	s0 =	sadd.s32 $0x1, s0;
	[sflag:s29] =	ssyncadd.s32 $0xFFFFC800  }
0x17: {  	p0 =	sne.s32 s0, s14;
	_ =	swait.ge [sflag:s30], $0x3800  }
.Ltmp1:
0x18: {  	[sflag:s30] =	ssyncset.done $0x0;
	(pc) =	sbr.rel @!p0 .LBB2_21-.Ltmp1, $4  }
0x19: {  	[sflag:s30] =	ssyncadd.s32 $0xFFFFC800  }
0x1a: {  	_ =	swait.ge [sflag:s31], $0x3800  }
0x1b: {  	[sflag:s31] =	ssyncset.done $0x0  }
0x1c: {  	[sflag:s31] =	ssyncadd.s32 $0xFFFFC800  }
.LBB2_1:
0x1d: {  	s1 =	rddreg [dreg:$0x3]  }
0x1e: {  	[tilespmem:s3], [sflag:$0x9] =	stream.linear.gather [hbm4b:s1+s3], $0xD00, $0x38;
	[tilespmem:$0x12100] =	vst v63  }
0x1f: {  	_ =	swait.ge [sflag:s15], $0xD00  }
0x20: {  	[sflag:s15] =	ssyncset.done $0x0  }
0x21: {  	s5 =	simm.s32 $0xD00;
	s16 =	rddreg [dreg:$0x4];
	[sflag:s15] =	ssyncadd.s32 $0xFFFFF300  }
0x22: {  	[tilespmem:s5], [sflag:$0x9] =	stream.linear.gather [hbm4b:s16+s3], $0xD00, $0x38;
	[tilespmem:$0x12100] =	vst v63  }
0x23: {  	_ =	swait.ge [sflag:s15], $0xD00  }
0x24: {  	[sflag:s15] =	ssyncset.done $0x0  }
0x25: {  	s17 =	simm.s32 $0x1A00;
	[sflag:s15] =	ssyncadd.s32 $0xFFFFF300  }
0x26: {  	[tilespmem:s17], [sflag:$0x9] =	stream.linear.gather [hbm4b:s7+s3], $0xD00, $0x38;
	[tilespmem:$0x12100] =	vst v63  }
0x27: {  	_ =	swait.ge [sflag:s15], $0xD00  }
0x28: {  	[sflag:s15] =	ssyncset.done $0x0  }
0x29: {  	s18 =	simm.s32 $0x2700;
	[sflag:s15] =	ssyncadd.s32 $0xFFFFF300  }
0x2a: {  	[tilespmem:s18], [sflag:$0x9] =	stream.linear.gather [hbm4b:s8+s3], $0xD00, $0x38;
	[tilespmem:$0x12100] =	vst v63  }
0x2b: {  	_ =	swait.ge [sflag:s15], $0xD00  }
0x2c: {  	[sflag:s15] =	ssyncset.done $0x0  }
0x2d: {  	[sflag:s15] =	ssyncadd.s32 $0xFFFFF300  }
0x2e: {  	[tilespmem:s19], [sflag:$0x1] =	stream.linear.gather [hbm4b:s10+s3], $0x3800, $0x38;
	[tilespmem:$0x12100] =	vst v63  }
0x2f: {  	_ = 	snop  }
0x30: {  	[tilespmem:s20], [sflag:$0x2] =	stream.linear.gather [hbm4b:s11+s3], $0x3800, $0x38;
	[tilespmem:$0x12100] =	vst v63  }
0x31: {  	_ = 	snop  }
0x32: {  	[tilespmem:s21], [sflag:$0x3] =	stream.linear.gather [hbm4b:s12+s3], $0x3800, $0x38;
	[tilespmem:$0x12100] =	vst v63  }
0x33: {  	s1 =	simm.s32 $0x0  }
0x34: {  	[tilespmem:s22], [sflag:$0x4] =	stream.linear.gather [hbm4b:s13+s3], $0x3800, $0x38;
	[tilespmem:$0x12100] =	vst v63  }
.LBB2_2:
0x35: {  	_ =	swait.ge [sflag:s23], $0x3800  }
0x36: {  	s16 =	simm.s32 $0xFFFFFFF8;
	s17 =	simm.s32 $0x40;
	[sflag:s23] =	ssyncset.done $0x0  }
0x37: {  	s18 =	simm.s32 $0xD40;
	s5 =	simm.s32 $0x3440;
	[sflag:s23] =	ssyncadd.s32 $0xFFFFC800  }
.LBB2_3:
0x38: {  	v0 =	vld [tilespmem:s17+$0xFFFFFFC0]  }
0x39: {  	v1 =	vld [tilespmem:s18+$0xFFFFFFC0];
	_ =	sdelay $0x4  }
0x3a: {  	v2 =	vshll.u32 v0, $0x8;
	v3 =	vshll.u32 v1, $0x3  }
0x3b: {  	v0 =	vshll.u32 v0, $0x7;
	v2 =	vand.u32 $0xFFFFF800, v2;
	v3 =	vand.u32 $0xFFFFFC00, v3  }
0x3c: {  	v0 =	vand.u32 $0x380, v0;
	v2 =	vadd.s32 v2, v3  }
0x3d: {  	v1 =	vand.u32 $0x7F, v1;
	v0 =	vor.u32 v0, v2  }
0x3e: {  	v0 =	vor.u32 v1, v0;
	_ =	sdelay $0x4  }
0x3f: {  	v0 =	vld.idx.msk [tilespmem:v0+s19+$0x0], $0xffff;
	_ =	sdelay $0x4  }
0x40: {  	[tilespmem:s5+$0xFFFFFFC0] =	vst v0  }
0x41: {  	v0 =	vld [tilespmem:s17+$0xFFFFFFD0]  }
0x42: {  	v43 =	vld [tilespmem:s18+$0xFFFFFFD0];
	_ =	sdelay $0x4  }
0x43: {  	v44 =	vshll.u32 v0, $0x8;
	v45 =	vshll.u32 v43, $0x3  }
0x44: {  	v0 =	vshll.u32 v0, $0x7;
	v2 =	vand.u32 $0xFFFFF800, v44;
	v3 =	vand.u32 $0xFFFFFC00, v45  }
0x45: {  	v0 =	vand.u32 $0x380, v0;
	v2 =	vadd.s32 v2, v3  }
0x46: {  	v1 =	vand.u32 $0x7F, v43;
	v0 =	vor.u32 v0, v2  }
0x47: {  	v0 =	vor.u32 v1, v0;
	_ =	sdelay $0x4  }
0x48: {  	v0 =	vld.idx.msk [tilespmem:v0+s19+$0x0], $0xffff;
	_ =	sdelay $0x4  }
0x49: {  	[tilespmem:s5+$0xFFFFFFD0] =	vst v0  }
0x4a: {  	v0 =	vld [tilespmem:s17+$0xFFFFFFE0]  }
0x4b: {  	v46 =	vld [tilespmem:s18+$0xFFFFFFE0];
	_ =	sdelay $0x4  }
0x4c: {  	v47 =	vshll.u32 v0, $0x8;
	v48 =	vshll.u32 v46, $0x3  }
0x4d: {  	v0 =	vshll.u32 v0, $0x7;
	v2 =	vand.u32 $0xFFFFF800, v47;
	v3 =	vand.u32 $0xFFFFFC00, v48  }
0x4e: {  	v0 =	vand.u32 $0x380, v0;
	v2 =	vadd.s32 v2, v3  }
0x4f: {  	v1 =	vand.u32 $0x7F, v46;
	v0 =	vor.u32 v0, v2  }
0x50: {  	v0 =	vor.u32 v1, v0;
	_ =	sdelay $0x4  }
0x51: {  	v0 =	vld.idx.msk [tilespmem:v0+s19+$0x0], $0xffff;
	_ =	sdelay $0x4  }
0x52: {  	[tilespmem:s5+$0xFFFFFFE0] =	vst v0  }
0x53: {  	v0 =	vld [tilespmem:s17+$0xFFFFFFF0]  }
0x54: {  	v49 =	vld [tilespmem:s18+$0xFFFFFFF0];
	_ =	sdelay $0x4  }
0x55: {  	v50 =	vshll.u32 v0, $0x8;
	v51 =	vshll.u32 v49, $0x3  }
0x56: {  	v0 =	vshll.u32 v0, $0x7;
	v2 =	vand.u32 $0xFFFFF800, v50;
	v3 =	vand.u32 $0xFFFFFC00, v51  }
0x57: {  	v0 =	vand.u32 $0x380, v0;
	v2 =	vadd.s32 v2, v3  }
0x58: {  	v1 =	vand.u32 $0x7F, v49;
	v0 =	vor.u32 v0, v2  }
0x59: {  	v0 =	vor.u32 v1, v0;
	_ =	sdelay $0x4  }
0x5a: {  	v0 =	vld.idx.msk [tilespmem:v0+s19+$0x0], $0xffff;
	_ =	sdelay $0x4  }
0x5b: {  	[tilespmem:s5+$0xFFFFFFF0] =	vst v0  }
0x5c: {  	v0 =	vld [tilespmem:s17+$0x0]  }
0x5d: {  	v52 =	vld [tilespmem:s18+$0x0];
	_ =	sdelay $0x4  }
0x5e: {  	v53 =	vshll.u32 v0, $0x8;
	v54 =	vshll.u32 v52, $0x3  }
0x5f: {  	v0 =	vshll.u32 v0, $0x7;
	v2 =	vand.u32 $0xFFFFF800, v53;
	v3 =	vand.u32 $0xFFFFFC00, v54  }
0x60: {  	v0 =	vand.u32 $0x380, v0;
	v2 =	vadd.s32 v2, v3  }
0x61: {  	v1 =	vand.u32 $0x7F, v52;
	v0 =	vor.u32 v0, v2  }
0x62: {  	v0 =	vor.u32 v1, v0;
	_ =	sdelay $0x4  }
0x63: {  	v0 =	vld.idx.msk [tilespmem:v0+s19+$0x0], $0xffff;
	_ =	sdelay $0x4  }
0x64: {  	[tilespmem:s5+$0x0] =	vst v0  }
0x65: {  	v0 =	vld [tilespmem:s17+$0x10]  }
0x66: {  	v55 =	vld [tilespmem:s18+$0x10];
	_ =	sdelay $0x4  }
0x67: {  	v56 =	vshll.u32 v0, $0x8;
	v57 =	vshll.u32 v55, $0x3  }
0x68: {  	v0 =	vshll.u32 v0, $0x7;
	v2 =	vand.u32 $0xFFFFF800, v56;
	v3 =	vand.u32 $0xFFFFFC00, v57  }
0x69: {  	v0 =	vand.u32 $0x380, v0;
	v2 =	vadd.s32 v2, v3  }
0x6a: {  	v1 =	vand.u32 $0x7F, v55;
	v0 =	vor.u32 v0, v2  }
0x6b: {  	v0 =	vor.u32 v1, v0;
	_ =	sdelay $0x4  }
0x6c: {  	v0 =	vld.idx.msk [tilespmem:v0+s19+$0x0], $0xffff;
	_ =	sdelay $0x4  }
0x6d: {  	[tilespmem:s5+$0x10] =	vst v0  }
0x6e: {  	v0 =	vld [tilespmem:s17+$0x20]  }
0x6f: {  	v58 =	vld [tilespmem:s18+$0x20];
	_ =	sdelay $0x4  }
0x70: {  	v59 =	vshll.u32 v0, $0x8;
	v60 =	vshll.u32 v58, $0x3  }
0x71: {  	v0 =	vshll.u32 v0, $0x7;
	v2 =	vand.u32 $0xFFFFF800, v59;
	v3 =	vand.u32 $0xFFFFFC00, v60  }
0x72: {  	v0 =	vand.u32 $0x380, v0;
	v2 =	vadd.s32 v2, v3  }
0x73: {  	v1 =	vand.u32 $0x7F, v58;
	v0 =	vor.u32 v0, v2  }
0x74: {  	v0 =	vor.u32 v1, v0;
	_ =	sdelay $0x4  }
0x75: {  	v0 =	vld.idx.msk [tilespmem:v0+s19+$0x0], $0xffff;
	_ =	sdelay $0x4  }
0x76: {  	[tilespmem:s5+$0x20] =	vst v0  }
0x77: {  	v0 =	vld [tilespmem:s17+$0x30]  }
0x78: {  	v61 =	vld [tilespmem:s18+$0x30];
	_ =	sdelay $0x4  }
0x79: {  	v62 =	vshll.u32 v0, $0x8;
	v63 =	vshll.u32 v61, $0x3  }
0x7a: {  	v0 =	vshll.u32 v0, $0x7;
	v2 =	vand.u32 $0xFFFFF800, v62;
	v3 =	vand.u32 $0xFFFFFC00, v63  }
0x7b: {  	v0 =	vand.u32 $0x380, v0;
	v2 =	vadd.s32 v2, v3  }
0x7c: {  	v1 =	vand.u32 $0x7F, v61;
	v0 =	vor.u32 v0, v2  }
0x7d: {  	v0 =	vor.u32 v1, v0;
	_ =	sdelay $0x3  }
0x7e: {  	s16 =	sadd.s32 $0x8, s16  }
0x7f: {  	p0 =	slt.u32 s16, $0xC0;
	v0 =	vld.idx.msk [tilespmem:v0+s19+$0x0], $0xffff  }
.Ltmp2:
0x80: {  	_ = 	snop;
	(pc) =	sbr.rel @p0 .LBB2_3-.Ltmp2, $2  }
0x81: {  	_ =	sdelay $0x2  }
0x82: {  	s17 =	sadd.s32 $0x80, s17;
	s18 =	sadd.s32 $0x80, s18;
	[tilespmem:s5+$0x30] =	vst v0;
	s5 =	sadd.s32 $0x80, s5  }
0x83: {  	v0 =	vld [tilespmem:$0xC80]  }
0x84: {  	v1 =	vld [tilespmem:$0x1980];
	_ =	sdelay $0x4  }
0x85: {  	v4 =	vld [tilespmem:$0xC90];
	v2 =	vshll.u32 v0, $0x8;
	v3 =	vshll.u32 v1, $0x3  }
0x86: {  	v5 =	vld [tilespmem:$0x1990];
	v0 =	vshll.u32 v0, $0x7;
	v2 =	vand.u32 $0xFFFFF800, v2;
	v3 =	vand.u32 $0xFFFFFC00, v3  }
0x87: {  	v0 =	vand.u32 $0x380, v0;
	v2 =	vadd.s32 v2, v3  }
0x88: {  	v1 =	vand.u32 $0x7F, v1;
	v0 =	vor.u32 v0, v2  }
0x89: {  	v0 =	vor.u32 v1, v0;
	_ =	sdelay $0x1  }
0x8a: {  	v49 =	vld [tilespmem:$0xCA0];
	v47 =	vshll.u32 v4, $0x8;
	v48 =	vshll.u32 v5, $0x3  }
0x8b: {  	v6 =	vld [tilespmem:$0x19A0];
	v4 =	vshll.u32 v4, $0x7;
	v2 =	vand.u32 $0xFFFFFC00, v48;
	v1 =	vand.u32 $0xFFFFF800, v47  }
0x8c: {  	v50 =	vand.u32 $0x380, v4;
	v1 =	vadd.s32 v1, v2  }
0x8d: {  	v51 =	vand.u32 $0x7F, v5;
	v1 =	vor.u32 v50, v1;
	v0 =	vld.idx.msk [tilespmem:v0+s19+$0x0], $0xffff  }
0x8e: {  	v1 =	vor.u32 v51, v1;
	_ =	sdelay $0x1  }
0x8f: {  	v54 =	vld [tilespmem:$0xCB0];
	v52 =	vshll.u32 v49, $0x8;
	v53 =	vshll.u32 v6, $0x3  }
0x90: {  	v7 =	vld [tilespmem:$0x19B0];
	v4 =	vand.u32 $0xFFFFFC00, v53;
	v3 =	vshll.u32 v49, $0x7;
	v2 =	vand.u32 $0xFFFFF800, v52  }
0x91: {  	v56 =	vand.u32 $0x380, v3;
	v55 =	vadd.s32 v2, v4;
	[tilespmem:$0x4080] =	vst v0  }
0x92: {  	v57 =	vand.u32 $0x7F, v6;
	v0 =	vor.u32 v56, v55;
	v1 =	vld.idx.msk [tilespmem:v1+s19+$0x0], $0xffff  }
0x93: {  	v0 =	vor.u32 v57, v0;
	_ =	sdelay $0x1  }
0x94: {  	v58 =	vshll.u32 v54, $0x8;
	v59 =	vshll.u32 v7, $0x3  }
0x95: {  	v60 =	vshll.u32 v54, $0x7;
	v3 =	vand.u32 $0xFFFFFC00, v59;
	v2 =	vand.u32 $0xFFFFF800, v58  }
0x96: {  	v62 =	vand.u32 $0x380, v60;
	v61 =	vadd.s32 v2, v3;
	[tilespmem:$0x4090] =	vst v1  }
0x97: {  	v63 =	vand.u32 $0x7F, v7;
	v1 =	vor.u32 v62, v61;
	v0 =	vld.idx.msk [tilespmem:v0+s19+$0x0], $0xffff  }
0x98: {  	v1 =	vor.u32 v63, v1;
	_ =	sdelay $0x3  }
0x99: {  	[tilespmem:$0x40A0] =	vst v0  }
0x9a: {  	v0 =	vld.idx.msk [tilespmem:v1+s19+$0x0], $0xffff;
	_ =	sdelay $0x3  }
0x9b: {  	s16 =	simm.s32 $0xFFFFFFF8  }
0x9c: {  	s17 =	simm.s32 $0x1A40;
	s18 =	simm.s32 $0x2740;
	s5 =	simm.s32 $0x3440;
	[tilespmem:$0x40B0] =	vst v0  }
.LBB2_5:
0x9d: {  	v0 =	vld [tilespmem:s17+$0xFFFFFFC0]  }
0x9e: {  	v1 =	vld [tilespmem:s18+$0xFFFFFFC0];
	_ =	sdelay $0x4  }
0x9f: {  	v2 =	vshll.u32 v0, $0x8;
	v3 =	vshll.u32 v1, $0x3  }
0xa0: {  	v0 =	vshll.u32 v0, $0x7;
	v2 =	vand.u32 $0xFFFFF800, v2;
	v3 =	vand.u32 $0xFFFFFC00, v3  }
0xa1: {  	v0 =	vand.u32 $0x380, v0;
	v2 =	vadd.s32 v2, v3  }
0xa2: {  	v1 =	vand.u32 $0x7F, v1;
	v0 =	vor.u32 v0, v2  }
0xa3: {  	v35 =	vld [tilespmem:s5+$0xFFFFFFC0];
	v0 =	vor.u32 v1, v0;
	_ =	sdelay $0x4  }
0xa4: {  	[tilespmem:v0+s19+$0x0] =	vst.idx.msk $0xffff, v35  }
0xa5: {  	v0 =	vld [tilespmem:s17+$0xFFFFFFD0]  }
0xa6: {  	v36 =	vld [tilespmem:s18+$0xFFFFFFD0];
	_ =	sdelay $0x4  }
0xa7: {  	v37 =	vshll.u32 v0, $0x8;
	v38 =	vshll.u32 v36, $0x3  }
0xa8: {  	v0 =	vshll.u32 v0, $0x7;
	v2 =	vand.u32 $0xFFFFF800, v37;
	v3 =	vand.u32 $0xFFFFFC00, v38  }
0xa9: {  	v0 =	vand.u32 $0x380, v0;
	v2 =	vadd.s32 v2, v3  }
0xaa: {  	v1 =	vand.u32 $0x7F, v36;
	v0 =	vor.u32 v0, v2  }
0xab: {  	v39 =	vld [tilespmem:s5+$0xFFFFFFD0];
	v0 =	vor.u32 v1, v0;
	_ =	sdelay $0x4  }
0xac: {  	[tilespmem:v0+s19+$0x0] =	vst.idx.msk $0xffff, v39  }
0xad: {  	v0 =	vld [tilespmem:s17+$0xFFFFFFE0]  }
0xae: {  	v40 =	vld [tilespmem:s18+$0xFFFFFFE0];
	_ =	sdelay $0x4  }
0xaf: {  	v41 =	vshll.u32 v0, $0x8;
	v42 =	vshll.u32 v40, $0x3  }
0xb0: {  	v0 =	vshll.u32 v0, $0x7;
	v2 =	vand.u32 $0xFFFFF800, v41;
	v3 =	vand.u32 $0xFFFFFC00, v42  }
0xb1: {  	v0 =	vand.u32 $0x380, v0;
	v2 =	vadd.s32 v2, v3  }
0xb2: {  	v1 =	vand.u32 $0x7F, v40;
	v0 =	vor.u32 v0, v2  }
0xb3: {  	v43 =	vld [tilespmem:s5+$0xFFFFFFE0];
	v0 =	vor.u32 v1, v0;
	_ =	sdelay $0x4  }
0xb4: {  	[tilespmem:v0+s19+$0x0] =	vst.idx.msk $0xffff, v43  }
0xb5: {  	v0 =	vld [tilespmem:s17+$0xFFFFFFF0]  }
0xb6: {  	v44 =	vld [tilespmem:s18+$0xFFFFFFF0];
	_ =	sdelay $0x4  }
0xb7: {  	v45 =	vshll.u32 v0, $0x8;
	v46 =	vshll.u32 v44, $0x3  }
0xb8: {  	v0 =	vshll.u32 v0, $0x7;
	v2 =	vand.u32 $0xFFFFF800, v45;
	v3 =	vand.u32 $0xFFFFFC00, v46  }
0xb9: {  	v0 =	vand.u32 $0x380, v0;
	v2 =	vadd.s32 v2, v3  }
0xba: {  	v1 =	vand.u32 $0x7F, v44;
	v0 =	vor.u32 v0, v2  }
0xbb: {  	v47 =	vld [tilespmem:s5+$0xFFFFFFF0];
	v0 =	vor.u32 v1, v0;
	_ =	sdelay $0x4  }
0xbc: {  	[tilespmem:v0+s19+$0x0] =	vst.idx.msk $0xffff, v47  }
0xbd: {  	v0 =	vld [tilespmem:s17+$0x0]  }
0xbe: {  	v48 =	vld [tilespmem:s18+$0x0];
	_ =	sdelay $0x4  }
0xbf: {  	v49 =	vshll.u32 v0, $0x8;
	v50 =	vshll.u32 v48, $0x3  }
0xc0: {  	v0 =	vshll.u32 v0, $0x7;
	v2 =	vand.u32 $0xFFFFF800, v49;
	v3 =	vand.u32 $0xFFFFFC00, v50  }
0xc1: {  	v0 =	vand.u32 $0x380, v0;
	v2 =	vadd.s32 v2, v3  }
0xc2: {  	v1 =	vand.u32 $0x7F, v48;
	v0 =	vor.u32 v0, v2  }
0xc3: {  	v51 =	vld [tilespmem:s5+$0x0];
	v0 =	vor.u32 v1, v0;
	_ =	sdelay $0x4  }
0xc4: {  	[tilespmem:v0+s19+$0x0] =	vst.idx.msk $0xffff, v51  }
0xc5: {  	v0 =	vld [tilespmem:s17+$0x10]  }
0xc6: {  	v52 =	vld [tilespmem:s18+$0x10];
	_ =	sdelay $0x4  }
0xc7: {  	v53 =	vshll.u32 v0, $0x8;
	v54 =	vshll.u32 v52, $0x3  }
0xc8: {  	v0 =	vshll.u32 v0, $0x7;
	v2 =	vand.u32 $0xFFFFF800, v53;
	v3 =	vand.u32 $0xFFFFFC00, v54  }
0xc9: {  	v0 =	vand.u32 $0x380, v0;
	v2 =	vadd.s32 v2, v3  }
0xca: {  	v1 =	vand.u32 $0x7F, v52;
	v0 =	vor.u32 v0, v2  }
0xcb: {  	v55 =	vld [tilespmem:s5+$0x10];
	v0 =	vor.u32 v1, v0;
	_ =	sdelay $0x4  }
0xcc: {  	[tilespmem:v0+s19+$0x0] =	vst.idx.msk $0xffff, v55  }
0xcd: {  	v0 =	vld [tilespmem:s17+$0x20]  }
0xce: {  	v56 =	vld [tilespmem:s18+$0x20];
	_ =	sdelay $0x4  }
0xcf: {  	v57 =	vshll.u32 v0, $0x8;
	v58 =	vshll.u32 v56, $0x3  }
0xd0: {  	v0 =	vshll.u32 v0, $0x7;
	v2 =	vand.u32 $0xFFFFF800, v57;
	v3 =	vand.u32 $0xFFFFFC00, v58  }
0xd1: {  	v0 =	vand.u32 $0x380, v0;
	v2 =	vadd.s32 v2, v3  }
0xd2: {  	v1 =	vand.u32 $0x7F, v56;
	v0 =	vor.u32 v0, v2  }
0xd3: {  	v59 =	vld [tilespmem:s5+$0x20];
	v0 =	vor.u32 v1, v0;
	_ =	sdelay $0x4  }
0xd4: {  	[tilespmem:v0+s19+$0x0] =	vst.idx.msk $0xffff, v59  }
0xd5: {  	v0 =	vld [tilespmem:s17+$0x30]  }
0xd6: {  	v60 =	vld [tilespmem:s18+$0x30];
	_ =	sdelay $0x4  }
0xd7: {  	v61 =	vshll.u32 v0, $0x8;
	v62 =	vshll.u32 v60, $0x3  }
0xd8: {  	v0 =	vshll.u32 v0, $0x7;
	v2 =	vand.u32 $0xFFFFF800, v61;
	v3 =	vand.u32 $0xFFFFFC00, v62  }
0xd9: {  	v0 =	vand.u32 $0x380, v0;
	v2 =	vadd.s32 v2, v3  }
0xda: {  	s16 =	sadd.s32 $0x8, s16;
	v1 =	vand.u32 $0x7F, v60;
	v0 =	vor.u32 v0, v2  }
0xdb: {  	p0 =	slt.u32 s16, $0xC0;
	v63 =	vld [tilespmem:s5+$0x30];
	v0 =	vor.u32 v1, v0  }
.Ltmp3:
0xdc: {  	_ = 	snop;
	(pc) =	sbr.rel @p0 .LBB2_5-.Ltmp3, $2  }
0xdd: {  	_ =	sdelay $0x2  }
0xde: {  	s17 =	sadd.s32 $0x80, s17;
	s18 =	sadd.s32 $0x80, s18;
	s5 =	sadd.s32 $0x80, s5;
	[tilespmem:v0+s19+$0x0] =	vst.idx.msk $0xffff, v63  }
0xdf: {  	v0 =	vld [tilespmem:$0x2680]  }
0xe0: {  	v1 =	vld [tilespmem:$0x3380];
	_ =	sdelay $0x4  }
0xe1: {  	v2 =	vshll.u32 v0, $0x8;
	v3 =	vshll.u32 v1, $0x3  }
0xe2: {  	v0 =	vshll.u32 v0, $0x7;
	v2 =	vand.u32 $0xFFFFF800, v2;
	v3 =	vand.u32 $0xFFFFFC00, v3  }
0xe3: {  	v0 =	vand.u32 $0x380, v0;
	v2 =	vadd.s32 v2, v3  }
0xe4: {  	v1 =	vand.u32 $0x7F, v1;
	v0 =	vor.u32 v0, v2  }
0xe5: {  	v51 =	vld [tilespmem:$0x4080];
	v0 =	vor.u32 v1, v0;
	_ =	sdelay $0x4  }
0xe6: {  	[tilespmem:v0+s19+$0x0] =	vst.idx.msk $0xffff, v51  }
0xe7: {  	v0 =	vld [tilespmem:$0x2690]  }
0xe8: {  	v52 =	vld [tilespmem:$0x3390];
	_ =	sdelay $0x4  }
0xe9: {  	v53 =	vshll.u32 v0, $0x8;
	v54 =	vshll.u32 v52, $0x3  }
0xea: {  	v0 =	vshll.u32 v0, $0x7;
	v2 =	vand.u32 $0xFFFFF800, v53;
	v3 =	vand.u32 $0xFFFFFC00, v54  }
0xeb: {  	v0 =	vand.u32 $0x380, v0;
	v2 =	vadd.s32 v2, v3  }
0xec: {  	v1 =	vand.u32 $0x7F, v52;
	v0 =	vor.u32 v0, v2  }
0xed: {  	v55 =	vld [tilespmem:$0x4090];
	v0 =	vor.u32 v1, v0;
	_ =	sdelay $0x4  }
0xee: {  	[tilespmem:v0+s19+$0x0] =	vst.idx.msk $0xffff, v55  }
0xef: {  	v0 =	vld [tilespmem:$0x26A0]  }
0xf0: {  	v56 =	vld [tilespmem:$0x33A0];
	_ =	sdelay $0x4  }
0xf1: {  	v57 =	vshll.u32 v0, $0x8;
	v58 =	vshll.u32 v56, $0x3  }
0xf2: {  	v0 =	vshll.u32 v0, $0x7;
	v2 =	vand.u32 $0xFFFFF800, v57;
	v3 =	vand.u32 $0xFFFFFC00, v58  }
0xf3: {  	v0 =	vand.u32 $0x380, v0;
	v2 =	vadd.s32 v2, v3  }
0xf4: {  	v1 =	vand.u32 $0x7F, v56;
	v0 =	vor.u32 v0, v2  }
0xf5: {  	v59 =	vld [tilespmem:$0x40A0];
	v0 =	vor.u32 v1, v0;
	_ =	sdelay $0x4  }
0xf6: {  	[tilespmem:v0+s19+$0x0] =	vst.idx.msk $0xffff, v59  }
0xf7: {  	v0 =	vld [tilespmem:$0x26B0]  }
0xf8: {  	v60 =	vld [tilespmem:$0x33B0];
	_ =	sdelay $0x4  }
0xf9: {  	v61 =	vshll.u32 v0, $0x8;
	v62 =	vshll.u32 v60, $0x3  }
0xfa: {  	v0 =	vshll.u32 v0, $0x7;
	v2 =	vand.u32 $0xFFFFF800, v61;
	v3 =	vand.u32 $0xFFFFFC00, v62  }
0xfb: {  	v0 =	vand.u32 $0x380, v0;
	v2 =	vadd.s32 v2, v3  }
0xfc: {  	v1 =	vand.u32 $0x7F, v60;
	v0 =	vor.u32 v0, v2  }
0xfd: {  	v63 =	vld [tilespmem:$0x40B0];
	v0 =	vor.u32 v1, v0  }
0xfe: {  	s16 =	sshll.u32 s1, $0x2  }
0xff: {  	s5 =	sadd.s32 s9, s16  }
0x100: {  	s6 =	smul.u32 $0x700, s5  }
0x101: {  	p0 =	seq.s32 s1, $0x5  }
0x102: {  	s5 =	smul.u32 @!p0 $0xE000, s5;
	s6 =	sadd.s32 s2, s6;
	[tilespmem:v0+s19+$0x0] =	vst.idx.msk $0xffff, v63  }
0x103: {  	[hbm4b:s6+s3] =	stream.linear.scatter [tilespmem:s19], [sflag:$0x5], $0x3800, $0x38;
	[tilespmem:$0x12100] =	vst v63  }
0x104: {  	s6 =	simm.s32 @!p0 $0x5  }
0x105: {  	s5 =	sshrl.u32 @!p0 s5, $0x3;
	_ =	swait.ge @!p0 [sflag:s6], $0x3800  }
0x106: {  	s17 =	simm.s32 @!p0 $0x4100;
	s5 =	sadd.s32 @!p0 s4, s5;
	[sflag:s6] =	ssyncset.done @!p0 $0x0  }
0x107: {  	s5 =	sadd.s32 @!p0 $0x8400, s5;
	[sflag:s6] =	ssyncadd.s32 @!p0 $0xFFFFC800;
	s6 =	simm.s32 @!p0 $0x0  }
0x108: {  	[tilespmem:s17], [sflag:$0x1] =	stream.linear.gather @!p0 [hbm4b:s5+s6], $0x3800, $0x38;
	[tilespmem:$0x12100] =	vst v63  }
0x109: {  	_ =	swait.ge [sflag:s24], $0x3800  }
0x10a: {  	s18 =	simm.s32 $0x40;
	s17 =	simm.s32 $0xFFFFFFF8;
	[sflag:s24] =	ssyncset.done $0x0  }
0x10b: {  	s5 =	simm.s32 $0xD40;
	s6 =	simm.s32 $0x3440;
	[sflag:s24] =	ssyncadd.s32 $0xFFFFC800  }
.LBB2_7:
0x10c: {  	v0 =	vld [tilespmem:s18+$0xFFFFFFC0]  }
0x10d: {  	v1 =	vld [tilespmem:s5+$0xFFFFFFC0];
	_ =	sdelay $0x4  }
0x10e: {  	v2 =	vshll.u32 v0, $0x8;
	v3 =	vshll.u32 v1, $0x3  }
0x10f: {  	v0 =	vshll.u32 v0, $0x7;
	v2 =	vand.u32 $0xFFFFF800, v2;
	v3 =	vand.u32 $0xFFFFFC00, v3  }
0x110: {  	v0 =	vand.u32 $0x380, v0;
	v2 =	vadd.s32 v2, v3  }
0x111: {  	v1 =	vand.u32 $0x7F, v1;
	v0 =	vor.u32 v0, v2  }
0x112: {  	v0 =	vor.u32 v1, v0;
	_ =	sdelay $0x4  }
0x113: {  	v0 =	vld.idx.msk [tilespmem:v0+s20+$0x0], $0xffff;
	_ =	sdelay $0x4  }
0x114: {  	[tilespmem:s6+$0xFFFFFFC0] =	vst v0  }
0x115: {  	v0 =	vld [tilespmem:s18+$0xFFFFFFD0]  }
0x116: {  	v43 =	vld [tilespmem:s5+$0xFFFFFFD0];
	_ =	sdelay $0x4  }
0x117: {  	v44 =	vshll.u32 v0, $0x8;
	v45 =	vshll.u32 v43, $0x3  }
0x118: {  	v0 =	vshll.u32 v0, $0x7;
	v2 =	vand.u32 $0xFFFFF800, v44;
	v3 =	vand.u32 $0xFFFFFC00, v45  }
0x119: {  	v0 =	vand.u32 $0x380, v0;
	v2 =	vadd.s32 v2, v3  }
0x11a: {  	v1 =	vand.u32 $0x7F, v43;
	v0 =	vor.u32 v0, v2  }
0x11b: {  	v0 =	vor.u32 v1, v0;
	_ =	sdelay $0x4  }
0x11c: {  	v0 =	vld.idx.msk [tilespmem:v0+s20+$0x0], $0xffff;
	_ =	sdelay $0x4  }
0x11d: {  	[tilespmem:s6+$0xFFFFFFD0] =	vst v0  }
0x11e: {  	v0 =	vld [tilespmem:s18+$0xFFFFFFE0]  }
0x11f: {  	v46 =	vld [tilespmem:s5+$0xFFFFFFE0];
	_ =	sdelay $0x4  }
0x120: {  	v47 =	vshll.u32 v0, $0x8;
	v48 =	vshll.u32 v46, $0x3  }
0x121: {  	v0 =	vshll.u32 v0, $0x7;
	v2 =	vand.u32 $0xFFFFF800, v47;
	v3 =	vand.u32 $0xFFFFFC00, v48  }
0x122: {  	v0 =	vand.u32 $0x380, v0;
	v2 =	vadd.s32 v2, v3  }
0x123: {  	v1 =	vand.u32 $0x7F, v46;
	v0 =	vor.u32 v0, v2  }
0x124: {  	v0 =	vor.u32 v1, v0;
	_ =	sdelay $0x4  }
0x125: {  	v0 =	vld.idx.msk [tilespmem:v0+s20+$0x0], $0xffff;
	_ =	sdelay $0x4  }
0x126: {  	[tilespmem:s6+$0xFFFFFFE0] =	vst v0  }
0x127: {  	v0 =	vld [tilespmem:s18+$0xFFFFFFF0]  }
0x128: {  	v49 =	vld [tilespmem:s5+$0xFFFFFFF0];
	_ =	sdelay $0x4  }
0x129: {  	v50 =	vshll.u32 v0, $0x8;
	v51 =	vshll.u32 v49, $0x3  }
0x12a: {  	v0 =	vshll.u32 v0, $0x7;
	v2 =	vand.u32 $0xFFFFF800, v50;
	v3 =	vand.u32 $0xFFFFFC00, v51  }
0x12b: {  	v0 =	vand.u32 $0x380, v0;
	v2 =	vadd.s32 v2, v3  }
0x12c: {  	v1 =	vand.u32 $0x7F, v49;
	v0 =	vor.u32 v0, v2  }
0x12d: {  	v0 =	vor.u32 v1, v0;
	_ =	sdelay $0x4  }
0x12e: {  	v0 =	vld.idx.msk [tilespmem:v0+s20+$0x0], $0xffff;
	_ =	sdelay $0x4  }
0x12f: {  	[tilespmem:s6+$0xFFFFFFF0] =	vst v0  }
0x130: {  	v0 =	vld [tilespmem:s18+$0x0]  }
0x131: {  	v52 =	vld [tilespmem:s5+$0x0];
	_ =	sdelay $0x4  }
0x132: {  	v53 =	vshll.u32 v0, $0x8;
	v54 =	vshll.u32 v52, $0x3  }
0x133: {  	v0 =	vshll.u32 v0, $0x7;
	v2 =	vand.u32 $0xFFFFF800, v53;
	v3 =	vand.u32 $0xFFFFFC00, v54  }
0x134: {  	v0 =	vand.u32 $0x380, v0;
	v2 =	vadd.s32 v2, v3  }
0x135: {  	v1 =	vand.u32 $0x7F, v52;
	v0 =	vor.u32 v0, v2  }
0x136: {  	v0 =	vor.u32 v1, v0;
	_ =	sdelay $0x4  }
0x137: {  	v0 =	vld.idx.msk [tilespmem:v0+s20+$0x0], $0xffff;
	_ =	sdelay $0x4  }
0x138: {  	[tilespmem:s6+$0x0] =	vst v0  }
0x139: {  	v0 =	vld [tilespmem:s18+$0x10]  }
0x13a: {  	v55 =	vld [tilespmem:s5+$0x10];
	_ =	sdelay $0x4  }
0x13b: {  	v56 =	vshll.u32 v0, $0x8;
	v57 =	vshll.u32 v55, $0x3  }
0x13c: {  	v0 =	vshll.u32 v0, $0x7;
	v2 =	vand.u32 $0xFFFFF800, v56;
	v3 =	vand.u32 $0xFFFFFC00, v57  }
0x13d: {  	v0 =	vand.u32 $0x380, v0;
	v2 =	vadd.s32 v2, v3  }
0x13e: {  	v1 =	vand.u32 $0x7F, v55;
	v0 =	vor.u32 v0, v2  }
0x13f: {  	v0 =	vor.u32 v1, v0;
	_ =	sdelay $0x4  }
0x140: {  	v0 =	vld.idx.msk [tilespmem:v0+s20+$0x0], $0xffff;
	_ =	sdelay $0x4  }
0x141: {  	[tilespmem:s6+$0x10] =	vst v0  }
0x142: {  	v0 =	vld [tilespmem:s18+$0x20]  }
0x143: {  	v58 =	vld [tilespmem:s5+$0x20];
	_ =	sdelay $0x4  }
0x144: {  	v59 =	vshll.u32 v0, $0x8;
	v60 =	vshll.u32 v58, $0x3  }
0x145: {  	v0 =	vshll.u32 v0, $0x7;
	v2 =	vand.u32 $0xFFFFF800, v59;
	v3 =	vand.u32 $0xFFFFFC00, v60  }
0x146: {  	v0 =	vand.u32 $0x380, v0;
	v2 =	vadd.s32 v2, v3  }
0x147: {  	v1 =	vand.u32 $0x7F, v58;
	v0 =	vor.u32 v0, v2  }
0x148: {  	v0 =	vor.u32 v1, v0;
	_ =	sdelay $0x4  }
0x149: {  	v0 =	vld.idx.msk [tilespmem:v0+s20+$0x0], $0xffff;
	_ =	sdelay $0x4  }
0x14a: {  	[tilespmem:s6+$0x20] =	vst v0  }
0x14b: {  	v0 =	vld [tilespmem:s18+$0x30]  }
0x14c: {  	v61 =	vld [tilespmem:s5+$0x30];
	_ =	sdelay $0x4  }
0x14d: {  	v62 =	vshll.u32 v0, $0x8;
	v63 =	vshll.u32 v61, $0x3  }
0x14e: {  	v0 =	vshll.u32 v0, $0x7;
	v2 =	vand.u32 $0xFFFFF800, v62;
	v3 =	vand.u32 $0xFFFFFC00, v63  }
0x14f: {  	v0 =	vand.u32 $0x380, v0;
	v2 =	vadd.s32 v2, v3  }
0x150: {  	v1 =	vand.u32 $0x7F, v61;
	v0 =	vor.u32 v0, v2  }
0x151: {  	v0 =	vor.u32 v1, v0;
	_ =	sdelay $0x3  }
0x152: {  	s17 =	sadd.s32 $0x8, s17  }
0x153: {  	p1 =	slt.u32 s17, $0xC0;
	v0 =	vld.idx.msk [tilespmem:v0+s20+$0x0], $0xffff  }
.Ltmp4:
0x154: {  	_ = 	snop;
	(pc) =	sbr.rel @p1 .LBB2_7-.Ltmp4, $2  }
0x155: {  	_ =	sdelay $0x2  }
0x156: {  	s18 =	sadd.s32 $0x80, s18;
	s5 =	sadd.s32 $0x80, s5;
	[tilespmem:s6+$0x30] =	vst v0;
	s6 =	sadd.s32 $0x80, s6  }
0x157: {  	v0 =	vld [tilespmem:$0xC80]  }
0x158: {  	v1 =	vld [tilespmem:$0x1980];
	_ =	sdelay $0x4  }
0x159: {  	v4 =	vld [tilespmem:$0xC90];
	v2 =	vshll.u32 v0, $0x8;
	v3 =	vshll.u32 v1, $0x3  }
0x15a: {  	v5 =	vld [tilespmem:$0x1990];
	v0 =	vshll.u32 v0, $0x7;
	v2 =	vand.u32 $0xFFFFF800, v2;
	v3 =	vand.u32 $0xFFFFFC00, v3  }
0x15b: {  	v0 =	vand.u32 $0x380, v0;
	v2 =	vadd.s32 v2, v3  }
0x15c: {  	v1 =	vand.u32 $0x7F, v1;
	v0 =	vor.u32 v0, v2  }
0x15d: {  	v0 =	vor.u32 v1, v0;
	_ =	sdelay $0x1  }
0x15e: {  	v49 =	vld [tilespmem:$0xCA0];
	v47 =	vshll.u32 v4, $0x8;
	v48 =	vshll.u32 v5, $0x3  }
0x15f: {  	v6 =	vld [tilespmem:$0x19A0];
	v4 =	vshll.u32 v4, $0x7;
	v2 =	vand.u32 $0xFFFFFC00, v48;
	v1 =	vand.u32 $0xFFFFF800, v47  }
0x160: {  	v50 =	vand.u32 $0x380, v4;
	v1 =	vadd.s32 v1, v2  }
0x161: {  	v51 =	vand.u32 $0x7F, v5;
	v1 =	vor.u32 v50, v1;
	v0 =	vld.idx.msk [tilespmem:v0+s20+$0x0], $0xffff  }
0x162: {  	v1 =	vor.u32 v51, v1;
	_ =	sdelay $0x1  }
0x163: {  	v54 =	vld [tilespmem:$0xCB0];
	v52 =	vshll.u32 v49, $0x8;
	v53 =	vshll.u32 v6, $0x3  }
0x164: {  	v7 =	vld [tilespmem:$0x19B0];
	v4 =	vand.u32 $0xFFFFFC00, v53;
	v3 =	vshll.u32 v49, $0x7;
	v2 =	vand.u32 $0xFFFFF800, v52  }
0x165: {  	v56 =	vand.u32 $0x380, v3;
	v55 =	vadd.s32 v2, v4;
	[tilespmem:$0x4080] =	vst v0  }
0x166: {  	v57 =	vand.u32 $0x7F, v6;
	v0 =	vor.u32 v56, v55;
	v1 =	vld.idx.msk [tilespmem:v1+s20+$0x0], $0xffff  }
0x167: {  	v0 =	vor.u32 v57, v0;
	_ =	sdelay $0x1  }
0x168: {  	v58 =	vshll.u32 v54, $0x8;
	v59 =	vshll.u32 v7, $0x3  }
0x169: {  	v60 =	vshll.u32 v54, $0x7;
	v3 =	vand.u32 $0xFFFFFC00, v59;
	v2 =	vand.u32 $0xFFFFF800, v58  }
0x16a: {  	v62 =	vand.u32 $0x380, v60;
	v61 =	vadd.s32 v2, v3;
	[tilespmem:$0x4090] =	vst v1  }
0x16b: {  	v63 =	vand.u32 $0x7F, v7;
	v1 =	vor.u32 v62, v61;
	v0 =	vld.idx.msk [tilespmem:v0+s20+$0x0], $0xffff  }
0x16c: {  	v1 =	vor.u32 v63, v1;
	_ =	sdelay $0x3  }
0x16d: {  	[tilespmem:$0x40A0] =	vst v0  }
0x16e: {  	v0 =	vld.idx.msk [tilespmem:v1+s20+$0x0], $0xffff;
	_ =	sdelay $0x3  }
0x16f: {  	s17 =	simm.s32 $0xFFFFFFF8  }
0x170: {  	s18 =	simm.s32 $0x1A40;
	s5 =	simm.s32 $0x2740;
	s6 =	simm.s32 $0x3440;
	[tilespmem:$0x40B0] =	vst v0  }
.LBB2_9:
0x171: {  	v0 =	vld [tilespmem:s18+$0xFFFFFFC0]  }
0x172: {  	v1 =	vld [tilespmem:s5+$0xFFFFFFC0];
	_ =	sdelay $0x4  }
0x173: {  	v2 =	vshll.u32 v0, $0x8;
	v3 =	vshll.u32 v1, $0x3  }
0x174: {  	v0 =	vshll.u32 v0, $0x7;
	v2 =	vand.u32 $0xFFFFF800, v2;
	v3 =	vand.u32 $0xFFFFFC00, v3  }
0x175: {  	v0 =	vand.u32 $0x380, v0;
	v2 =	vadd.s32 v2, v3  }
0x176: {  	v1 =	vand.u32 $0x7F, v1;
	v0 =	vor.u32 v0, v2  }
0x177: {  	v35 =	vld [tilespmem:s6+$0xFFFFFFC0];
	v0 =	vor.u32 v1, v0;
	_ =	sdelay $0x4  }
0x178: {  	[tilespmem:v0+s20+$0x0] =	vst.idx.msk $0xffff, v35  }
0x179: {  	v0 =	vld [tilespmem:s18+$0xFFFFFFD0]  }
0x17a: {  	v36 =	vld [tilespmem:s5+$0xFFFFFFD0];
	_ =	sdelay $0x4  }
0x17b: {  	v37 =	vshll.u32 v0, $0x8;
	v38 =	vshll.u32 v36, $0x3  }
0x17c: {  	v0 =	vshll.u32 v0, $0x7;
	v2 =	vand.u32 $0xFFFFF800, v37;
	v3 =	vand.u32 $0xFFFFFC00, v38  }
0x17d: {  	v0 =	vand.u32 $0x380, v0;
	v2 =	vadd.s32 v2, v3  }
0x17e: {  	v1 =	vand.u32 $0x7F, v36;
	v0 =	vor.u32 v0, v2  }
0x17f: {  	v39 =	vld [tilespmem:s6+$0xFFFFFFD0];
	v0 =	vor.u32 v1, v0;
	_ =	sdelay $0x4  }
0x180: {  	[tilespmem:v0+s20+$0x0] =	vst.idx.msk $0xffff, v39  }
0x181: {  	v0 =	vld [tilespmem:s18+$0xFFFFFFE0]  }
0x182: {  	v40 =	vld [tilespmem:s5+$0xFFFFFFE0];
	_ =	sdelay $0x4  }
0x183: {  	v41 =	vshll.u32 v0, $0x8;
	v42 =	vshll.u32 v40, $0x3  }
0x184: {  	v0 =	vshll.u32 v0, $0x7;
	v2 =	vand.u32 $0xFFFFF800, v41;
	v3 =	vand.u32 $0xFFFFFC00, v42  }
0x185: {  	v0 =	vand.u32 $0x380, v0;
	v2 =	vadd.s32 v2, v3  }
0x186: {  	v1 =	vand.u32 $0x7F, v40;
	v0 =	vor.u32 v0, v2  }
0x187: {  	v43 =	vld [tilespmem:s6+$0xFFFFFFE0];
	v0 =	vor.u32 v1, v0;
	_ =	sdelay $0x4  }
0x188: {  	[tilespmem:v0+s20+$0x0] =	vst.idx.msk $0xffff, v43  }
0x189: {  	v0 =	vld [tilespmem:s18+$0xFFFFFFF0]  }
0x18a: {  	v44 =	vld [tilespmem:s5+$0xFFFFFFF0];
	_ =	sdelay $0x4  }
0x18b: {  	v45 =	vshll.u32 v0, $0x8;
	v46 =	vshll.u32 v44, $0x3  }
0x18c: {  	v0 =	vshll.u32 v0, $0x7;
	v2 =	vand.u32 $0xFFFFF800, v45;
	v3 =	vand.u32 $0xFFFFFC00, v46  }
0x18d: {  	v0 =	vand.u32 $0x380, v0;
	v2 =	vadd.s32 v2, v3  }
0x18e: {  	v1 =	vand.u32 $0x7F, v44;
	v0 =	vor.u32 v0, v2  }
0x18f: {  	v47 =	vld [tilespmem:s6+$0xFFFFFFF0];
	v0 =	vor.u32 v1, v0;
	_ =	sdelay $0x4  }
0x190: {  	[tilespmem:v0+s20+$0x0] =	vst.idx.msk $0xffff, v47  }
0x191: {  	v0 =	vld [tilespmem:s18+$0x0]  }
0x192: {  	v48 =	vld [tilespmem:s5+$0x0];
	_ =	sdelay $0x4  }
0x193: {  	v49 =	vshll.u32 v0, $0x8;
	v50 =	vshll.u32 v48, $0x3  }
0x194: {  	v0 =	vshll.u32 v0, $0x7;
	v2 =	vand.u32 $0xFFFFF800, v49;
	v3 =	vand.u32 $0xFFFFFC00, v50  }
0x195: {  	v0 =	vand.u32 $0x380, v0;
	v2 =	vadd.s32 v2, v3  }
0x196: {  	v1 =	vand.u32 $0x7F, v48;
	v0 =	vor.u32 v0, v2  }
0x197: {  	v51 =	vld [tilespmem:s6+$0x0];
	v0 =	vor.u32 v1, v0;
	_ =	sdelay $0x4  }
0x198: {  	[tilespmem:v0+s20+$0x0] =	vst.idx.msk $0xffff, v51  }
0x199: {  	v0 =	vld [tilespmem:s18+$0x10]  }
0x19a: {  	v52 =	vld [tilespmem:s5+$0x10];
	_ =	sdelay $0x4  }
0x19b: {  	v53 =	vshll.u32 v0, $0x8;
	v54 =	vshll.u32 v52, $0x3  }
0x19c: {  	v0 =	vshll.u32 v0, $0x7;
	v2 =	vand.u32 $0xFFFFF800, v53;
	v3 =	vand.u32 $0xFFFFFC00, v54  }
0x19d: {  	v0 =	vand.u32 $0x380, v0;
	v2 =	vadd.s32 v2, v3  }
0x19e: {  	v1 =	vand.u32 $0x7F, v52;
	v0 =	vor.u32 v0, v2  }
0x19f: {  	v55 =	vld [tilespmem:s6+$0x10];
	v0 =	vor.u32 v1, v0;
	_ =	sdelay $0x4  }
0x1a0: {  	[tilespmem:v0+s20+$0x0] =	vst.idx.msk $0xffff, v55  }
0x1a1: {  	v0 =	vld [tilespmem:s18+$0x20]  }
0x1a2: {  	v56 =	vld [tilespmem:s5+$0x20];
	_ =	sdelay $0x4  }
0x1a3: {  	v57 =	vshll.u32 v0, $0x8;
	v58 =	vshll.u32 v56, $0x3  }
0x1a4: {  	v0 =	vshll.u32 v0, $0x7;
	v2 =	vand.u32 $0xFFFFF800, v57;
	v3 =	vand.u32 $0xFFFFFC00, v58  }
0x1a5: {  	v0 =	vand.u32 $0x380, v0;
	v2 =	vadd.s32 v2, v3  }
0x1a6: {  	v1 =	vand.u32 $0x7F, v56;
	v0 =	vor.u32 v0, v2  }
0x1a7: {  	v59 =	vld [tilespmem:s6+$0x20];
	v0 =	vor.u32 v1, v0;
	_ =	sdelay $0x4  }
0x1a8: {  	[tilespmem:v0+s20+$0x0] =	vst.idx.msk $0xffff, v59  }
0x1a9: {  	v0 =	vld [tilespmem:s18+$0x30]  }
0x1aa: {  	v60 =	vld [tilespmem:s5+$0x30];
	_ =	sdelay $0x4  }
0x1ab: {  	v61 =	vshll.u32 v0, $0x8;
	v62 =	vshll.u32 v60, $0x3  }
0x1ac: {  	v0 =	vshll.u32 v0, $0x7;
	v2 =	vand.u32 $0xFFFFF800, v61;
	v3 =	vand.u32 $0xFFFFFC00, v62  }
0x1ad: {  	v0 =	vand.u32 $0x380, v0;
	v2 =	vadd.s32 v2, v3  }
0x1ae: {  	s17 =	sadd.s32 $0x8, s17;
	v1 =	vand.u32 $0x7F, v60;
	v0 =	vor.u32 v0, v2  }
0x1af: {  	p1 =	slt.u32 s17, $0xC0;
	v63 =	vld [tilespmem:s6+$0x30];
	v0 =	vor.u32 v1, v0  }
.Ltmp5:
0x1b0: {  	_ = 	snop;
	(pc) =	sbr.rel @p1 .LBB2_9-.Ltmp5, $2  }
0x1b1: {  	_ =	sdelay $0x2  }
0x1b2: {  	s18 =	sadd.s32 $0x80, s18;
	s5 =	sadd.s32 $0x80, s5;
	s6 =	sadd.s32 $0x80, s6;
	[tilespmem:v0+s20+$0x0] =	vst.idx.msk $0xffff, v63  }
0x1b3: {  	v0 =	vld [tilespmem:$0x2680]  }
0x1b4: {  	v1 =	vld [tilespmem:$0x3380];
	_ =	sdelay $0x4  }
0x1b5: {  	v2 =	vshll.u32 v0, $0x8;
	v3 =	vshll.u32 v1, $0x3  }
0x1b6: {  	v0 =	vshll.u32 v0, $0x7;
	v2 =	vand.u32 $0xFFFFF800, v2;
	v3 =	vand.u32 $0xFFFFFC00, v3  }
0x1b7: {  	v0 =	vand.u32 $0x380, v0;
	v2 =	vadd.s32 v2, v3  }
0x1b8: {  	v1 =	vand.u32 $0x7F, v1;
	v0 =	vor.u32 v0, v2  }
0x1b9: {  	v51 =	vld [tilespmem:$0x4080];
	v0 =	vor.u32 v1, v0;
	_ =	sdelay $0x4  }
0x1ba: {  	[tilespmem:v0+s20+$0x0] =	vst.idx.msk $0xffff, v51  }
0x1bb: {  	v0 =	vld [tilespmem:$0x2690]  }
0x1bc: {  	v52 =	vld [tilespmem:$0x3390];
	_ =	sdelay $0x4  }
0x1bd: {  	v53 =	vshll.u32 v0, $0x8;
	v54 =	vshll.u32 v52, $0x3  }
0x1be: {  	v0 =	vshll.u32 v0, $0x7;
	v2 =	vand.u32 $0xFFFFF800, v53;
	v3 =	vand.u32 $0xFFFFFC00, v54  }
0x1bf: {  	v0 =	vand.u32 $0x380, v0;
	v2 =	vadd.s32 v2, v3  }
0x1c0: {  	v1 =	vand.u32 $0x7F, v52;
	v0 =	vor.u32 v0, v2  }
0x1c1: {  	v55 =	vld [tilespmem:$0x4090];
	v0 =	vor.u32 v1, v0;
	_ =	sdelay $0x4  }
0x1c2: {  	[tilespmem:v0+s20+$0x0] =	vst.idx.msk $0xffff, v55  }
0x1c3: {  	v0 =	vld [tilespmem:$0x26A0]  }
0x1c4: {  	v56 =	vld [tilespmem:$0x33A0];
	_ =	sdelay $0x4  }
0x1c5: {  	v57 =	vshll.u32 v0, $0x8;
	v58 =	vshll.u32 v56, $0x3  }
0x1c6: {  	v0 =	vshll.u32 v0, $0x7;
	v2 =	vand.u32 $0xFFFFF800, v57;
	v3 =	vand.u32 $0xFFFFFC00, v58  }
0x1c7: {  	v0 =	vand.u32 $0x380, v0;
	v2 =	vadd.s32 v2, v3  }
0x1c8: {  	v1 =	vand.u32 $0x7F, v56;
	v0 =	vor.u32 v0, v2  }
0x1c9: {  	v59 =	vld [tilespmem:$0x40A0];
	v0 =	vor.u32 v1, v0;
	_ =	sdelay $0x4  }
0x1ca: {  	[tilespmem:v0+s20+$0x0] =	vst.idx.msk $0xffff, v59  }
0x1cb: {  	v0 =	vld [tilespmem:$0x26B0]  }
0x1cc: {  	v60 =	vld [tilespmem:$0x33B0];
	_ =	sdelay $0x4  }
0x1cd: {  	v61 =	vshll.u32 v0, $0x8;
	v62 =	vshll.u32 v60, $0x3  }
0x1ce: {  	v0 =	vshll.u32 v0, $0x7;
	v2 =	vand.u32 $0xFFFFF800, v61;
	v3 =	vand.u32 $0xFFFFFC00, v62  }
0x1cf: {  	v0 =	vand.u32 $0x380, v0;
	v2 =	vadd.s32 v2, v3  }
0x1d0: {  	v1 =	vand.u32 $0x7F, v60;
	v0 =	vor.u32 v0, v2  }
0x1d1: {  	v63 =	vld [tilespmem:$0x40B0];
	v0 =	vor.u32 v1, v0  }
0x1d2: {  	s16 =	sadd.s32 s16, s9  }
0x1d3: {  	s5 =	sadd.s32 $0x1, s16  }
0x1d4: {  	s6 =	smul.u32 $0x700, s5;
	_ =	sdelay $0x1  }
0x1d5: {  	s5 =	smul.u32 @!p0 $0xE000, s5;
	s6 =	sadd.s32 s2, s6;
	[tilespmem:v0+s20+$0x0] =	vst.idx.msk $0xffff, v63  }
0x1d6: {  	[hbm4b:s6+s3] =	stream.linear.scatter [tilespmem:s20], [sflag:$0x6], $0x3800, $0x38;
	[tilespmem:$0x12100] =	vst v63  }
0x1d7: {  	s6 =	simm.s32 @!p0 $0x6  }
0x1d8: {  	s5 =	sshrl.u32 @!p0 s5, $0x3;
	_ =	swait.ge @!p0 [sflag:s6], $0x3800  }
0x1d9: {  	s17 =	simm.s32 @!p0 $0x7900;
	s5 =	sadd.s32 @!p0 s4, s5;
	[sflag:s6] =	ssyncset.done @!p0 $0x0  }
0x1da: {  	s5 =	sadd.s32 @!p0 $0x8400, s5;
	[sflag:s6] =	ssyncadd.s32 @!p0 $0xFFFFC800;
	s6 =	simm.s32 @!p0 $0x0  }
0x1db: {  	[tilespmem:s17], [sflag:$0x2] =	stream.linear.gather @!p0 [hbm4b:s5+s6], $0x3800, $0x38;
	[tilespmem:$0x12100] =	vst v63  }
0x1dc: {  	_ =	swait.ge [sflag:s25], $0x3800  }
0x1dd: {  	s18 =	simm.s32 $0x40;
	s17 =	simm.s32 $0xFFFFFFF8;
	[sflag:s25] =	ssyncset.done $0x0  }
0x1de: {  	s5 =	simm.s32 $0xD40;
	s6 =	simm.s32 $0x3440;
	[sflag:s25] =	ssyncadd.s32 $0xFFFFC800  }
.LBB2_11:
0x1df: {  	v0 =	vld [tilespmem:s18+$0xFFFFFFC0]  }
0x1e0: {  	v1 =	vld [tilespmem:s5+$0xFFFFFFC0];
	_ =	sdelay $0x4  }
0x1e1: {  	v2 =	vshll.u32 v0, $0x8;
	v3 =	vshll.u32 v1, $0x3  }
0x1e2: {  	v0 =	vshll.u32 v0, $0x7;
	v2 =	vand.u32 $0xFFFFF800, v2;
	v3 =	vand.u32 $0xFFFFFC00, v3  }
0x1e3: {  	v0 =	vand.u32 $0x380, v0;
	v2 =	vadd.s32 v2, v3  }
0x1e4: {  	v1 =	vand.u32 $0x7F, v1;
	v0 =	vor.u32 v0, v2  }
0x1e5: {  	v0 =	vor.u32 v1, v0;
	_ =	sdelay $0x4  }
0x1e6: {  	v0 =	vld.idx.msk [tilespmem:v0+s21+$0x0], $0xffff;
	_ =	sdelay $0x4  }
0x1e7: {  	[tilespmem:s6+$0xFFFFFFC0] =	vst v0  }
0x1e8: {  	v0 =	vld [tilespmem:s18+$0xFFFFFFD0]  }
0x1e9: {  	v43 =	vld [tilespmem:s5+$0xFFFFFFD0];
	_ =	sdelay $0x4  }
0x1ea: {  	v44 =	vshll.u32 v0, $0x8;
	v45 =	vshll.u32 v43, $0x3  }
0x1eb: {  	v0 =	vshll.u32 v0, $0x7;
	v2 =	vand.u32 $0xFFFFF800, v44;
	v3 =	vand.u32 $0xFFFFFC00, v45  }
0x1ec: {  	v0 =	vand.u32 $0x380, v0;
	v2 =	vadd.s32 v2, v3  }
0x1ed: {  	v1 =	vand.u32 $0x7F, v43;
	v0 =	vor.u32 v0, v2  }
0x1ee: {  	v0 =	vor.u32 v1, v0;
	_ =	sdelay $0x4  }
0x1ef: {  	v0 =	vld.idx.msk [tilespmem:v0+s21+$0x0], $0xffff;
	_ =	sdelay $0x4  }
0x1f0: {  	[tilespmem:s6+$0xFFFFFFD0] =	vst v0  }
0x1f1: {  	v0 =	vld [tilespmem:s18+$0xFFFFFFE0]  }
0x1f2: {  	v46 =	vld [tilespmem:s5+$0xFFFFFFE0];
	_ =	sdelay $0x4  }
0x1f3: {  	v47 =	vshll.u32 v0, $0x8;
	v48 =	vshll.u32 v46, $0x3  }
0x1f4: {  	v0 =	vshll.u32 v0, $0x7;
	v2 =	vand.u32 $0xFFFFF800, v47;
	v3 =	vand.u32 $0xFFFFFC00, v48  }
0x1f5: {  	v0 =	vand.u32 $0x380, v0;
	v2 =	vadd.s32 v2, v3  }
0x1f6: {  	v1 =	vand.u32 $0x7F, v46;
	v0 =	vor.u32 v0, v2  }
0x1f7: {  	v0 =	vor.u32 v1, v0;
	_ =	sdelay $0x4  }
0x1f8: {  	v0 =	vld.idx.msk [tilespmem:v0+s21+$0x0], $0xffff;
	_ =	sdelay $0x4  }
0x1f9: {  	[tilespmem:s6+$0xFFFFFFE0] =	vst v0  }
0x1fa: {  	v0 =	vld [tilespmem:s18+$0xFFFFFFF0]  }
0x1fb: {  	v49 =	vld [tilespmem:s5+$0xFFFFFFF0];
	_ =	sdelay $0x4  }
0x1fc: {  	v50 =	vshll.u32 v0, $0x8;
	v51 =	vshll.u32 v49, $0x3  }
0x1fd: {  	v0 =	vshll.u32 v0, $0x7;
	v2 =	vand.u32 $0xFFFFF800, v50;
	v3 =	vand.u32 $0xFFFFFC00, v51  }
0x1fe: {  	v0 =	vand.u32 $0x380, v0;
	v2 =	vadd.s32 v2, v3  }
0x1ff: {  	v1 =	vand.u32 $0x7F, v49;
	v0 =	vor.u32 v0, v2  }
0x200: {  	v0 =	vor.u32 v1, v0;
	_ =	sdelay $0x4  }
0x201: {  	v0 =	vld.idx.msk [tilespmem:v0+s21+$0x0], $0xffff;
	_ =	sdelay $0x4  }
0x202: {  	[tilespmem:s6+$0xFFFFFFF0] =	vst v0  }
0x203: {  	v0 =	vld [tilespmem:s18+$0x0]  }
0x204: {  	v52 =	vld [tilespmem:s5+$0x0];
	_ =	sdelay $0x4  }
0x205: {  	v53 =	vshll.u32 v0, $0x8;
	v54 =	vshll.u32 v52, $0x3  }
0x206: {  	v0 =	vshll.u32 v0, $0x7;
	v2 =	vand.u32 $0xFFFFF800, v53;
	v3 =	vand.u32 $0xFFFFFC00, v54  }
0x207: {  	v0 =	vand.u32 $0x380, v0;
	v2 =	vadd.s32 v2, v3  }
0x208: {  	v1 =	vand.u32 $0x7F, v52;
	v0 =	vor.u32 v0, v2  }
0x209: {  	v0 =	vor.u32 v1, v0;
	_ =	sdelay $0x4  }
0x20a: {  	v0 =	vld.idx.msk [tilespmem:v0+s21+$0x0], $0xffff;
	_ =	sdelay $0x4  }
0x20b: {  	[tilespmem:s6+$0x0] =	vst v0  }
0x20c: {  	v0 =	vld [tilespmem:s18+$0x10]  }
0x20d: {  	v55 =	vld [tilespmem:s5+$0x10];
	_ =	sdelay $0x4  }
0x20e: {  	v56 =	vshll.u32 v0, $0x8;
	v57 =	vshll.u32 v55, $0x3  }
0x20f: {  	v0 =	vshll.u32 v0, $0x7;
	v2 =	vand.u32 $0xFFFFF800, v56;
	v3 =	vand.u32 $0xFFFFFC00, v57  }
0x210: {  	v0 =	vand.u32 $0x380, v0;
	v2 =	vadd.s32 v2, v3  }
0x211: {  	v1 =	vand.u32 $0x7F, v55;
	v0 =	vor.u32 v0, v2  }
0x212: {  	v0 =	vor.u32 v1, v0;
	_ =	sdelay $0x4  }
0x213: {  	v0 =	vld.idx.msk [tilespmem:v0+s21+$0x0], $0xffff;
	_ =	sdelay $0x4  }
0x214: {  	[tilespmem:s6+$0x10] =	vst v0  }
0x215: {  	v0 =	vld [tilespmem:s18+$0x20]  }
0x216: {  	v58 =	vld [tilespmem:s5+$0x20];
	_ =	sdelay $0x4  }
0x217: {  	v59 =	vshll.u32 v0, $0x8;
	v60 =	vshll.u32 v58, $0x3  }
0x218: {  	v0 =	vshll.u32 v0, $0x7;
	v2 =	vand.u32 $0xFFFFF800, v59;
	v3 =	vand.u32 $0xFFFFFC00, v60  }
0x219: {  	v0 =	vand.u32 $0x380, v0;
	v2 =	vadd.s32 v2, v3  }
0x21a: {  	v1 =	vand.u32 $0x7F, v58;
	v0 =	vor.u32 v0, v2  }
0x21b: {  	v0 =	vor.u32 v1, v0;
	_ =	sdelay $0x4  }
0x21c: {  	v0 =	vld.idx.msk [tilespmem:v0+s21+$0x0], $0xffff;
	_ =	sdelay $0x4  }
0x21d: {  	[tilespmem:s6+$0x20] =	vst v0  }
0x21e: {  	v0 =	vld [tilespmem:s18+$0x30]  }
0x21f: {  	v61 =	vld [tilespmem:s5+$0x30];
	_ =	sdelay $0x4  }
0x220: {  	v62 =	vshll.u32 v0, $0x8;
	v63 =	vshll.u32 v61, $0x3  }
0x221: {  	v0 =	vshll.u32 v0, $0x7;
	v2 =	vand.u32 $0xFFFFF800, v62;
	v3 =	vand.u32 $0xFFFFFC00, v63  }
0x222: {  	v0 =	vand.u32 $0x380, v0;
	v2 =	vadd.s32 v2, v3  }
0x223: {  	v1 =	vand.u32 $0x7F, v61;
	v0 =	vor.u32 v0, v2  }
0x224: {  	v0 =	vor.u32 v1, v0;
	_ =	sdelay $0x3  }
0x225: {  	s17 =	sadd.s32 $0x8, s17  }
0x226: {  	p1 =	slt.u32 s17, $0xC0;
	v0 =	vld.idx.msk [tilespmem:v0+s21+$0x0], $0xffff  }
.Ltmp6:
0x227: {  	_ = 	snop;
	(pc) =	sbr.rel @p1 .LBB2_11-.Ltmp6, $2  }
0x228: {  	_ =	sdelay $0x2  }
0x229: {  	s18 =	sadd.s32 $0x80, s18;
	s5 =	sadd.s32 $0x80, s5;
	[tilespmem:s6+$0x30] =	vst v0;
	s6 =	sadd.s32 $0x80, s6  }
0x22a: {  	v0 =	vld [tilespmem:$0xC80]  }
0x22b: {  	v1 =	vld [tilespmem:$0x1980];
	_ =	sdelay $0x4  }
0x22c: {  	v4 =	vld [tilespmem:$0xC90];
	v2 =	vshll.u32 v0, $0x8;
	v3 =	vshll.u32 v1, $0x3  }
0x22d: {  	v5 =	vld [tilespmem:$0x1990];
	v0 =	vshll.u32 v0, $0x7;
	v2 =	vand.u32 $0xFFFFF800, v2;
	v3 =	vand.u32 $0xFFFFFC00, v3  }
0x22e: {  	v0 =	vand.u32 $0x380, v0;
	v2 =	vadd.s32 v2, v3  }
0x22f: {  	v1 =	vand.u32 $0x7F, v1;
	v0 =	vor.u32 v0, v2  }
0x230: {  	v0 =	vor.u32 v1, v0;
	_ =	sdelay $0x1  }
0x231: {  	v49 =	vld [tilespmem:$0xCA0];
	v47 =	vshll.u32 v4, $0x8;
	v48 =	vshll.u32 v5, $0x3  }
0x232: {  	v6 =	vld [tilespmem:$0x19A0];
	v4 =	vshll.u32 v4, $0x7;
	v2 =	vand.u32 $0xFFFFFC00, v48;
	v1 =	vand.u32 $0xFFFFF800, v47  }
0x233: {  	v50 =	vand.u32 $0x380, v4;
	v1 =	vadd.s32 v1, v2  }
0x234: {  	v51 =	vand.u32 $0x7F, v5;
	v1 =	vor.u32 v50, v1;
	v0 =	vld.idx.msk [tilespmem:v0+s21+$0x0], $0xffff  }
0x235: {  	v1 =	vor.u32 v51, v1;
	_ =	sdelay $0x1  }
0x236: {  	v54 =	vld [tilespmem:$0xCB0];
	v52 =	vshll.u32 v49, $0x8;
	v53 =	vshll.u32 v6, $0x3  }
0x237: {  	v7 =	vld [tilespmem:$0x19B0];
	v4 =	vand.u32 $0xFFFFFC00, v53;
	v3 =	vshll.u32 v49, $0x7;
	v2 =	vand.u32 $0xFFFFF800, v52  }
0x238: {  	v56 =	vand.u32 $0x380, v3;
	v55 =	vadd.s32 v2, v4;
	[tilespmem:$0x4080] =	vst v0  }
0x239: {  	v57 =	vand.u32 $0x7F, v6;
	v0 =	vor.u32 v56, v55;
	v1 =	vld.idx.msk [tilespmem:v1+s21+$0x0], $0xffff  }
0x23a: {  	v0 =	vor.u32 v57, v0;
	_ =	sdelay $0x1  }
0x23b: {  	v58 =	vshll.u32 v54, $0x8;
	v59 =	vshll.u32 v7, $0x3  }
0x23c: {  	v60 =	vshll.u32 v54, $0x7;
	v3 =	vand.u32 $0xFFFFFC00, v59;
	v2 =	vand.u32 $0xFFFFF800, v58  }
0x23d: {  	v62 =	vand.u32 $0x380, v60;
	v61 =	vadd.s32 v2, v3;
	[tilespmem:$0x4090] =	vst v1  }
0x23e: {  	v63 =	vand.u32 $0x7F, v7;
	v1 =	vor.u32 v62, v61;
	v0 =	vld.idx.msk [tilespmem:v0+s21+$0x0], $0xffff  }
0x23f: {  	v1 =	vor.u32 v63, v1;
	_ =	sdelay $0x3  }
0x240: {  	[tilespmem:$0x40A0] =	vst v0  }
0x241: {  	v0 =	vld.idx.msk [tilespmem:v1+s21+$0x0], $0xffff;
	_ =	sdelay $0x3  }
0x242: {  	s17 =	simm.s32 $0xFFFFFFF8  }
0x243: {  	s18 =	simm.s32 $0x1A40;
	s5 =	simm.s32 $0x2740;
	s6 =	simm.s32 $0x3440;
	[tilespmem:$0x40B0] =	vst v0  }
.LBB2_13:
0x244: {  	v0 =	vld [tilespmem:s18+$0xFFFFFFC0]  }
0x245: {  	v1 =	vld [tilespmem:s5+$0xFFFFFFC0];
	_ =	sdelay $0x4  }
0x246: {  	v2 =	vshll.u32 v0, $0x8;
	v3 =	vshll.u32 v1, $0x3  }
0x247: {  	v0 =	vshll.u32 v0, $0x7;
	v2 =	vand.u32 $0xFFFFF800, v2;
	v3 =	vand.u32 $0xFFFFFC00, v3  }
0x248: {  	v0 =	vand.u32 $0x380, v0;
	v2 =	vadd.s32 v2, v3  }
0x249: {  	v1 =	vand.u32 $0x7F, v1;
	v0 =	vor.u32 v0, v2  }
0x24a: {  	v35 =	vld [tilespmem:s6+$0xFFFFFFC0];
	v0 =	vor.u32 v1, v0;
	_ =	sdelay $0x4  }
0x24b: {  	[tilespmem:v0+s21+$0x0] =	vst.idx.msk $0xffff, v35  }
0x24c: {  	v0 =	vld [tilespmem:s18+$0xFFFFFFD0]  }
0x24d: {  	v36 =	vld [tilespmem:s5+$0xFFFFFFD0];
	_ =	sdelay $0x4  }
0x24e: {  	v37 =	vshll.u32 v0, $0x8;
	v38 =	vshll.u32 v36, $0x3  }
0x24f: {  	v0 =	vshll.u32 v0, $0x7;
	v2 =	vand.u32 $0xFFFFF800, v37;
	v3 =	vand.u32 $0xFFFFFC00, v38  }
0x250: {  	v0 =	vand.u32 $0x380, v0;
	v2 =	vadd.s32 v2, v3  }
0x251: {  	v1 =	vand.u32 $0x7F, v36;
	v0 =	vor.u32 v0, v2  }
0x252: {  	v39 =	vld [tilespmem:s6+$0xFFFFFFD0];
	v0 =	vor.u32 v1, v0;
	_ =	sdelay $0x4  }
0x253: {  	[tilespmem:v0+s21+$0x0] =	vst.idx.msk $0xffff, v39  }
0x254: {  	v0 =	vld [tilespmem:s18+$0xFFFFFFE0]  }
0x255: {  	v40 =	vld [tilespmem:s5+$0xFFFFFFE0];
	_ =	sdelay $0x4  }
0x256: {  	v41 =	vshll.u32 v0, $0x8;
	v42 =	vshll.u32 v40, $0x3  }
0x257: {  	v0 =	vshll.u32 v0, $0x7;
	v2 =	vand.u32 $0xFFFFF800, v41;
	v3 =	vand.u32 $0xFFFFFC00, v42  }
0x258: {  	v0 =	vand.u32 $0x380, v0;
	v2 =	vadd.s32 v2, v3  }
0x259: {  	v1 =	vand.u32 $0x7F, v40;
	v0 =	vor.u32 v0, v2  }
0x25a: {  	v43 =	vld [tilespmem:s6+$0xFFFFFFE0];
	v0 =	vor.u32 v1, v0;
	_ =	sdelay $0x4  }
0x25b: {  	[tilespmem:v0+s21+$0x0] =	vst.idx.msk $0xffff, v43  }
0x25c: {  	v0 =	vld [tilespmem:s18+$0xFFFFFFF0]  }
0x25d: {  	v44 =	vld [tilespmem:s5+$0xFFFFFFF0];
	_ =	sdelay $0x4  }
0x25e: {  	v45 =	vshll.u32 v0, $0x8;
	v46 =	vshll.u32 v44, $0x3  }
0x25f: {  	v0 =	vshll.u32 v0, $0x7;
	v2 =	vand.u32 $0xFFFFF800, v45;
	v3 =	vand.u32 $0xFFFFFC00, v46  }
0x260: {  	v0 =	vand.u32 $0x380, v0;
	v2 =	vadd.s32 v2, v3  }
0x261: {  	v1 =	vand.u32 $0x7F, v44;
	v0 =	vor.u32 v0, v2  }
0x262: {  	v47 =	vld [tilespmem:s6+$0xFFFFFFF0];
	v0 =	vor.u32 v1, v0;
	_ =	sdelay $0x4  }
0x263: {  	[tilespmem:v0+s21+$0x0] =	vst.idx.msk $0xffff, v47  }
0x264: {  	v0 =	vld [tilespmem:s18+$0x0]  }
0x265: {  	v48 =	vld [tilespmem:s5+$0x0];
	_ =	sdelay $0x4  }
0x266: {  	v49 =	vshll.u32 v0, $0x8;
	v50 =	vshll.u32 v48, $0x3  }
0x267: {  	v0 =	vshll.u32 v0, $0x7;
	v2 =	vand.u32 $0xFFFFF800, v49;
	v3 =	vand.u32 $0xFFFFFC00, v50  }
0x268: {  	v0 =	vand.u32 $0x380, v0;
	v2 =	vadd.s32 v2, v3  }
0x269: {  	v1 =	vand.u32 $0x7F, v48;
	v0 =	vor.u32 v0, v2  }
0x26a: {  	v51 =	vld [tilespmem:s6+$0x0];
	v0 =	vor.u32 v1, v0;
	_ =	sdelay $0x4  }
0x26b: {  	[tilespmem:v0+s21+$0x0] =	vst.idx.msk $0xffff, v51  }
0x26c: {  	v0 =	vld [tilespmem:s18+$0x10]  }
0x26d: {  	v52 =	vld [tilespmem:s5+$0x10];
	_ =	sdelay $0x4  }
0x26e: {  	v53 =	vshll.u32 v0, $0x8;
	v54 =	vshll.u32 v52, $0x3  }
0x26f: {  	v0 =	vshll.u32 v0, $0x7;
	v2 =	vand.u32 $0xFFFFF800, v53;
	v3 =	vand.u32 $0xFFFFFC00, v54  }
0x270: {  	v0 =	vand.u32 $0x380, v0;
	v2 =	vadd.s32 v2, v3  }
0x271: {  	v1 =	vand.u32 $0x7F, v52;
	v0 =	vor.u32 v0, v2  }
0x272: {  	v55 =	vld [tilespmem:s6+$0x10];
	v0 =	vor.u32 v1, v0;
	_ =	sdelay $0x4  }
0x273: {  	[tilespmem:v0+s21+$0x0] =	vst.idx.msk $0xffff, v55  }
0x274: {  	v0 =	vld [tilespmem:s18+$0x20]  }
0x275: {  	v56 =	vld [tilespmem:s5+$0x20];
	_ =	sdelay $0x4  }
0x276: {  	v57 =	vshll.u32 v0, $0x8;
	v58 =	vshll.u32 v56, $0x3  }
0x277: {  	v0 =	vshll.u32 v0, $0x7;
	v2 =	vand.u32 $0xFFFFF800, v57;
	v3 =	vand.u32 $0xFFFFFC00, v58  }
0x278: {  	v0 =	vand.u32 $0x380, v0;
	v2 =	vadd.s32 v2, v3  }
0x279: {  	v1 =	vand.u32 $0x7F, v56;
	v0 =	vor.u32 v0, v2  }
0x27a: {  	v59 =	vld [tilespmem:s6+$0x20];
	v0 =	vor.u32 v1, v0;
	_ =	sdelay $0x4  }
0x27b: {  	[tilespmem:v0+s21+$0x0] =	vst.idx.msk $0xffff, v59  }
0x27c: {  	v0 =	vld [tilespmem:s18+$0x30]  }
0x27d: {  	v60 =	vld [tilespmem:s5+$0x30];
	_ =	sdelay $0x4  }
0x27e: {  	v61 =	vshll.u32 v0, $0x8;
	v62 =	vshll.u32 v60, $0x3  }
0x27f: {  	v0 =	vshll.u32 v0, $0x7;
	v2 =	vand.u32 $0xFFFFF800, v61;
	v3 =	vand.u32 $0xFFFFFC00, v62  }
0x280: {  	v0 =	vand.u32 $0x380, v0;
	v2 =	vadd.s32 v2, v3  }
0x281: {  	s17 =	sadd.s32 $0x8, s17;
	v1 =	vand.u32 $0x7F, v60;
	v0 =	vor.u32 v0, v2  }
0x282: {  	p1 =	slt.u32 s17, $0xC0;
	v63 =	vld [tilespmem:s6+$0x30];
	v0 =	vor.u32 v1, v0  }
.Ltmp7:
0x283: {  	_ = 	snop;
	(pc) =	sbr.rel @p1 .LBB2_13-.Ltmp7, $2  }
0x284: {  	_ =	sdelay $0x2  }
0x285: {  	s18 =	sadd.s32 $0x80, s18;
	s5 =	sadd.s32 $0x80, s5;
	s6 =	sadd.s32 $0x80, s6;
	[tilespmem:v0+s21+$0x0] =	vst.idx.msk $0xffff, v63  }
0x286: {  	v0 =	vld [tilespmem:$0x2680]  }
0x287: {  	v1 =	vld [tilespmem:$0x3380];
	_ =	sdelay $0x4  }
0x288: {  	v2 =	vshll.u32 v0, $0x8;
	v3 =	vshll.u32 v1, $0x3  }
0x289: {  	v0 =	vshll.u32 v0, $0x7;
	v2 =	vand.u32 $0xFFFFF800, v2;
	v3 =	vand.u32 $0xFFFFFC00, v3  }
0x28a: {  	v0 =	vand.u32 $0x380, v0;
	v2 =	vadd.s32 v2, v3  }
0x28b: {  	v1 =	vand.u32 $0x7F, v1;
	v0 =	vor.u32 v0, v2  }
0x28c: {  	v51 =	vld [tilespmem:$0x4080];
	v0 =	vor.u32 v1, v0;
	_ =	sdelay $0x4  }
0x28d: {  	[tilespmem:v0+s21+$0x0] =	vst.idx.msk $0xffff, v51  }
0x28e: {  	v0 =	vld [tilespmem:$0x2690]  }
0x28f: {  	v52 =	vld [tilespmem:$0x3390];
	_ =	sdelay $0x4  }
0x290: {  	v53 =	vshll.u32 v0, $0x8;
	v54 =	vshll.u32 v52, $0x3  }
0x291: {  	v0 =	vshll.u32 v0, $0x7;
	v2 =	vand.u32 $0xFFFFF800, v53;
	v3 =	vand.u32 $0xFFFFFC00, v54  }
0x292: {  	v0 =	vand.u32 $0x380, v0;
	v2 =	vadd.s32 v2, v3  }
0x293: {  	v1 =	vand.u32 $0x7F, v52;
	v0 =	vor.u32 v0, v2  }
0x294: {  	v55 =	vld [tilespmem:$0x4090];
	v0 =	vor.u32 v1, v0;
	_ =	sdelay $0x4  }
0x295: {  	[tilespmem:v0+s21+$0x0] =	vst.idx.msk $0xffff, v55  }
0x296: {  	v0 =	vld [tilespmem:$0x26A0]  }
0x297: {  	v56 =	vld [tilespmem:$0x33A0];
	_ =	sdelay $0x4  }
0x298: {  	v57 =	vshll.u32 v0, $0x8;
	v58 =	vshll.u32 v56, $0x3  }
0x299: {  	v0 =	vshll.u32 v0, $0x7;
	v2 =	vand.u32 $0xFFFFF800, v57;
	v3 =	vand.u32 $0xFFFFFC00, v58  }
0x29a: {  	v0 =	vand.u32 $0x380, v0;
	v2 =	vadd.s32 v2, v3  }
0x29b: {  	v1 =	vand.u32 $0x7F, v56;
	v0 =	vor.u32 v0, v2  }
0x29c: {  	v59 =	vld [tilespmem:$0x40A0];
	v0 =	vor.u32 v1, v0;
	_ =	sdelay $0x4  }
0x29d: {  	[tilespmem:v0+s21+$0x0] =	vst.idx.msk $0xffff, v59  }
0x29e: {  	v0 =	vld [tilespmem:$0x26B0]  }
0x29f: {  	v60 =	vld [tilespmem:$0x33B0];
	_ =	sdelay $0x4  }
0x2a0: {  	v61 =	vshll.u32 v0, $0x8;
	v62 =	vshll.u32 v60, $0x3  }
0x2a1: {  	v0 =	vshll.u32 v0, $0x7;
	v2 =	vand.u32 $0xFFFFF800, v61;
	v3 =	vand.u32 $0xFFFFFC00, v62  }
0x2a2: {  	v0 =	vand.u32 $0x380, v0;
	v2 =	vadd.s32 v2, v3  }
0x2a3: {  	v1 =	vand.u32 $0x7F, v60;
	v0 =	vor.u32 v0, v2  }
0x2a4: {  	v63 =	vld [tilespmem:$0x40B0];
	v0 =	vor.u32 v1, v0;
	_ =	sdelay $0x1  }
0x2a5: {  	s5 =	sadd.s32 $0x2, s16  }
0x2a6: {  	s6 =	smul.u32 $0x700, s5;
	_ =	sdelay $0x1  }
0x2a7: {  	s5 =	smul.u32 @!p0 $0xE000, s5;
	s6 =	sadd.s32 s2, s6;
	[tilespmem:v0+s21+$0x0] =	vst.idx.msk $0xffff, v63  }
0x2a8: {  	[hbm4b:s6+s3] =	stream.linear.scatter [tilespmem:s21], [sflag:$0x7], $0x3800, $0x38;
	[tilespmem:$0x12100] =	vst v63  }
0x2a9: {  	s6 =	simm.s32 @!p0 $0x7  }
0x2aa: {  	s5 =	sshrl.u32 @!p0 s5, $0x3;
	_ =	swait.ge @!p0 [sflag:s6], $0x3800  }
0x2ab: {  	s17 =	simm.s32 @!p0 $0xB100;
	s5 =	sadd.s32 @!p0 s4, s5;
	[sflag:s6] =	ssyncset.done @!p0 $0x0  }
0x2ac: {  	s5 =	sadd.s32 @!p0 $0x8400, s5;
	[sflag:s6] =	ssyncadd.s32 @!p0 $0xFFFFC800;
	s6 =	simm.s32 @!p0 $0x0  }
0x2ad: {  	[tilespmem:s17], [sflag:$0x3] =	stream.linear.gather @!p0 [hbm4b:s5+s6], $0x3800, $0x38;
	[tilespmem:$0x12100] =	vst v63  }
0x2ae: {  	_ =	swait.ge [sflag:s26], $0x3800  }
0x2af: {  	s18 =	simm.s32 $0x40;
	s17 =	simm.s32 $0xFFFFFFF8;
	[sflag:s26] =	ssyncset.done $0x0  }
0x2b0: {  	s5 =	simm.s32 $0xD40;
	s6 =	simm.s32 $0x3440;
	[sflag:s26] =	ssyncadd.s32 $0xFFFFC800  }
.LBB2_15:
0x2b1: {  	v0 =	vld [tilespmem:s18+$0xFFFFFFC0]  }
0x2b2: {  	v1 =	vld [tilespmem:s5+$0xFFFFFFC0];
	_ =	sdelay $0x4  }
0x2b3: {  	v2 =	vshll.u32 v0, $0x8;
	v3 =	vshll.u32 v1, $0x3  }
0x2b4: {  	v0 =	vshll.u32 v0, $0x7;
	v2 =	vand.u32 $0xFFFFF800, v2;
	v3 =	vand.u32 $0xFFFFFC00, v3  }
0x2b5: {  	v0 =	vand.u32 $0x380, v0;
	v2 =	vadd.s32 v2, v3  }
0x2b6: {  	v1 =	vand.u32 $0x7F, v1;
	v0 =	vor.u32 v0, v2  }
0x2b7: {  	v0 =	vor.u32 v1, v0;
	_ =	sdelay $0x4  }
0x2b8: {  	v0 =	vld.idx.msk [tilespmem:v0+s22+$0x0], $0xffff;
	_ =	sdelay $0x4  }
0x2b9: {  	[tilespmem:s6+$0xFFFFFFC0] =	vst v0  }
0x2ba: {  	v0 =	vld [tilespmem:s18+$0xFFFFFFD0]  }
0x2bb: {  	v43 =	vld [tilespmem:s5+$0xFFFFFFD0];
	_ =	sdelay $0x4  }
0x2bc: {  	v44 =	vshll.u32 v0, $0x8;
	v45 =	vshll.u32 v43, $0x3  }
0x2bd: {  	v0 =	vshll.u32 v0, $0x7;
	v2 =	vand.u32 $0xFFFFF800, v44;
	v3 =	vand.u32 $0xFFFFFC00, v45  }
0x2be: {  	v0 =	vand.u32 $0x380, v0;
	v2 =	vadd.s32 v2, v3  }
0x2bf: {  	v1 =	vand.u32 $0x7F, v43;
	v0 =	vor.u32 v0, v2  }
0x2c0: {  	v0 =	vor.u32 v1, v0;
	_ =	sdelay $0x4  }
0x2c1: {  	v0 =	vld.idx.msk [tilespmem:v0+s22+$0x0], $0xffff;
	_ =	sdelay $0x4  }
0x2c2: {  	[tilespmem:s6+$0xFFFFFFD0] =	vst v0  }
0x2c3: {  	v0 =	vld [tilespmem:s18+$0xFFFFFFE0]  }
0x2c4: {  	v46 =	vld [tilespmem:s5+$0xFFFFFFE0];
	_ =	sdelay $0x4  }
0x2c5: {  	v47 =	vshll.u32 v0, $0x8;
	v48 =	vshll.u32 v46, $0x3  }
0x2c6: {  	v0 =	vshll.u32 v0, $0x7;
	v2 =	vand.u32 $0xFFFFF800, v47;
	v3 =	vand.u32 $0xFFFFFC00, v48  }
0x2c7: {  	v0 =	vand.u32 $0x380, v0;
	v2 =	vadd.s32 v2, v3  }
0x2c8: {  	v1 =	vand.u32 $0x7F, v46;
	v0 =	vor.u32 v0, v2  }
0x2c9: {  	v0 =	vor.u32 v1, v0;
	_ =	sdelay $0x4  }
0x2ca: {  	v0 =	vld.idx.msk [tilespmem:v0+s22+$0x0], $0xffff;
	_ =	sdelay $0x4  }
0x2cb: {  	[tilespmem:s6+$0xFFFFFFE0] =	vst v0  }
0x2cc: {  	v0 =	vld [tilespmem:s18+$0xFFFFFFF0]  }
0x2cd: {  	v49 =	vld [tilespmem:s5+$0xFFFFFFF0];
	_ =	sdelay $0x4  }
0x2ce: {  	v50 =	vshll.u32 v0, $0x8;
	v51 =	vshll.u32 v49, $0x3  }
0x2cf: {  	v0 =	vshll.u32 v0, $0x7;
	v2 =	vand.u32 $0xFFFFF800, v50;
	v3 =	vand.u32 $0xFFFFFC00, v51  }
0x2d0: {  	v0 =	vand.u32 $0x380, v0;
	v2 =	vadd.s32 v2, v3  }
0x2d1: {  	v1 =	vand.u32 $0x7F, v49;
	v0 =	vor.u32 v0, v2  }
0x2d2: {  	v0 =	vor.u32 v1, v0;
	_ =	sdelay $0x4  }
0x2d3: {  	v0 =	vld.idx.msk [tilespmem:v0+s22+$0x0], $0xffff;
	_ =	sdelay $0x4  }
0x2d4: {  	[tilespmem:s6+$0xFFFFFFF0] =	vst v0  }
0x2d5: {  	v0 =	vld [tilespmem:s18+$0x0]  }
0x2d6: {  	v52 =	vld [tilespmem:s5+$0x0];
	_ =	sdelay $0x4  }
0x2d7: {  	v53 =	vshll.u32 v0, $0x8;
	v54 =	vshll.u32 v52, $0x3  }
0x2d8: {  	v0 =	vshll.u32 v0, $0x7;
	v2 =	vand.u32 $0xFFFFF800, v53;
	v3 =	vand.u32 $0xFFFFFC00, v54  }
0x2d9: {  	v0 =	vand.u32 $0x380, v0;
	v2 =	vadd.s32 v2, v3  }
0x2da: {  	v1 =	vand.u32 $0x7F, v52;
	v0 =	vor.u32 v0, v2  }
0x2db: {  	v0 =	vor.u32 v1, v0;
	_ =	sdelay $0x4  }
0x2dc: {  	v0 =	vld.idx.msk [tilespmem:v0+s22+$0x0], $0xffff;
	_ =	sdelay $0x4  }
0x2dd: {  	[tilespmem:s6+$0x0] =	vst v0  }
0x2de: {  	v0 =	vld [tilespmem:s18+$0x10]  }
0x2df: {  	v55 =	vld [tilespmem:s5+$0x10];
	_ =	sdelay $0x4  }
0x2e0: {  	v56 =	vshll.u32 v0, $0x8;
	v57 =	vshll.u32 v55, $0x3  }
0x2e1: {  	v0 =	vshll.u32 v0, $0x7;
	v2 =	vand.u32 $0xFFFFF800, v56;
	v3 =	vand.u32 $0xFFFFFC00, v57  }
0x2e2: {  	v0 =	vand.u32 $0x380, v0;
	v2 =	vadd.s32 v2, v3  }
0x2e3: {  	v1 =	vand.u32 $0x7F, v55;
	v0 =	vor.u32 v0, v2  }
0x2e4: {  	v0 =	vor.u32 v1, v0;
	_ =	sdelay $0x4  }
0x2e5: {  	v0 =	vld.idx.msk [tilespmem:v0+s22+$0x0], $0xffff;
	_ =	sdelay $0x4  }
0x2e6: {  	[tilespmem:s6+$0x10] =	vst v0  }
0x2e7: {  	v0 =	vld [tilespmem:s18+$0x20]  }
0x2e8: {  	v58 =	vld [tilespmem:s5+$0x20];
	_ =	sdelay $0x4  }
0x2e9: {  	v59 =	vshll.u32 v0, $0x8;
	v60 =	vshll.u32 v58, $0x3  }
0x2ea: {  	v0 =	vshll.u32 v0, $0x7;
	v2 =	vand.u32 $0xFFFFF800, v59;
	v3 =	vand.u32 $0xFFFFFC00, v60  }
0x2eb: {  	v0 =	vand.u32 $0x380, v0;
	v2 =	vadd.s32 v2, v3  }
0x2ec: {  	v1 =	vand.u32 $0x7F, v58;
	v0 =	vor.u32 v0, v2  }
0x2ed: {  	v0 =	vor.u32 v1, v0;
	_ =	sdelay $0x4  }
0x2ee: {  	v0 =	vld.idx.msk [tilespmem:v0+s22+$0x0], $0xffff;
	_ =	sdelay $0x4  }
0x2ef: {  	[tilespmem:s6+$0x20] =	vst v0  }
0x2f0: {  	v0 =	vld [tilespmem:s18+$0x30]  }
0x2f1: {  	v61 =	vld [tilespmem:s5+$0x30];
	_ =	sdelay $0x4  }
0x2f2: {  	v62 =	vshll.u32 v0, $0x8;
	v63 =	vshll.u32 v61, $0x3  }
0x2f3: {  	v0 =	vshll.u32 v0, $0x7;
	v2 =	vand.u32 $0xFFFFF800, v62;
	v3 =	vand.u32 $0xFFFFFC00, v63  }
0x2f4: {  	v0 =	vand.u32 $0x380, v0;
	v2 =	vadd.s32 v2, v3  }
0x2f5: {  	v1 =	vand.u32 $0x7F, v61;
	v0 =	vor.u32 v0, v2  }
0x2f6: {  	v0 =	vor.u32 v1, v0;
	_ =	sdelay $0x3  }
0x2f7: {  	s17 =	sadd.s32 $0x8, s17  }
0x2f8: {  	p1 =	slt.u32 s17, $0xC0;
	v0 =	vld.idx.msk [tilespmem:v0+s22+$0x0], $0xffff  }
.Ltmp8:
0x2f9: {  	_ = 	snop;
	(pc) =	sbr.rel @p1 .LBB2_15-.Ltmp8, $2  }
0x2fa: {  	_ =	sdelay $0x2  }
0x2fb: {  	s18 =	sadd.s32 $0x80, s18;
	s5 =	sadd.s32 $0x80, s5;
	[tilespmem:s6+$0x30] =	vst v0;
	s6 =	sadd.s32 $0x80, s6  }
0x2fc: {  	v0 =	vld [tilespmem:$0xC80]  }
0x2fd: {  	v1 =	vld [tilespmem:$0x1980];
	_ =	sdelay $0x4  }
0x2fe: {  	v4 =	vld [tilespmem:$0xC90];
	v2 =	vshll.u32 v0, $0x8;
	v3 =	vshll.u32 v1, $0x3  }
0x2ff: {  	v5 =	vld [tilespmem:$0x1990];
	v0 =	vshll.u32 v0, $0x7;
	v2 =	vand.u32 $0xFFFFF800, v2;
	v3 =	vand.u32 $0xFFFFFC00, v3  }
0x300: {  	v0 =	vand.u32 $0x380, v0;
	v2 =	vadd.s32 v2, v3  }
0x301: {  	v1 =	vand.u32 $0x7F, v1;
	v0 =	vor.u32 v0, v2  }
0x302: {  	v0 =	vor.u32 v1, v0;
	_ =	sdelay $0x1  }
0x303: {  	v49 =	vld [tilespmem:$0xCA0];
	v47 =	vshll.u32 v4, $0x8;
	v48 =	vshll.u32 v5, $0x3  }
0x304: {  	v6 =	vld [tilespmem:$0x19A0];
	v4 =	vshll.u32 v4, $0x7;
	v2 =	vand.u32 $0xFFFFFC00, v48;
	v1 =	vand.u32 $0xFFFFF800, v47  }
0x305: {  	v50 =	vand.u32 $0x380, v4;
	v1 =	vadd.s32 v1, v2  }
0x306: {  	v51 =	vand.u32 $0x7F, v5;
	v1 =	vor.u32 v50, v1;
	v0 =	vld.idx.msk [tilespmem:v0+s22+$0x0], $0xffff  }
0x307: {  	v1 =	vor.u32 v51, v1;
	_ =	sdelay $0x1  }
0x308: {  	v54 =	vld [tilespmem:$0xCB0];
	v52 =	vshll.u32 v49, $0x8;
	v53 =	vshll.u32 v6, $0x3  }
0x309: {  	v7 =	vld [tilespmem:$0x19B0];
	v4 =	vand.u32 $0xFFFFFC00, v53;
	v3 =	vshll.u32 v49, $0x7;
	v2 =	vand.u32 $0xFFFFF800, v52  }
0x30a: {  	v56 =	vand.u32 $0x380, v3;
	v55 =	vadd.s32 v2, v4;
	[tilespmem:$0x4080] =	vst v0  }
0x30b: {  	v57 =	vand.u32 $0x7F, v6;
	v0 =	vor.u32 v56, v55;
	v1 =	vld.idx.msk [tilespmem:v1+s22+$0x0], $0xffff  }
0x30c: {  	v0 =	vor.u32 v57, v0;
	_ =	sdelay $0x1  }
0x30d: {  	v58 =	vshll.u32 v54, $0x8;
	v59 =	vshll.u32 v7, $0x3  }
0x30e: {  	v60 =	vshll.u32 v54, $0x7;
	v3 =	vand.u32 $0xFFFFFC00, v59;
	v2 =	vand.u32 $0xFFFFF800, v58  }
0x30f: {  	v62 =	vand.u32 $0x380, v60;
	v61 =	vadd.s32 v2, v3;
	[tilespmem:$0x4090] =	vst v1  }
0x310: {  	v63 =	vand.u32 $0x7F, v7;
	v1 =	vor.u32 v62, v61;
	v0 =	vld.idx.msk [tilespmem:v0+s22+$0x0], $0xffff  }
0x311: {  	v1 =	vor.u32 v63, v1;
	_ =	sdelay $0x3  }
0x312: {  	[tilespmem:$0x40A0] =	vst v0  }
0x313: {  	v0 =	vld.idx.msk [tilespmem:v1+s22+$0x0], $0xffff;
	_ =	sdelay $0x3  }
0x314: {  	s17 =	simm.s32 $0xFFFFFFF8  }
0x315: {  	s18 =	simm.s32 $0x1A40;
	s5 =	simm.s32 $0x2740;
	s6 =	simm.s32 $0x3440;
	[tilespmem:$0x40B0] =	vst v0  }
.LBB2_17:
0x316: {  	v0 =	vld [tilespmem:s18+$0xFFFFFFC0]  }
0x317: {  	v1 =	vld [tilespmem:s5+$0xFFFFFFC0];
	_ =	sdelay $0x4  }
0x318: {  	v2 =	vshll.u32 v0, $0x8;
	v3 =	vshll.u32 v1, $0x3  }
0x319: {  	v0 =	vshll.u32 v0, $0x7;
	v2 =	vand.u32 $0xFFFFF800, v2;
	v3 =	vand.u32 $0xFFFFFC00, v3  }
0x31a: {  	v0 =	vand.u32 $0x380, v0;
	v2 =	vadd.s32 v2, v3  }
0x31b: {  	v1 =	vand.u32 $0x7F, v1;
	v0 =	vor.u32 v0, v2  }
0x31c: {  	v35 =	vld [tilespmem:s6+$0xFFFFFFC0];
	v0 =	vor.u32 v1, v0;
	_ =	sdelay $0x4  }
0x31d: {  	[tilespmem:v0+s22+$0x0] =	vst.idx.msk $0xffff, v35  }
0x31e: {  	v0 =	vld [tilespmem:s18+$0xFFFFFFD0]  }
0x31f: {  	v36 =	vld [tilespmem:s5+$0xFFFFFFD0];
	_ =	sdelay $0x4  }
0x320: {  	v37 =	vshll.u32 v0, $0x8;
	v38 =	vshll.u32 v36, $0x3  }
0x321: {  	v0 =	vshll.u32 v0, $0x7;
	v2 =	vand.u32 $0xFFFFF800, v37;
	v3 =	vand.u32 $0xFFFFFC00, v38  }
0x322: {  	v0 =	vand.u32 $0x380, v0;
	v2 =	vadd.s32 v2, v3  }
0x323: {  	v1 =	vand.u32 $0x7F, v36;
	v0 =	vor.u32 v0, v2  }
0x324: {  	v39 =	vld [tilespmem:s6+$0xFFFFFFD0];
	v0 =	vor.u32 v1, v0;
	_ =	sdelay $0x4  }
0x325: {  	[tilespmem:v0+s22+$0x0] =	vst.idx.msk $0xffff, v39  }
0x326: {  	v0 =	vld [tilespmem:s18+$0xFFFFFFE0]  }
0x327: {  	v40 =	vld [tilespmem:s5+$0xFFFFFFE0];
	_ =	sdelay $0x4  }
0x328: {  	v41 =	vshll.u32 v0, $0x8;
	v42 =	vshll.u32 v40, $0x3  }
0x329: {  	v0 =	vshll.u32 v0, $0x7;
	v2 =	vand.u32 $0xFFFFF800, v41;
	v3 =	vand.u32 $0xFFFFFC00, v42  }
0x32a: {  	v0 =	vand.u32 $0x380, v0;
	v2 =	vadd.s32 v2, v3  }
0x32b: {  	v1 =	vand.u32 $0x7F, v40;
	v0 =	vor.u32 v0, v2  }
0x32c: {  	v43 =	vld [tilespmem:s6+$0xFFFFFFE0];
	v0 =	vor.u32 v1, v0;
	_ =	sdelay $0x4  }
0x32d: {  	[tilespmem:v0+s22+$0x0] =	vst.idx.msk $0xffff, v43  }
0x32e: {  	v0 =	vld [tilespmem:s18+$0xFFFFFFF0]  }
0x32f: {  	v44 =	vld [tilespmem:s5+$0xFFFFFFF0];
	_ =	sdelay $0x4  }
0x330: {  	v45 =	vshll.u32 v0, $0x8;
	v46 =	vshll.u32 v44, $0x3  }
0x331: {  	v0 =	vshll.u32 v0, $0x7;
	v2 =	vand.u32 $0xFFFFF800, v45;
	v3 =	vand.u32 $0xFFFFFC00, v46  }
0x332: {  	v0 =	vand.u32 $0x380, v0;
	v2 =	vadd.s32 v2, v3  }
0x333: {  	v1 =	vand.u32 $0x7F, v44;
	v0 =	vor.u32 v0, v2  }
0x334: {  	v47 =	vld [tilespmem:s6+$0xFFFFFFF0];
	v0 =	vor.u32 v1, v0;
	_ =	sdelay $0x4  }
0x335: {  	[tilespmem:v0+s22+$0x0] =	vst.idx.msk $0xffff, v47  }
0x336: {  	v0 =	vld [tilespmem:s18+$0x0]  }
0x337: {  	v48 =	vld [tilespmem:s5+$0x0];
	_ =	sdelay $0x4  }
0x338: {  	v49 =	vshll.u32 v0, $0x8;
	v50 =	vshll.u32 v48, $0x3  }
0x339: {  	v0 =	vshll.u32 v0, $0x7;
	v2 =	vand.u32 $0xFFFFF800, v49;
	v3 =	vand.u32 $0xFFFFFC00, v50  }
0x33a: {  	v0 =	vand.u32 $0x380, v0;
	v2 =	vadd.s32 v2, v3  }
0x33b: {  	v1 =	vand.u32 $0x7F, v48;
	v0 =	vor.u32 v0, v2  }
0x33c: {  	v51 =	vld [tilespmem:s6+$0x0];
	v0 =	vor.u32 v1, v0;
	_ =	sdelay $0x4  }
0x33d: {  	[tilespmem:v0+s22+$0x0] =	vst.idx.msk $0xffff, v51  }
0x33e: {  	v0 =	vld [tilespmem:s18+$0x10]  }
0x33f: {  	v52 =	vld [tilespmem:s5+$0x10];
	_ =	sdelay $0x4  }
0x340: {  	v53 =	vshll.u32 v0, $0x8;
	v54 =	vshll.u32 v52, $0x3  }
0x341: {  	v0 =	vshll.u32 v0, $0x7;
	v2 =	vand.u32 $0xFFFFF800, v53;
	v3 =	vand.u32 $0xFFFFFC00, v54  }
0x342: {  	v0 =	vand.u32 $0x380, v0;
	v2 =	vadd.s32 v2, v3  }
0x343: {  	v1 =	vand.u32 $0x7F, v52;
	v0 =	vor.u32 v0, v2  }
0x344: {  	v55 =	vld [tilespmem:s6+$0x10];
	v0 =	vor.u32 v1, v0;
	_ =	sdelay $0x4  }
0x345: {  	[tilespmem:v0+s22+$0x0] =	vst.idx.msk $0xffff, v55  }
0x346: {  	v0 =	vld [tilespmem:s18+$0x20]  }
0x347: {  	v56 =	vld [tilespmem:s5+$0x20];
	_ =	sdelay $0x4  }
0x348: {  	v57 =	vshll.u32 v0, $0x8;
	v58 =	vshll.u32 v56, $0x3  }
0x349: {  	v0 =	vshll.u32 v0, $0x7;
	v2 =	vand.u32 $0xFFFFF800, v57;
	v3 =	vand.u32 $0xFFFFFC00, v58  }
0x34a: {  	v0 =	vand.u32 $0x380, v0;
	v2 =	vadd.s32 v2, v3  }
0x34b: {  	v1 =	vand.u32 $0x7F, v56;
	v0 =	vor.u32 v0, v2  }
0x34c: {  	v59 =	vld [tilespmem:s6+$0x20];
	v0 =	vor.u32 v1, v0;
	_ =	sdelay $0x4  }
0x34d: {  	[tilespmem:v0+s22+$0x0] =	vst.idx.msk $0xffff, v59  }
0x34e: {  	v0 =	vld [tilespmem:s18+$0x30]  }
0x34f: {  	v60 =	vld [tilespmem:s5+$0x30];
	_ =	sdelay $0x4  }
0x350: {  	v61 =	vshll.u32 v0, $0x8;
	v62 =	vshll.u32 v60, $0x3  }
0x351: {  	v0 =	vshll.u32 v0, $0x7;
	v2 =	vand.u32 $0xFFFFF800, v61;
	v3 =	vand.u32 $0xFFFFFC00, v62  }
0x352: {  	v0 =	vand.u32 $0x380, v0;
	v2 =	vadd.s32 v2, v3  }
0x353: {  	s17 =	sadd.s32 $0x8, s17;
	v1 =	vand.u32 $0x7F, v60;
	v0 =	vor.u32 v0, v2  }
0x354: {  	p1 =	slt.u32 s17, $0xC0;
	v63 =	vld [tilespmem:s6+$0x30];
	v0 =	vor.u32 v1, v0  }
.Ltmp9:
0x355: {  	_ = 	snop;
	(pc) =	sbr.rel @p1 .LBB2_17-.Ltmp9, $2  }
0x356: {  	_ =	sdelay $0x2  }
0x357: {  	s18 =	sadd.s32 $0x80, s18;
	s5 =	sadd.s32 $0x80, s5;
	s6 =	sadd.s32 $0x80, s6;
	[tilespmem:v0+s22+$0x0] =	vst.idx.msk $0xffff, v63  }
0x358: {  	v0 =	vld [tilespmem:$0x2680]  }
0x359: {  	v1 =	vld [tilespmem:$0x3380];
	_ =	sdelay $0x4  }
0x35a: {  	v2 =	vshll.u32 v0, $0x8;
	v3 =	vshll.u32 v1, $0x3  }
0x35b: {  	v0 =	vshll.u32 v0, $0x7;
	v2 =	vand.u32 $0xFFFFF800, v2;
	v3 =	vand.u32 $0xFFFFFC00, v3  }
0x35c: {  	v0 =	vand.u32 $0x380, v0;
	v2 =	vadd.s32 v2, v3  }
0x35d: {  	v1 =	vand.u32 $0x7F, v1;
	v0 =	vor.u32 v0, v2  }
0x35e: {  	v51 =	vld [tilespmem:$0x4080];
	v0 =	vor.u32 v1, v0;
	_ =	sdelay $0x4  }
0x35f: {  	[tilespmem:v0+s22+$0x0] =	vst.idx.msk $0xffff, v51  }
0x360: {  	v0 =	vld [tilespmem:$0x2690]  }
0x361: {  	v52 =	vld [tilespmem:$0x3390];
	_ =	sdelay $0x4  }
0x362: {  	v53 =	vshll.u32 v0, $0x8;
	v54 =	vshll.u32 v52, $0x3  }
0x363: {  	v0 =	vshll.u32 v0, $0x7;
	v2 =	vand.u32 $0xFFFFF800, v53;
	v3 =	vand.u32 $0xFFFFFC00, v54  }
0x364: {  	v0 =	vand.u32 $0x380, v0;
	v2 =	vadd.s32 v2, v3  }
0x365: {  	v1 =	vand.u32 $0x7F, v52;
	v0 =	vor.u32 v0, v2  }
0x366: {  	v55 =	vld [tilespmem:$0x4090];
	v0 =	vor.u32 v1, v0;
	_ =	sdelay $0x4  }
0x367: {  	[tilespmem:v0+s22+$0x0] =	vst.idx.msk $0xffff, v55  }
0x368: {  	v0 =	vld [tilespmem:$0x26A0]  }
0x369: {  	v56 =	vld [tilespmem:$0x33A0];
	_ =	sdelay $0x4  }
0x36a: {  	v57 =	vshll.u32 v0, $0x8;
	v58 =	vshll.u32 v56, $0x3  }
0x36b: {  	v0 =	vshll.u32 v0, $0x7;
	v2 =	vand.u32 $0xFFFFF800, v57;
	v3 =	vand.u32 $0xFFFFFC00, v58  }
0x36c: {  	v0 =	vand.u32 $0x380, v0;
	v2 =	vadd.s32 v2, v3  }
0x36d: {  	v1 =	vand.u32 $0x7F, v56;
	v0 =	vor.u32 v0, v2  }
0x36e: {  	v59 =	vld [tilespmem:$0x40A0];
	v0 =	vor.u32 v1, v0;
	_ =	sdelay $0x4  }
0x36f: {  	[tilespmem:v0+s22+$0x0] =	vst.idx.msk $0xffff, v59  }
0x370: {  	v0 =	vld [tilespmem:$0x26B0]  }
0x371: {  	v60 =	vld [tilespmem:$0x33B0];
	_ =	sdelay $0x4  }
0x372: {  	v61 =	vshll.u32 v0, $0x8;
	v62 =	vshll.u32 v60, $0x3  }
0x373: {  	v0 =	vshll.u32 v0, $0x7;
	v2 =	vand.u32 $0xFFFFF800, v61;
	v3 =	vand.u32 $0xFFFFFC00, v62  }
0x374: {  	v0 =	vand.u32 $0x380, v0;
	v2 =	vadd.s32 v2, v3  }
0x375: {  	v1 =	vand.u32 $0x7F, v60;
	v0 =	vor.u32 v0, v2  }
0x376: {  	v63 =	vld [tilespmem:$0x40B0];
	v0 =	vor.u32 v1, v0;
	_ =	sdelay $0x1  }
.Ltmp10:
0x377: {  	s5 =	sadd.s32 $0x3, s16;
	(pc) =	sbr.rel @p0 .LBB2_20-.Ltmp10, $3  }
0x378: {  	s6 =	smul.u32 $0x700, s5;
	_ =	sdelay $0x1  }
0x379: {  	s6 =	sadd.s32 s2, s6;
	[tilespmem:v0+s22+$0x0] =	vst.idx.msk $0xffff, v63  }
0x37a: {  	[hbm4b:s6+s3] =	stream.linear.scatter [tilespmem:s22], [sflag:$0x8], $0x3800, $0x38;
	[tilespmem:$0x12100] =	vst v63  }
0x37b: {  	s5 =	smul.u32 $0xE000, s5  }
.Ltmp11:
0x37c: {  	_ = 	snop;
	(pc) =	sbr.rel .LBB2_2-.Ltmp11, $4  }
0x37d: {  	_ =	swait.ge [sflag:s31], $0x3800;
	s5 =	sshrl.u32 s5, $0x3  }
0x37e: {  	[sflag:s31] =	ssyncset.done $0x0;
	s5 =	sadd.s32 s4, s5  }
0x37f: {  	s1 =	sadd.s32 $0x1, s1;
	[sflag:s31] =	ssyncadd.s32 $0xFFFFC800;
	s5 =	sadd.s32 $0x8400, s5  }
0x380: {  	[tilespmem:s22], [sflag:$0x4] =	stream.linear.gather [hbm4b:s5+s3], $0x3800, $0x38;
	[tilespmem:$0x12100] =	vst v63  }
.LBB2_21:
0x381: {  	_ =	sfence.sel $0x180000  }
0x382: {  	[bflag:$0x0] =	sbarrier.arrive $0xFFFF  }
0x383: {  	_ =	strace $0x90000047  }
0x384: {  	s0 =	stileid.u32;
	[bflag:$0x2] =	sbarrier.arrive $0xFFFF  }
0x385: {  	p0 =	sne.s32 s0, $0x0;
	s0 =	rddreg [dreg:$0x2]  }
0x386: {  	s0 =	sadd.s32 @!p0 $0x100000, s0  }
0x387: {  	[sflag:s0] =	ssyncadd.tile.s32 @!p0 $0x1;
	_ =	shalt  }
.Lfunc_end2:
_tile_overlayer_lowered:
.L_overlay_start_2:
0x388: {  	(tag) =	ssettag $0x2  }
0x389: {  	s0 =	rddreg [dreg:$0x0];
	s2 =	stileid.u32  }
0x38a: {  	s1 =	rddreg [dreg:$0x1];
	p0 =	sne.s32 s2, $0x0  }
0x38b: {  	s3 =	rddreg [dreg:$0x2];
	[bflag:$0x3] =	sbarrier.arrive $0xFFFF;
	s2 =	simm.s32 @!p0 $0x1C09  }
0x38c: {  	[timem:s3], [sflag:s2] =	dma.local @!p0 [hbm:s0], s1  }
0x38d: {  	s0 =	simm.s32 @!p0 $0x9  }
0x38e: {  	_ =	swait.ge @!p0 [sflag:s0], s1  }
0x38f: {  	s1 =	ssub.s32 @!p0 $0x0, s1;
	[sflag:s0] =	ssyncset.done @!p0 $0x0  }
0x390: {  	[sflag:s0] =	ssyncadd.s32 @!p0 s1  }
0x391: {  	[bflag:$0x3] =	sbarrier.arrive $0xFFFF  }
0x392: {  	_ =	shalt  }

// kernel: sparse-core-data-format-call.cloned.1.call-start
scs
called_computation_lowered:
.L_overlay_start_0:
0x0: {  	s2 =	sld [smem:$0x3FD9]  }
0x1: {  	s3 =	sld [smem:$0x3FFE];
	_ =	sdelay $0x1  }
0x2: {  	s1 =	srdreg.scid  }
0x3: {  	s0 =	sand.u32 $0x1, s1  }
0x4: {  	s18 =	sshll.u32 s0, $0xA;
	s2 =	sadd.s32 s3, s2  }
0x5: {  	s2 =	sadd.s32 s2, s18  }
0x6: {  	[smem:$0x3FC7] =	sst s2  }
0x7: {  	_ = 	snop  }
0x8: {  	s2 =	sld [smem:$0x3FD0];
	(tm) =	ssettm $0x1  }
0x9: {  	s19 =	sld [smem:$0x3FFB];
	_ =	sdelay $0x3  }
0xa: {  	_ =	strace s19  }
0xb: {  	s3 =	sld [smem:$0x3FFC];
	_ =	sdelay $0x3  }
0xc: {  	_ =	strace s3  }
0xd: {  	s3 =	sld [smem:$0x3FFD];
	_ =	sdelay $0x3  }
0xe: {  	_ =	strace s3  }
0xf: {  	_ =	strace $0x8FFFFFFF  }
0x10: {  	s20 =	sld [smem:$0x3FDB];
	_ =	sdelay $0x1  }
0x11: {  	s4 =	simm.s32 $_scs_section_size  }
0x12: {  	s5 =	simm.s32 $_size__tile_overlayer_lowered;
	s6 =	simm.s32 $_tile_overlayer_lowered  }
0x13: {  	s23 =	simm.s32 $0x1BFF;
	s22 =	sshll.u32 s6, $0x1;
	s3 =	sadd.s32 s4, s20  }
0x14: {  	s7 =	simm.s32 $0x0;
	s21 =	sshll.u32 s5, $0x1;
	s5 =	sadd.s32 s22, s3  }
0x15: {  	[timem:s7], [sflag:s23] =	dma.local [hbm:s5], s21  }
0x16: {  	_ =	swait.ge [sflag:s23], s21  }
0x17: {  	s4 =	ssub.s32 $0x0, s21;
	[sflag:s23] =	ssyncset.done $0x0  }
0x18: {  	[sflag:s23] =	ssyncadd.s32 s4;
	_ =	sdelay $0x1  }
0x19: {  	s24 =	simm.s32 $0x1B8B  }
0x1a: {  	_ =	swait.ge [sflag:s24], $0x1  }
0x1b: {  	[sflag:s24] =	ssyncset.done $0x0  }
0x1c: {  	s26 =	simm.s32 $0x1B8E;
	s25 =	sld [smem:$0x3FFE];
	[sflag:s24] =	ssyncadd.s32 $0xFFFFFFFF  }
0x1d: {  	s27 =	simm.s32 $execute0_lowered;
	[smem:$0x3FD2] =	sst s26  }
0x1e: {  	s5 =	sshll.u32 s27, $0x1;
	_ =	strace $0x80000049;
	[dreg:$0x1] =	wrdreg $0xFFFFFFFF  }
0x1f: {  	s28 =	simm.s32 $_size_execute0_lowered;
	s3 =	sadd.s32 s3, s5;
	[dreg:$0x0] =	wrdreg $0x0  }
0x20: {  	s5 =	sshll.u32 s28, $0x1;
	[dreg:$0x2] =	wrdreg s3  }
0x21: {  	[dreg:$0x3] =	wrdreg s5  }
0x22: {  	[dreg:$0x4] =	wrdreg $0xC0  }
0x23: {  	_ =	task [dreg:s7], $0x5FFFF  }
0x24: {  	[dreg:$0x1] =	wrdreg $0xFFFFFFFF  }
0x25: {  	[dreg:$0x0] =	wrdreg $0x60  }
0x26: {  	[dreg:$0x2] =	wrdreg s25  }
0x27: {  	[dreg:$0x3] =	wrdreg s2  }
0x28: {  	[dreg:$0x4] =	wrdreg $0x9  }
0x29: {  	_ =	task.clear_ibuf [dreg:s7], $0x5FFFF;
	_ =	strace $0x90000049  }
0x2a: {  	s29 =	simm.s32 $0x9;
	_ =	strace $0x8000004B  }
0x2b: {  	_ =	swait.ge [sflag:s29], $0x1  }
0x2c: {  	[sflag:s29] =	ssyncadd.s32 $0xFFFFFFFF  }
0x2d: {  	_ =	strace $0x9000004B  }
0x2e: {  	_ =	sfence  }
0x2f: {  	s30 =	sld [smem:$0x0];
	_ =	sdelay $0x2  }
0x30: {  	s31 =	sshll.u32 s1, $0xD;
	s1 =	sshrl.u32 s1, $0x2  }
0x31: {  	s3 =	sand.u32 $0x4000, s31;
	s1 =	sadd.s32 s1, s30  }
0x32: {  	s0 =	sor.u32 s3, s0;
	s1 =	sshll.u32 s1, $0x11  }
0x33: {  	s0 =	sor.u32 s1, s0  }
0x34: {  	s0 =	sadd.s32 $0x8F2B, s0  }
0x35: {  	[sflag:s0] =	ssyncadd.remote.s32 $0x1  }
0x36: {  	_ =	sfence.sel $0xFFFF  }
0x37: {  	[dreg:$0x0] =	wrdreg $0xFFFFFFFF;
	(pc) =	sbr.abs _section_cstart, $3  }
0x38: {  	[dreg:$0x1] =	wrdreg $0xFFFFFFFF  }
0x39: {  	_ =	task.clear_ibuf [dreg:s7], $0x2FFFF;
	_ =	strace $0x9FFFFFFF  }
0x3a: {  	(tm) =	ssettm $0x7FFFFFFF  }
0x3b: {  	_ =	shalt  }
tec
execute0_lowered:
.L_overlay_start_1:
0x0: {  	(tag) =	ssettag $0x1  }
0x1: {  	s4 =	rddreg [dreg:$0x0];
	s0 =	stileid.u32;
	_ =	strace $0x8000004A  }
0x2: {  	s5 =	srdreg.scid;
	s8 =	simm.s32 $0x2;
	s19 =	simm.s32 $0x0  }
0x3: {  	p0 =	por $0x0, $0x0;
	s9 =	simm.s32 $0xC00;
	s21 =	simm.s32 $0x0  }
0x4: {  	s20 =	simm.s32 $0x0;
	s22 =	simm.s32 $0x0;
	s10 =	simm.s32 $0x0  }
0x5: {  	s11 =	simm.s32 $0x0;
	s12 =	simm.s32 $0x0;
	s2 =	simm.s32 $0x0  }
0x6: {  	s14 =	simm.s32 $0x0;
	s16 =	simm.s32 $0x0;
	s3 =	sand.u32 $0x1, s0  }
0x7: {  	s18 =	simm.s32 $0x0;
	s5 =	sshll.u32 s5, $0x4;
	s6 =	ssub.s32 $0x2, s3  }
.Ltmp0:
0x8: {  	s7 =	sshrl.u32 s6, $0x1;
	s6 =	sand.u32 $0x1, s6;
	(pc) =	sbr.rel .LBB1_1-.Ltmp0, $4  }
0x9: {  	s4 =	sadd.s32 $0x541000, s4;
	s5 =	sand.u32 $0x10, s5;
	s6 =	sadd.s32 s6, s7  }
0xa: {  	s31 =	sor.u32 s0, s5;
	s5 =	simm.s32 $0x1;
	s6 =	smul.u32 $0x54, s6  }
0xb: {  	s17 =	smov.u32 s3;
	s7 =	sshrl.u32 s31, $0x1;
	[sflag:s5] =	ssyncpa.u1 $0x0  }
0xc: {  	[sflag:s8] =	ssyncpa.u1 $0x0;
	s15 =	smov.u32 s7;
	s8 =	sor.u32 $0x1, s6  }
.LBB1_4:
0xd: {  	s28 =	sshrl.u32 s10, $0x3;
	s29 =	sshll.u32 s12, $0x3;
	[tilespmem:s26+$0x2040 ss:$0x81] =	vst.msk $0xffff, v4  }
0xe: {  	s30 =	sshll.u32 s10, $0x7;
	p1 =	sgt.s32 s2, $0x1;
	p2 =	sgt.s32 s11, $0xDF;
	[tilespmem:s26+$0x2850 ss:$0x81] =	vst.msk $0xffff, v3  }
0xf: {  	s31 =	sshra.s32 s11, $0x1F;
	s0 =	sshra.s32 s2, $0x1F;
	s1 =	sshra.s32 s12, $0x1F;
	[tilespmem:s26+$0x3060 ss:$0x81] =	vst.msk $0xffff, v2  }
0x10: {  	s27 =	sshra.s32 s27, $0x2;
	[tilespmem:s26+$0x0 ss:$0x81] =	vst.msk $0xffff, v1;
	s26 =	smov.u32 s10;
	s28 =	smul.u32 $0xC00, s28  }
0x11: {  	s29 =	sand.u32 $0xFFFFFC00, s29;
	s13 =	sand.u32 $0x380, s30;
	s30 =	sand.u32 $0x7F, s12  }
0x12: {  	s31 =	sand.u32 s31, s11;
	s0 =	sand.u32 s0, s2;
	s1 =	sand.u32 s1, s12  }
0x13: {  	s25 =	sadd.s32 s27, s25;
	s28 =	sadd.s32 s29, s28;
	s29 =	smov.u32 s11  }
0x14: {  	s28 =	sor.u32 s13, s28;
	s29 =	simm.s32 @!p2 $0xDF;
	p2 =	sgt.s32 s12, $0x100  }
0x15: {  	s13 =	smov.u32 s2;
	s29 =	ssub.s32 s29, s31;
	s31 =	smov.u32 s12  }
0x16: {  	s0 =	sxor.u32 $0xFFFFFFFF, s0;
	s13 =	simm.s32 @!p1 $0x1;
	s31 =	simm.s32 @!p2 $0x100  }
0x17: {  	s0 =	sadd.s32 s0, s13;
	s13 =	sadd.s32 $0xFFFFFF21, s29;
	s29 =	ssub.s32 $0xE0, s29  }
0x18: {  	s1 =	ssub.s32 s31, s1;
	p2 =	sgt.s32 s13, $0x0;
	s13 =	sor.u32 s30, s28  }
0x19: {  	p3 =	sgt.s32 s0, $0x0;
	s0 =	ssub.s32 $0x1, s0;
	s28 =	smulhi.u32 $0xAAAAAAAB, s28  }
0x1a: {  	s31 =	sadd.s32 $0xFFFFFF00, s1;
	s30 =	smulhi.u32 $0xAAAAAAAB, s13;
	s0 =	simm.s32 @p3 $0x0  }
0x1b: {  	v5 =	vld [tilespmem:s24+$0xFFFFFFD0];
	s29 =	simm.s32 @p2 $0x0;
	s1 =	ssub.s32 $0x180, s1;
	s28 =	sshrl.u32 s28, $0x8  }
0x1c: {  	v58 =	vld [tilespmem:s24+$0xFFFFFFE0];
	p1 =	sgt.s32 s31, $0x7F;
	s30 =	sshrl.u32 s30, $0x8;
	s27 =	smulhi.u32 $0x124924A, s28  }
0x1d: {  	v59 =	vld [tilespmem:s24+$0xFFFFFFF0];
	s1 =	simm.s32 @p1 $0x0;
	p1 =	sgt.s32 s10, $0x60;
	s30 =	smul.u32 $0x180, s30  }
0x1e: {  	v60 =	vld [tilespmem:s24+$0x0];
	s31 =	sshra.s32 s10, $0x1F;
	s0 =	smul.u32 s0, s1;
	s26 =	simm.s32 @!p1 $0x60  }
0x1f: {  	v61 =	vld [tilespmem:s24+$0x10];
	[tilespmem:s25+$0x3870 ss:$0x81] =	vst.msk $0xffff, v0;
	s1 =	sand.u32 s31, s10;
	s31 =	rddreg [dreg:$0x1];
	s27 =	smul.u32 $0xE0, s27  }
0x20: {  	v62 =	vld [tilespmem:s24+$0x20];
	[tilespmem:s25+$0x810 ss:$0x81] =	vst.msk $0xffff, v5;
	s1 =	ssub.s32 s26, s1;
	s13 =	ssub.s32 s13, s30;
	s0 =	smul.u32 s29, s0  }
0x21: {  	v63 =	vld [tilespmem:s24+$0xFFFFFFC0];
	[tilespmem:s25+$0x1020 ss:$0x81] =	vst.msk $0xffff, v58;
	s26 =	sadd.s32 $0xFFFFFFA0, s1;
	s29 =	smul.u32 $0x24C000, s2;
	s1 =	ssub.s32 $0xE0, s1  }
0x22: {  	[tilespmem:s25+$0x1830 ss:$0x81] =	vst.msk $0xffff, v59;
	s30 =	smul.u32 $0x2A00, s11;
	s28 =	ssub.s32 s28, s27;
	p1 =	sgt.s32 s26, $0x7F  }
0x23: {  	[tilespmem:s25+$0x2040 ss:$0x81] =	vst.msk $0xffff, v60;
	s1 =	simm.s32 @p1 $0x0;
	s24 =	smul.u32 $0x30, s28;
	s27 =	sadd.s32 s31, s29  }
0x24: {  	[tilespmem:s25+$0x2850 ss:$0x81] =	vst.msk $0xffff, v61;
	s29 =	sand.u32 $0x7, s13;
	s0 =	smul.u32 s1, s0;
	s28 =	sadd.s32 s30, s27  }
0x25: {  	[tilespmem:s25+$0x3060 ss:$0x81] =	vst.msk $0xffff, v62;
	s13 =	sshrl.u32 s13, $0x3;
	s30 =	sshll.u32 s29, $0x12;
	s1 =	sadd.s32 s24, s28  }
0x26: {  	[tilespmem:s25+$0x0 ss:$0x81] =	vst.msk $0xffff, v63;
	s31 =	sor.u32 $0x400, s30;
	s0 =	sand.u32 $0x3FFFFFFF, s0;
	s1 =	sadd.s32 s13, s1  }
0x27: {  	[hbm4b:s1+s31] =	stream.strided.scatter [tilespmem:s23], [sflag:$0x2], s0, s9, s31, $0x20;
	[tilespmem:$0x10100] =	vst v63  }
.LBB1_5:
0x28: {  	p1 =	slt.u32 s18, $0x2;
	s1 =	smov.u32 s22  }
0x29: {  	s23 =	smov.u32 s15;
	s24 =	smov.u32 s16;
	s25 =	smov.u32 s17  }
0x2a: {  	p0 =	por !p0, !p0;
	p2 =	sgt.s32 @!p1 s22, $0x1;
	s0 =	sshra.s32 @!p1 s22, $0x1F  }
0x2b: {  	s13 =	sshra.s32 @!p1 s21, $0x1F;
	p2 =	por !p2, p1;
	s0 =	sand.u32 @!p1 s0, s22  }
0x2c: {  	s1 =	simm.s32 @p2 $0x1;
	s0 =	sxor.u32 @!p1 $0xFFFFFFFF, s0;
	p2 =	sgt.s32 @!p1 s21, $0xDF  }
0x2d: {  	s0 =	sadd.s32 @!p1 s0, s1;
	p2 =	por !p2, p1;
	s1 =	smov.u32 s21  }
0x2e: {  	s13 =	sand.u32 @!p1 s13, s21;
	p3 =	sgt.s32 @!p1 s0, $0x0;
	s1 =	simm.s32 @p2 $0xDF  }
0x2f: {  	s0 =	ssub.s32 @!p1 $0x1, s0;
	p2 =	por !p3, p1;
	s1 =	ssub.s32 @!p1 s1, s13  }
0x30: {  	s21 =	sshra.s32 @!p1 s20, $0x1F;
	s0 =	simm.s32 @!p2 $0x0;
	s13 =	sadd.s32 @!p1 $0xFFFFFF21, s1  }
0x31: {  	p2 =	sgt.s32 @!p1 s20, $0x100;
	s1 =	ssub.s32 @!p1 $0xE0, s1;
	p3 =	sgt.s32 @!p1 s13, $0x0  }
0x32: {  	p2 =	por !p2, p1;
	s13 =	smov.u32 s20;
	s20 =	sand.u32 @!p1 s21, s20  }
0x33: {  	s21 =	sshra.s32 @!p1 s19, $0x1F;
	s13 =	simm.s32 @p2 $0x100;
	p2 =	sgt.s32 @!p1 s19, $0x60  }
0x34: {  	p3 =	por !p3, p1;
	s13 =	ssub.s32 @!p1 s13, s20;
	p2 =	por !p2, p1  }
0x35: {  	s20 =	smov.u32 s19;
	s19 =	sand.u32 @!p1 s21, s19;
	s21 =	sadd.s32 @!p1 $0xFFFFFF00, s13  }
0x36: {  	s1 =	simm.s32 @!p3 $0x0;
	s20 =	simm.s32 @p2 $0x60;
	p2 =	sgt.s32 @!p1 s21, $0x7F  }
0x37: {  	s13 =	ssub.s32 @!p1 $0x180, s13;
	s19 =	ssub.s32 @!p1 s20, s19;
	p2 =	por !p2, p1  }
0x38: {  	s20 =	sadd.s32 @!p1 $0xFFFFFFA0, s19;
	s19 =	ssub.s32 @!p1 $0xE0, s19;
	s13 =	simm.s32 @!p2 $0x0  }
0x39: {  	p2 =	sgt.s32 @!p1 s20, $0x7F;
	s0 =	smul.u32 @!p1 s0, s13;
	s13 =	sadd.s32 $0x80, s14  }
0x3a: {  	s20 =	sadd.s32 $0x10, s15;
	p2 =	por !p2, p1;
	p3 =	sgt.s32 s13, $0xDF  }
0x3b: {  	s22 =	smov.u32 s2;
	s19 =	simm.s32 @!p2 $0x0;
	s23 =	smov.u32 @p3 s20  }
0x3c: {  	s0 =	smul.u32 @!p1 s1, s0;
	s1 =	sadd.s32 $0x80, s16;
	p2 =	sgt.s32 s23, $0xDF  }
0x3d: {  	s2 =	smov.u32 s17;
	s21 =	smov.u32 s11;
	s24 =	smov.u32 @p2 s1  }
0x3e: {  	s13 =	simm.s32 @p3 $0x0;
	s1 =	sadd.s32 $0x2, s17;
	p3 =	sgt.s32 s24, $0x17F  }
0x3f: {  	s11 =	smov.u32 s15;
	s20 =	smov.u32 s12;
	s25 =	smov.u32 @p3 s1  }
0x40: {  	s12 =	smov.u32 s16;
	s23 =	smov.u32 @p2 s7;
	p2 =	sgt.s32 s25, $0x1  }
0x41: {  	s0 =	smul.u32 @!p1 s19, s0;
	s25 =	smov.u32 @p2 s3;
	p2 =	sne.s32 s18, s8  }
.Ltmp1:
0x42: {  	s19 =	smov.u32 s10;
	s10 =	smov.u32 s14;
	(pc) =	sbr.rel @!p2 .LBB1_6-.Ltmp1, $4  }
0x43: {  	s14 =	smov.u32 s13;
	s0 =	sand.u32 @!p1 $0x3FFFFFFF, s0;
	s1 =	simm.s32 @!p1 $0x2  }
0x44: {  	s15 =	smov.u32 s23;
	s24 =	simm.s32 @p3 $0x0;
	_ =	swait.ge @!p1 [sflag:s1], s0  }
0x45: {  	s0 =	ssub.s32 @!p1 $0x0, s0;
	s16 =	smov.u32 s24;
	[sflag:s1] =	ssyncset.done @!p1 $0x0  }
0x46: {  	s18 =	sadd.s32 $0x1, s18;
	[sflag:s1] =	ssyncadd.s32 @!p1 s0;
	s17 =	smov.u32 s25  }
.LBB1_1:
0x47: {  	p1 =	sge.u32 s18, s6  }
0x48: {  	s23 =	sshll.u32 @!p1 s15, $0x8;
	s24 =	sshll.u32 @!p1 s14, $0x3  }
0x49: {  	s25 =	sshll.u32 @!p1 s15, $0x7;
	s23 =	sand.u32 @!p1 $0xFFFFF800, s23;
	s24 =	sand.u32 @!p1 $0xFFFFFC00, s24  }
0x4a: {  	s23 =	sadd.s32 @!p1 s23, s24;
	s24 =	sand.u32 @!p1 $0x300, s25  }
0x4b: {  	s23 =	sor.u32 @!p1 s24, s23  }
0x4c: {  	s23 =	sshrl.u32 @!p1 s23, $0x8  }
0x4d: {  	s24 =	smulhi.u32 @!p1 $0x124924A, s23  }
0x4e: {  	s31 =	sadd.s32 $0xFFFFFFFF, s18;
	s26 =	sxor.u32 @!p1 $0xFFFFFFFF, s18;
	s28 =	smul.u32 @!p1 $0x2A0000, s17  }
0x4f: {  	s27 =	sand.u32 @!p1 $0x78, s14;
	s25 =	sand.u32 @!p1 $0x80, s25;
	s24 =	smul.u32 @!p1 $0xE0, s24  }
0x50: {  	s26 =	sshll.u32 @!p1 s26, $0xE;
	s25 =	sor.u32 @!p1 s27, s25;
	s27 =	smul.u32 @!p1 $0x1C00, s16  }
0x51: {  	s23 =	ssub.s32 @!p1 s23, s24;
	s24 =	sand.u32 @!p1 $0x4000, s26;
	s26 =	sadd.s32 @!p1 s4, s28  }
0x52: {  	s25 =	sshrl.u32 @!p1 s25, $0x3;
	s26 =	sadd.s32 @!p1 s27, s26;
	s27 =	sand.u32 @!p1 $0x7, s14  }
0x53: {  	s23 =	sshll.u32 @!p1 s23, $0x5;
	s25 =	sadd.s32 @!p1 s25, s26;
	s26 =	sshll.u32 @!p1 s27, $0x12  }
0x54: {  	s23 =	sadd.s32 @!p1 s23, s25;
	s25 =	sor.u32 @!p1 $0x80, s26;
	s26 =	simm.s32 @!p1 $0xE000  }
0x55: {  	[tilespmem:s24], [sflag:$0x1] =	stream.strided.gather @!p1 [hbm4b:s23+s25], $0x4000, s26, s25, $0x38;
	[tilespmem:$0x10100] =	vst v63  }
0x56: {  	p1 =	sge.u32 s31, s6  }
.Ltmp2:
0x57: {  	_ = 	snop;
	(pc) =	sbr.rel @p1 .LBB1_5-.Ltmp2, $1  }
0x58: {  	_ =	sdelay $0x3  }
0x59: {  	s23 =	simm.s32 $0x1  }
0x5a: {  	_ =	swait.ge [sflag:s5], $0x4000;
	s23 =	simm.s32 @!p0 $0x0  }
0x5b: {  	[sflag:s5] =	ssyncset.done $0x0;
	s24 =	sshll.u32 s23, $0xE  }
0x5c: {  	[sflag:s5] =	ssyncadd.s32 $0xFFFFC000;
	s24 =	sor.u32 $0x40, s24  }
0x5d: {  	s23 =	smul.u32 $0x10200, s23;
	v0 =	vld [tilespmem:s24+$0x30]  }
0x5e: {  	v1 =	vld [tilespmem:s24+$0xFFFFFFD0]  }
0x5f: {  	s23 =	sshrl.u32 s23, $0x2;
	v5 =	vld [tilespmem:s24+$0xFFFFFFE0]  }
0x60: {  	v6 =	vld [tilespmem:s24+$0xFFFFFFF0];
	s25 =	sor.u32 $0x8000, s23  }
0x61: {  	s31 =	sand.u32 $0x1, s18;
	v4 =	vld [tilespmem:s24+$0x0];
	s26 =	sadd.s32 $0x0, s25  }
0x62: {  	v3 =	vld [tilespmem:s24+$0x10];
	s23 =	smul.u32 $0x10200, s31;
	[tilespmem:s26+$0x3870 ss:$0x81] =	vst.msk $0xffff, v0  }
0x63: {  	v2 =	vld [tilespmem:s24+$0x20];
	[tilespmem:s26+$0x810 ss:$0x81] =	vst.msk $0xffff, v1  }
0x64: {  	s23 =	sshrl.u32 s23, $0x2;
	v1 =	vld [tilespmem:s24+$0xFFFFFFC0];
	[tilespmem:s26+$0x1020 ss:$0x81] =	vst.msk $0xffff, v5;
	s24 =	sadd.s32 $0x80, s24  }
0x65: {  	s27 =	simm.s32 $0x4;
	s28 =	simm.s32 $0x8;
	s23 =	sor.u32 $0x8000, s23;
	[tilespmem:s26+$0x1830 ss:$0x81] =	vst.msk $0xffff, v6;
	v0 =	vld [tilespmem:s24+$0x30]  }
.LBB1_3:
0x66: {  	p1 =	sne.s32 s28, $0x1FC;
	v5 =	vld [tilespmem:s24+$0xFFFFFFD0];
	[tilespmem:s26+$0x2040 ss:$0x81] =	vst.msk $0xffff, v4  }
0x67: {  	v6 =	vld [tilespmem:s24+$0xFFFFFFE0];
	[tilespmem:s26+$0x2850 ss:$0x81] =	vst.msk $0xffff, v3  }
0x68: {  	s29 =	sshra.s32 s27, $0x2;
	s27 =	smov.u32 s28;
	v7 =	vld [tilespmem:s24+$0xFFFFFFF0];
	[tilespmem:s26+$0x3060 ss:$0x81] =	vst.msk $0xffff, v2  }
.Ltmp3:
0x69: {  	v4 =	vld [tilespmem:s24+$0x0];
	[tilespmem:s26+$0x0 ss:$0x81] =	vst.msk $0xffff, v1;
	s26 =	sadd.s32 s29, s25;
	(pc) =	sbr.rel @p1 .LBB1_3-.Ltmp3, $4  }
0x6a: {  	v3 =	vld [tilespmem:s24+$0x10];
	[tilespmem:s26+$0x3870 ss:$0x81] =	vst.msk $0xffff, v0  }
0x6b: {  	[tilespmem:s26+$0x810 ss:$0x81] =	vst.msk $0xffff, v5;
	v2 =	vld [tilespmem:s24+$0x20]  }
0x6c: {  	v1 =	vld [tilespmem:s24+$0xFFFFFFC0];
	[tilespmem:s26+$0x1020 ss:$0x81] =	vst.msk $0xffff, v6;
	s24 =	sadd.s32 $0x80, s24  }
0x6d: {  	s28 =	sadd.s32 $0x4, s28;
	v0 =	vld [tilespmem:s24+$0x30];
	[tilespmem:s26+$0x1830 ss:$0x81] =	vst.msk $0xffff, v7  }
.Ltmp4:
0x6e: {  	_ = 	snop;
	(pc) =	sbr.rel .LBB1_4-.Ltmp4, $1  }
0x6f: {  	_ =	sdelay $0x3  }
.LBB1_6:
0x70: {  	_ =	sfence.sel $0x180000  }
0x71: {  	s0 =	simm.s32 $0x1;
	[bflag:$0x0] =	sbarrier.arrive $0xFFFF  }
0x72: {  	s30 =	simm.s32 $0x2;
	[sflag:s0] =	ssyncpa.u1 $0x1  }
0x73: {  	[sflag:s30] =	ssyncpa.u1 $0x1  }
0x74: {  	_ =	strace $0x9000004A  }
0x75: {  	s31 =	stileid.u32;
	[bflag:$0x2] =	sbarrier.arrive $0xFFFF  }
0x76: {  	p0 =	sne.s32 s31, $0x0;
	s0 =	rddreg [dreg:$0x2]  }
0x77: {  	s0 =	sadd.s32 @!p0 $0x100000, s0  }
0x78: {  	[sflag:s0] =	ssyncadd.tile.s32 @!p0 $0x1;
	_ =	shalt  }
.Lfunc_end1:
_tile_overlayer_lowered:
.L_overlay_start_2:
0x79: {  	(tag) =	ssettag $0x2  }
0x7a: {  	s0 =	rddreg [dreg:$0x0];
	s2 =	stileid.u32  }
0x7b: {  	s1 =	rddreg [dreg:$0x1];
	p0 =	sne.s32 s2, $0x0  }
0x7c: {  	s3 =	rddreg [dreg:$0x2];
	[bflag:$0x3] =	sbarrier.arrive $0xFFFF;
	s2 =	simm.s32 @!p0 $0x1C01  }
0x7d: {  	[timem:s3], [sflag:s2] =	dma.local @!p0 [hbm:s0], s1  }
0x7e: {  	s0 =	simm.s32 @!p0 $0x1  }
0x7f: {  	_ =	swait.ge @!p0 [sflag:s0], s1  }
0x80: {  	s1 =	ssub.s32 @!p0 $0x0, s1;
	[sflag:s0] =	ssyncset.done @!p0 $0x0  }
0x81: {  	[sflag:s0] =	ssyncadd.s32 @!p0 s1  }
0x82: {  	[bflag:$0x3] =	sbarrier.arrive $0xFFFF  }
0x83: {  	_ =	shalt  }

</sc_bundles>
